<compile_context>
chip_gen: v7x
topology: tpu7x:2x2x1
jax: 0.10.2.dev20260603
libtpu: 0.0.44.dev20260713+nightly
codegen_flags: <defaults>
</compile_context>

<pallas_src>
import functools

import jax
import jax.numpy as jnp
from jax import lax
from jax.experimental import pallas as pl
from jax.experimental.pallas import tpu as pltpu
from jax.experimental.pallas import tpu_sc as plsc

_BATCH = 4
_K = 32



def _fps_body(s, n, x_ref, y_ref, z_ref, idx_ref):
    b = x_ref.shape[0]
    x = x_ref[...]
    y = y_ref[...]
    z = z_ref[...]
    lane = jax.lax.broadcasted_iota(jnp.int32, (b, n), 1)

    def step(j, carry):
        dists, far, acc = carry
        mask = lane == far
        cx = jnp.sum(jnp.where(mask, x, 0.0), axis=1, keepdims=True)
        cy = jnp.sum(jnp.where(mask, y, 0.0), axis=1, keepdims=True)
        cz = jnp.sum(jnp.where(mask, z, 0.0), axis=1, keepdims=True)
        d = (x - cx) ** 2 + (y - cy) ** 2 + (z - cz) ** 2
        dists = jnp.minimum(dists, d)
        m = jnp.max(dists, axis=1, keepdims=True)
        nxt = jnp.min(jnp.where(dists == m, lane, n), axis=1, keepdims=True)
        acc = jnp.concatenate([acc[:, 1:], far], axis=1)
        return dists, nxt.astype(jnp.int32), acc

    init = (jnp.full((b, n), 1e10, jnp.float32), jnp.zeros((b, 1), jnp.int32),
            jnp.zeros((b, s), jnp.int32))
    _, _, acc = jax.lax.fori_loop(0, s, step, init)
    idx_ref[...] = acc


def _fps_pallas(pts, s):
    b, n, _ = pts.shape
    x = pts[:, :, 0]
    y = pts[:, :, 1]
    z = pts[:, :, 2]
    return pl.pallas_call(
        functools.partial(_fps_body, s, n),
        out_shape=jax.ShapeDtypeStruct((b, s), jnp.int32),
    )(x, y, z)



def _knn_body(n, k, ctr_ref, px_ref, py_ref, pz_ref, idx_ref):
    cb = ctr_ref.shape[1]
    cx = ctr_ref[0, :, 0:1]
    cy = ctr_ref[0, :, 1:2]
    cz = ctr_ref[0, :, 2:3]
    px = px_ref[0]
    py = py_ref[0]
    pz = pz_ref[0]
    d0 = (cx - px) ** 2 + (cy - py) ** 2 + (cz - pz) ** 2
    lane = jax.lax.broadcasted_iota(jnp.int32, (cb, n), 1)

    def step(i, carry):
        m_prev, j_prev, acc = carry
        valid = (d0 > m_prev) | ((d0 == m_prev) & (lane > j_prev))
        dm = jnp.where(valid, d0, jnp.float32(3.4e38))
        m = jnp.min(dm, axis=1, keepdims=True)
        j = jnp.min(jnp.where(dm == m, lane, n), axis=1, keepdims=True)
        ji = j.astype(jnp.int32)
        acc = jnp.concatenate([acc[:, 1:], ji], axis=1)
        return m, ji, acc

    init = (jnp.full((cb, 1), -3.4e38, jnp.float32),
            jnp.full((cb, 1), -1, jnp.int32),
            jnp.zeros((cb, k), jnp.int32))
    _, _, acc = jax.lax.fori_loop(0, k, step, init)
    idx_ref[0] = acc


def _knn_pallas(centers, pts, k):
    b, s, _ = centers.shape
    n = pts.shape[1]
    cb = min(s, 1024)
    px = pts[:, None, :, 0]
    py = pts[:, None, :, 1]
    pz = pts[:, None, :, 2]
    return pl.pallas_call(
        functools.partial(_knn_body, n, k),
        grid=(b, s // cb),
        in_specs=[
            pl.BlockSpec((1, cb, 3), lambda bi, si: (bi, si, 0)),
            pl.BlockSpec((1, 1, n), lambda bi, si: (bi, 0, 0)),
            pl.BlockSpec((1, 1, n), lambda bi, si: (bi, 0, 0)),
            pl.BlockSpec((1, 1, n), lambda bi, si: (bi, 0, 0)),
        ],
        out_specs=pl.BlockSpec((1, cb, k), lambda bi, si: (bi, si, 0)),
        out_shape=jax.ShapeDtypeStruct((b, s, k), jnp.int32),
    )(centers, px, py, pz)



def _sc_gather(table, idx):
    rows, d = table.shape
    r_out = idx.shape[0]
    info = plsc.get_sparse_core_info()
    nw = info.num_cores * info.num_subcores
    nc_ax = info.num_cores
    rows_per_w = r_out // nw
    chunk = 1
    while chunk * 2 <= rows_per_w and chunk * 2 * d * 4 <= 320 * 1024:
        chunk *= 2
    n_chunks = rows_per_w // chunk
    mesh = plsc.VectorSubcoreMesh(core_axis_name="c", subcore_axis_name="s")

    @functools.partial(
        pl.kernel, mesh=mesh,
        compiler_params=pltpu.CompilerParams(use_tc_tiling_on_sc=False),
        out_type=jax.ShapeDtypeStruct((r_out, d), jnp.float32),
        scratch_types=[
            pltpu.VMEM((chunk,), jnp.int32),
            pltpu.VMEM((chunk, d), jnp.float32),
            pltpu.SemaphoreType.DMA,
        ],
    )
    def k(table_hbm, idx_hbm, out_hbm, idx_v, rows_v, sem):
        wid = lax.axis_index("s") * nc_ax + lax.axis_index("c")
        for c in range(n_chunks):
            base = wid * rows_per_w + c * chunk
            pltpu.sync_copy(idx_hbm.at[pl.ds(base, chunk)], idx_v)
            pltpu.async_copy(table_hbm.at[idx_v], rows_v, sem).wait()
            pltpu.sync_copy(rows_v, out_hbm.at[pl.ds(base, chunk)])

    return k(table, idx)



def _pass_body(npos, pool_k, has_prenorm, has_res, emit, has_mm, *refs):
    it = iter(refs)
    if has_prenorm:
        y_ref = next(it)
        stats_ref = next(it)
        gamma_ref = next(it)
        beta_ref = next(it)
    else:
        a_ref = next(it)
    if has_res:
        res_ref = next(it)
    if has_mm:
        w_ref = next(it)
        bias_ref = next(it)
    if emit:
        aout_ref = next(it)
    if has_mm:
        yout_ref = next(it)
        statsout_ref = next(it)

    if has_prenorm:
        mean = stats_ref[0:1, :] * (1.0 / npos)
        var = stats_ref[1:2, :] * (1.0 / npos) - mean * mean
        scale = gamma_ref[...] / jnp.sqrt(var + 1e-5)
        shift = beta_ref[...] - mean * scale
        a = y_ref[...] * scale + shift
        if has_res:
            a = a + res_ref[...]
        a = jnp.maximum(a, 0.0)
    else:
        a = a_ref[...]
    if pool_k:
        pc, c = a.shape
        a = jnp.max(a.reshape(pc // pool_k, pool_k, c), axis=1)
    if emit:
        aout_ref[...] = a
    if has_mm:
        def _trunc_bf16(v):
            u = jax.lax.bitcast_convert_type(v, jnp.uint32)
            u = jnp.bitwise_and(u, jnp.uint32(0xFFFF0000))
            return jax.lax.bitcast_convert_type(u, jnp.float32).astype(jnp.bfloat16)

        y = jnp.dot(_trunc_bf16(a), _trunc_bf16(w_ref[...]),
                    preferred_element_type=jnp.float32)
        y = y + bias_ref[...]
        yout_ref[...] = y
        st = jnp.concatenate(
            [jnp.sum(y, axis=0, keepdims=True),
             jnp.sum(y * y, axis=0, keepdims=True)], axis=0)

        @pl.when(pl.program_id(0) == 0)
        def _():
            statsout_ref[...] = st

        @pl.when(pl.program_id(0) != 0)
        def _():
            statsout_ref[...] += st


def _chunk_rows(n, cmax):
    if cmax <= 64:
        pc = 8192
    elif cmax <= 128:
        pc = 4096
    elif cmax <= 256:
        pc = 2048
    else:
        pc = 1024
    return min(n, pc)


def _mlp_pass(*, a=None, y=None, stats=None, gamma=None, beta=None,
              res=None, W=None, bias=None, pool=0, emit=False):
    has_prenorm = y is not None
    has_mm = W is not None
    src = y if has_prenorm else a
    n, cin = src.shape
    cout = W.shape[1] if has_mm else cin
    pc = _chunk_rows(n, max(cin, cout))
    grid = (n // pc,)
    n_out = n // pool if pool else n

    in_specs = []
    args = []
    if has_prenorm:
        in_specs += [
            pl.BlockSpec((pc, cin), lambda p: (p, 0)),
            pl.BlockSpec((2, cin), lambda p: (0, 0)),
            pl.BlockSpec((1, cin), lambda p: (0, 0)),
            pl.BlockSpec((1, cin), lambda p: (0, 0)),
        ]
        args += [y, stats, gamma.reshape(1, cin), beta.reshape(1, cin)]
    else:
        in_specs.append(pl.BlockSpec((pc, cin), lambda p: (p, 0)))
        args.append(a)
    if res is not None:
        in_specs.append(pl.BlockSpec((pc, cin), lambda p: (p, 0)))
        args.append(res)
    if has_mm:
        in_specs += [
            pl.BlockSpec((cin, cout), lambda p: (0, 0)),
            pl.BlockSpec((1, cout), lambda p: (0, 0)),
        ]
        args += [W, bias.reshape(1, cout)]

    out_shape = []
    out_specs = []
    if emit:
        out_shape.append(jax.ShapeDtypeStruct((n_out, cin), jnp.float32))
        out_specs.append(pl.BlockSpec((pc // pool if pool else pc, cin),
                                      lambda p: (p, 0)))
    if has_mm:
        out_shape.append(jax.ShapeDtypeStruct((n_out, cout), jnp.float32))
        out_specs.append(pl.BlockSpec((pc // pool if pool else pc, cout),
                                      lambda p: (p, 0)))
        out_shape.append(jax.ShapeDtypeStruct((2, cout), jnp.float32))
        out_specs.append(pl.BlockSpec((2, cout), lambda p: (0, 0)))

    out = pl.pallas_call(
        functools.partial(_pass_body, float(n), pool, has_prenorm,
                          res is not None, emit, has_mm),
        grid=grid,
        in_specs=in_specs,
        out_specs=out_specs,
        out_shape=out_shape,
    )(*args)
    return out


def _dense_stage(i, g_flat, params, oc):
    p = params
    t = 's%d_' % i
    y1, st1 = _mlp_pass(a=g_flat, W=p[t + 'tW'], bias=p[t + 'tb'])
    a1, y2, st2 = _mlp_pass(y=y1, stats=st1, gamma=p[t + 'tg'], beta=p[t + 'tbe'],
                            W=p[t + 'b10_W1'], bias=p[t + 'b10_b1'], emit=True)
    y3, st3 = _mlp_pass(y=y2, stats=st2, gamma=p[t + 'b10_g1'], beta=p[t + 'b10_be1'],
                        W=p[t + 'b10_W2'], bias=p[t + 'b10_b2'])
    r1, y4, st4 = _mlp_pass(y=y3, stats=st3, gamma=p[t + 'b10_g2'], beta=p[t + 'b10_be2'],
                            res=a1, W=p[t + 'b11_W1'], bias=p[t + 'b11_b1'], emit=True)
    y5, st5 = _mlp_pass(y=y4, stats=st4, gamma=p[t + 'b11_g1'], beta=p[t + 'b11_be1'],
                        W=p[t + 'b11_W2'], bias=p[t + 'b11_b2'])
    pooled, y6, st6 = _mlp_pass(y=y5, stats=st5, gamma=p[t + 'b11_g2'], beta=p[t + 'b11_be2'],
                                res=r1, pool=_K, emit=True,
                                W=p[t + 'b20_W1'], bias=p[t + 'b20_b1'])
    y7, st7 = _mlp_pass(y=y6, stats=st6, gamma=p[t + 'b20_g1'], beta=p[t + 'b20_be1'],
                        W=p[t + 'b20_W2'], bias=p[t + 'b20_b2'])
    r3, y8, st8 = _mlp_pass(y=y7, stats=st7, gamma=p[t + 'b20_g2'], beta=p[t + 'b20_be2'],
                            res=pooled, W=p[t + 'b21_W1'], bias=p[t + 'b21_b1'], emit=True)
    y9, st9 = _mlp_pass(y=y8, stats=st8, gamma=p[t + 'b21_g1'], beta=p[t + 'b21_be1'],
                        W=p[t + 'b21_W2'], bias=p[t + 'b21_b2'])
    (f_out,) = _mlp_pass(y=y9, stats=st9, gamma=p[t + 'b21_g2'], beta=p[t + 'b21_be2'],
                         res=r3, emit=True)
    return f_out



def _conv(x, W, b):
    return jnp.einsum('bcn,cd->bdn', x, W) + b[None, :, None]


def _bn(x, g, be):
    m = x.mean(axis=(0, 2), keepdims=True)
    v = x.var(axis=(0, 2), keepdims=True)
    return g[None, :, None] * (x - m) / jnp.sqrt(v + 1e-5) + be[None, :, None]


def _cbr(x, W, b, g, be):
    return jax.nn.relu(_bn(_conv(x, W, b), g, be))


def _res(x, p, pre):
    h = _cbr(x, p[pre + 'W1'], p[pre + 'b1'], p[pre + 'g1'], p[pre + 'be1'])
    h = _bn(_conv(h, p[pre + 'W2'], p[pre + 'b2']), p[pre + 'g2'], p[pre + 'be2'])
    return jax.nn.relu(h + x)


def _gather(x, idx):
    return jnp.take_along_axis(x, idx[..., None], axis=1)


def kernel(xyz, params):
    stages = 4
    k = _K
    embed = 32
    dim_ratio = [2, 2, 2, 2]
    samp_ratio = [2, 2, 2, 2]
    num_b1 = [2, 2, 2, 2]
    num_b2 = [2, 2, 2, 2]

    B = xyz.shape[0]
    n_points = xyz.shape[2]

    f = _cbr(xyz, params['emb_W'], params['emb_b'], params['emb_g'], params['emb_be'])
    f = params['emb_alpha'][None, :, None] * f + params['emb_beta'][None, :, None]
    cur = jnp.transpose(xyz, (0, 2, 1))
    xyz_list = [cur]
    f_list = [f]
    f_nc = jnp.transpose(f, (0, 2, 1))
    lc = embed
    n = n_points
    for i in range(stages):
        s = n // samp_ratio[i]
        oc = lc * dim_ratio[i]
        fidx = _fps_pallas(cur, s)
        xyz_s = _gather(cur, fidx)
        kidx = _knn_pallas(xyz_s, cur, k)
        f_s = _gather(f_nc, fidx)
        pad_w = (-(lc + 3)) % 16
        tab_parts = [f_nc, cur]
        if pad_w:
            tab_parts.append(jnp.zeros((B, n, pad_w), jnp.float32))
        tab = jnp.concatenate(tab_parts, axis=-1).reshape(B * n, lc + 3 + pad_w)
        flat_idx = (kidx + (jnp.arange(B, dtype=jnp.int32) * n)[:, None, None]
                    ).reshape(-1)
        g3 = _sc_gather(tab, flat_idx).reshape(B, s, k, lc + 3 + pad_w)
        f_g = g3[..., :lc]
        xyz_g = g3[..., lc:lc + 3]
        grouped = jnp.concatenate([f_g, xyz_g - xyz_s[:, :, None, :]], axis=-1)
        anchor = jnp.concatenate([f_s, jnp.zeros_like(xyz_s)], axis=-1)
        centered = grouped - anchor[:, :, None, :]
        std = jnp.std(centered.reshape(B, -1), axis=-1)[:, None, None, None]
        g = params['s%d_na' % i] * (centered / (std + 1e-5)) + params['s%d_nb' % i]
        _USE_XLA_DENSE = True
        if _USE_XLA_DENSE:
            x = jnp.transpose(g.reshape(B, s * k, lc + 3), (0, 2, 1))
            x = _cbr(x, params['s%d_tW' % i], params['s%d_tb' % i],
                     params['s%d_tg' % i], params['s%d_tbe' % i])
            for j in range(num_b1[i]):
                x = _res(x, params, 's%d_b1%d_' % (i, j))
            x = jnp.max(x.reshape(B, oc, s, k), axis=-1)
            for j in range(num_b2[i]):
                x = _res(x, params, 's%d_b2%d_' % (i, j))
            f_nc = jnp.transpose(x, (0, 2, 1))
        else:
            g_flat = g.reshape(B * s * k, lc + 3)
            f_out = _dense_stage(i, g_flat, params, oc)
            f_nc = f_out.reshape(B, s, oc)
        cur = xyz_s
        lc = oc
        n = s
        xyz_list.append(cur)
        f_list.append(jnp.transpose(f_nc, (0, 2, 1)))
    return tuple(xyz_list), tuple(f_list)

# --- scband reference (transcript-rebuilt; emitter-appended) ---
"""Pipeline reference for scband-encoder-76192719831233 (READ-ONLY COPY).

The authoritative reference and input builder live on the scoring server;
editing this copy changes nothing except your own understanding.
"""

import jax, jax.numpy as jnp
import numpy as np

BATCH = 4
N_POINTS = 2048
EMBED = 32
STAGES = 4
K = 32
DIM_RATIO = [2, 2, 2, 2]
SAMP_RATIO = [2, 2, 2, 2]
NUM_B1 = [2, 2, 2, 2]
NUM_B2 = [2, 2, 2, 2]


def _make_params():
    rng = np.random.RandomState(0)
    p = {}
    def lin(ci, co):
        return jnp.asarray((rng.randn(ci, co) / np.sqrt(ci)).astype(np.float32))
    def ones(c):
        return jnp.ones((c,), jnp.float32)
    def zeros(c):
        return jnp.zeros((c,), jnp.float32)
    p['emb_W'] = lin(3, EMBED); p['emb_b'] = zeros(EMBED)
    p['emb_g'] = ones(EMBED); p['emb_be'] = zeros(EMBED)
    p['emb_alpha'] = ones(EMBED); p['emb_beta'] = zeros(EMBED)
    lc = EMBED
    for i in range(STAGES):
        oc = lc * DIM_RATIO[i]
        p['s%d_na' % i] = ones(lc + 3); p['s%d_nb' % i] = zeros(lc + 3)
        p['s%d_tW' % i] = lin(lc + 3, oc); p['s%d_tb' % i] = zeros(oc)
        p['s%d_tg' % i] = ones(oc); p['s%d_tbe' % i] = zeros(oc)
        for tag, nb in (('b1', NUM_B1[i]), ('b2', NUM_B2[i])):
            for j in range(nb):
                pre = 's%d_%s%d_' % (i, tag, j)
                p[pre + 'W1'] = lin(oc, oc); p[pre + 'b1'] = zeros(oc)
                p[pre + 'g1'] = ones(oc); p[pre + 'be1'] = zeros(oc)
                p[pre + 'W2'] = lin(oc, oc); p[pre + 'b2'] = zeros(oc)
                p[pre + 'g2'] = ones(oc); p[pre + 'be2'] = zeros(oc)
        lc = oc
    return p


def _conv(x, W, b):
    return jnp.einsum('bcn,cd->bdn', x, W) + b[None, :, None]


def _bn(x, g, be):
    m = x.mean(axis=(0, 2), keepdims=True)
    v = x.var(axis=(0, 2), keepdims=True)
    return g[None, :, None] * (x - m) / jnp.sqrt(v + 1e-5) + be[None, :, None]


def _cbr(x, W, b, g, be):
    return jax.nn.relu(_bn(_conv(x, W, b), g, be))


def _res(x, p, pre):
    h = _cbr(x, p[pre + 'W1'], p[pre + 'b1'], p[pre + 'g1'], p[pre + 'be1'])
    h = _bn(_conv(h, p[pre + 'W2'], p[pre + 'b2']), p[pre + 'g2'], p[pre + 'be2'])
    return jax.nn.relu(h + x)


def _gather(x, idx):
    # x: [B, N, C], idx: [B, M] -> [B, M, C]
    return jnp.take_along_axis(x, idx[..., None], axis=1)


def _fps(pts, s):
    # farthest point sampling; pts: [B, N, 3] -> idx [B, s]
    B, N, _ = pts.shape
    def step(carry, _):
        dists, far = carry
        c = jnp.take_along_axis(pts, far[:, None, None], axis=1)  # [B,1,3]
        d = jnp.sum((pts - c) ** 2, axis=-1)
        dists = jnp.minimum(dists, d)
        nxt = jnp.argmax(dists, axis=-1).astype(jnp.int32)
        return (dists, nxt), far
    init = (jnp.full((B, N), 1e10, jnp.float32), jnp.zeros((B,), jnp.int32))
    _, idx = jax.lax.scan(step, init, None, length=s)
    return jnp.transpose(idx, (1, 0))


def _knn(centers, pts, k):
    # centers: [B, s, 3], pts: [B, N, 3] -> idx [B, s, k]
    d = jnp.sum((centers[:, :, None, :] - pts[:, None, :, :]) ** 2, axis=-1)
    _, idx = jax.lax.top_k(-d, k)
    return idx.astype(jnp.int32)


def _forward(xyz, params, idx_lists=None):
    B = xyz.shape[0]
    f = _cbr(xyz, params['emb_W'], params['emb_b'], params['emb_g'], params['emb_be'])
    f = params['emb_alpha'][None, :, None] * f + params['emb_beta'][None, :, None]
    cur = jnp.transpose(xyz, (0, 2, 1))  # [B, N, 3]
    xyz_list = [cur]
    f_list = [f]
    lc = EMBED
    n = N_POINTS
    for i in range(STAGES):
        s = n // SAMP_RATIO[i]
        oc = lc * DIM_RATIO[i]
        f_nc = jnp.transpose(f, (0, 2, 1))  # [B, n, lc]
        if idx_lists is None:
            fidx = _fps(cur, s)
            xyz_s = _gather(cur, fidx)
            kidx = _knn(xyz_s, cur, K)
        else:
            fidx, kidx = idx_lists[i]
            xyz_s = _gather(cur, fidx)
        f_s = _gather(f_nc, fidx)
        xyz_g = _gather(cur, kidx.reshape(B, -1)).reshape(B, s, K, 3)
        f_g = _gather(f_nc, kidx.reshape(B, -1)).reshape(B, s, K, lc)
        grouped = jnp.concatenate([f_g, xyz_g - xyz_s[:, :, None, :]], axis=-1)
        anchor = jnp.concatenate([f_s, jnp.zeros_like(xyz_s)], axis=-1)
        centered = grouped - anchor[:, :, None, :]
        std = jnp.std(centered.reshape(B, -1), axis=-1)[:, None, None, None]
        g = params['s%d_na' % i] * (centered / (std + 1e-5)) + params['s%d_nb' % i]
        x = jnp.transpose(g.reshape(B, s * K, lc + 3), (0, 2, 1))  # [B, lc+3, s*K]
        x = _cbr(x, params['s%d_tW' % i], params['s%d_tb' % i], params['s%d_tg' % i], params['s%d_tbe' % i])
        for j in range(NUM_B1[i]):
            x = _res(x, params, 's%d_b1%d_' % (i, j))
        x = jnp.max(x.reshape(B, oc, s, K), axis=-1)  # adaptive_max_pool1d over k
        for j in range(NUM_B2[i]):
            x = _res(x, params, 's%d_b2%d_' % (i, j))
        f = x
        cur = xyz_s
        lc = oc
        n = s
        xyz_list.append(cur)
        f_list.append(f)
    return tuple(xyz_list), tuple(f_list)


def setup_inputs(seed: int = 0):
    key = jax.random.key(seed)
    xyz = jax.random.normal(key, (BATCH, 3, N_POINTS), dtype=jnp.float32)
    return {'xyz': xyz, 'params': _make_params()}


def reference(xyz, params):
    return _forward(xyz, params)

if __name__ == "__main__":
    import jax
    _d = setup_inputs()
    print(jax.jit(kernel)(*tuple(_d.values())))

</pallas_src>

<mosaic_0001>
#map = affine_map<(d0, d1) -> (0, 0)>
#map1 = affine_map<(d0, d1) -> (0)>
module attributes {stable_mosaic.version = 14 : i64} {
  func.func @k(%arg0: i32, %arg1: i32, %arg2: memref<8192x48xf32, #tpu.memory_space<hbm>>, %arg3: memref<131072xi32, #tpu.memory_space<hbm>>, %arg4: memref<131072x48xf32, #tpu.memory_space<hbm>>, %arg5: memref<1024xi32, #tpu.memory_space<vmem>>, %arg6: memref<1024x48xf32, #tpu.memory_space<vmem>>, %arg7: memref<!tpu.dma_semaphore, #tpu.memory_space<semaphore_mem>>) attributes {dimension_semantics = [#tpu.dimension_semantics<core_parallel>, #tpu.dimension_semantics<subcore_parallel>], iteration_bounds = array<i64: 2, 16>, scalar_prefetch = 0 : i64, scratch_operands = 3 : i64, tpu.core_type = #tpu.core_type<sc_vector_subcore>, window_params = [{transform_indices = #map}, {transform_indices = #map1}, {transform_indices = #map}]} {
    %mul3A = arith.constant 2 : i32
    %mul3A_0 = arith.muli %arg1, %mul3A : i32
    %add3A = arith.addi %mul3A_0, %arg0 : i32
    %mul3A_1 = arith.constant 4096 : i32
    %mul3A_2 = arith.muli %add3A, %mul3A_1 : i32
    %add3A_3 = arith.constant 0 : i32
    %add3A_4 = arith.addi %mul3A_2, %add3A_3 : i32
    "tpu.region"() ({
      %run_scoped3A = tpu.sem_alloc : memref<!tpu.dma_semaphore, #tpu.memory_space<semaphore_mem>>
      %dma_start3A_39 = tpu.memref_slice %arg3[%add3A_4] : memref<131072xi32, #tpu.memory_space<hbm>> -> memref<1024xi32, #tpu.memory_space<hbm>>
      %dma_start3A_40 = tpu.memref_slice %arg3[%add3A_4] : memref<131072xi32, #tpu.memory_space<hbm>> -> memref<1024xi32, #tpu.memory_space<hbm>>
      tpu.enqueue_dma source(%dma_start3A_40 : memref<1024xi32, #tpu.memory_space<hbm>>) target(%arg5 : memref<1024xi32, #tpu.memory_space<vmem>>) target_semaphore(%run_scoped3A : memref<!tpu.dma_semaphore, #tpu.memory_space<semaphore_mem>>)
      %dma_wait3A_41 = tpu.memref_slice %arg3[%add3A_4] : memref<131072xi32, #tpu.memory_space<hbm>> -> memref<1024xi32, #tpu.memory_space<hbm>>
      %dma_wait3A_42 = tpu.memref_slice %arg3[%add3A_4] : memref<131072xi32, #tpu.memory_space<hbm>> -> memref<1024xi32, #tpu.memory_space<hbm>>
      tpu.wait_dma2 semaphore(%run_scoped3A : memref<!tpu.dma_semaphore, #tpu.memory_space<semaphore_mem>>) src(%dma_wait3A_42 : memref<1024xi32, #tpu.memory_space<hbm>>) dst(%arg5 : memref<1024xi32, #tpu.memory_space<vmem>>)
      tpu.yield
    }) : () -> ()
    %dma_start3A = arith.constant 0 : i32
    %dma_start3A_5 = arith.constant 0 : i32
    %dma_start3A_6 = tpu.memref_slice %arg2[%dma_start3A, %dma_start3A_5] : memref<8192x48xf32, #tpu.memory_space<hbm>> -> memref<8192x48xf32, #tpu.memory_space<hbm>>
    tpu.enqueue_indirect_dma source(%dma_start3A_6 : memref<8192x48xf32, #tpu.memory_space<hbm>>) target(%arg6 : memref<1024x48xf32, #tpu.memory_space<vmem>>) offsets(%arg5 : memref<1024xi32, #tpu.memory_space<vmem>>) semaphore(%arg7 : memref<!tpu.dma_semaphore, #tpu.memory_space<semaphore_mem>>)
    %dma_wait3A = arith.constant 0 : i32
    %dma_wait3A_7 = arith.constant 0 : i32
    %dma_wait3A_8 = tpu.memref_slice %arg2[%dma_wait3A, %dma_wait3A_7] : memref<8192x48xf32, #tpu.memory_space<hbm>> -> memref<8192x48xf32, #tpu.memory_space<hbm>>
    tpu.wait_indirect_dma semaphore(%arg7 : memref<!tpu.dma_semaphore, #tpu.memory_space<semaphore_mem>>) src(%dma_wait3A_8 : memref<8192x48xf32, #tpu.memory_space<hbm>>) dst(%arg6 : memref<1024x48xf32, #tpu.memory_space<vmem>>)
    "tpu.region"() ({
      %run_scoped3A = tpu.sem_alloc : memref<!tpu.dma_semaphore, #tpu.memory_space<semaphore_mem>>
      %dma_start3A_39 = arith.constant 0 : i32
      %dma_start3A_40 = tpu.memref_slice %arg4[%add3A_4, %dma_start3A_39] : memref<131072x48xf32, #tpu.memory_space<hbm>> -> memref<1024x48xf32, #tpu.memory_space<hbm>>
      %dma_start3A_41 = arith.constant 0 : i32
      %dma_start3A_42 = tpu.memref_slice %arg4[%add3A_4, %dma_start3A_41] : memref<131072x48xf32, #tpu.memory_space<hbm>> -> memref<1024x48xf32, #tpu.memory_space<hbm>>
      tpu.enqueue_dma source(%arg6 : memref<1024x48xf32, #tpu.memory_space<vmem>>) target(%dma_start3A_42 : memref<1024x48xf32, #tpu.memory_space<hbm>>) target_semaphore(%run_scoped3A : memref<!tpu.dma_semaphore, #tpu.memory_space<semaphore_mem>>)
      %dma_wait3A_43 = arith.constant 0 : i32
      %dma_wait3A_44 = tpu.memref_slice %arg4[%add3A_4, %dma_wait3A_43] : memref<131072x48xf32, #tpu.memory_space<hbm>> -> memref<1024x48xf32, #tpu.memory_space<hbm>>
      %dma_wait3A_45 = arith.constant 0 : i32
      %dma_wait3A_46 = tpu.memref_slice %arg4[%add3A_4, %dma_wait3A_45] : memref<131072x48xf32, #tpu.memory_space<hbm>> -> memref<1024x48xf32, #tpu.memory_space<hbm>>
      tpu.wait_dma2 semaphore(%run_scoped3A : memref<!tpu.dma_semaphore, #tpu.memory_space<semaphore_mem>>) src(%arg6 : memref<1024x48xf32, #tpu.memory_space<vmem>>) dst(%dma_wait3A_46 : memref<1024x48xf32, #tpu.memory_space<hbm>>)
      tpu.yield
    }) : () -> ()
    %mul3A_9 = arith.constant 4096 : i32
    %mul3A_10 = arith.muli %add3A, %mul3A_9 : i32
    %add3A_11 = arith.constant 1024 : i32
    %add3A_12 = arith.addi %mul3A_10, %add3A_11 : i32
    "tpu.region"() ({
      %run_scoped3A = tpu.sem_alloc : memref<!tpu.dma_semaphore, #tpu.memory_space<semaphore_mem>>
      %dma_start3A_39 = tpu.memref_slice %arg3[%add3A_12] : memref<131072xi32, #tpu.memory_space<hbm>> -> memref<1024xi32, #tpu.memory_space<hbm>>
      %dma_start3A_40 = tpu.memref_slice %arg3[%add3A_12] : memref<131072xi32, #tpu.memory_space<hbm>> -> memref<1024xi32, #tpu.memory_space<hbm>>
      tpu.enqueue_dma source(%dma_start3A_40 : memref<1024xi32, #tpu.memory_space<hbm>>) target(%arg5 : memref<1024xi32, #tpu.memory_space<vmem>>) target_semaphore(%run_scoped3A : memref<!tpu.dma_semaphore, #tpu.memory_space<semaphore_mem>>)
      %dma_wait3A_41 = tpu.memref_slice %arg3[%add3A_12] : memref<131072xi32, #tpu.memory_space<hbm>> -> memref<1024xi32, #tpu.memory_space<hbm>>
      %dma_wait3A_42 = tpu.memref_slice %arg3[%add3A_12] : memref<131072xi32, #tpu.memory_space<hbm>> -> memref<1024xi32, #tpu.memory_space<hbm>>
      tpu.wait_dma2 semaphore(%run_scoped3A : memref<!tpu.dma_semaphore, #tpu.memory_space<semaphore_mem>>) src(%dma_wait3A_42 : memref<1024xi32, #tpu.memory_space<hbm>>) dst(%arg5 : memref<1024xi32, #tpu.memory_space<vmem>>)
      tpu.yield
    }) : () -> ()
    %dma_start3A_13 = arith.constant 0 : i32
    %dma_start3A_14 = arith.constant 0 : i32
    %dma_start3A_15 = tpu.memref_slice %arg2[%dma_start3A_13, %dma_start3A_14] : memref<8192x48xf32, #tpu.memory_space<hbm>> -> memref<8192x48xf32, #tpu.memory_space<hbm>>
    tpu.enqueue_indirect_dma source(%dma_start3A_15 : memref<8192x48xf32, #tpu.memory_space<hbm>>) target(%arg6 : memref<1024x48xf32, #tpu.memory_space<vmem>>) offsets(%arg5 : memref<1024xi32, #tpu.memory_space<vmem>>) semaphore(%arg7 : memref<!tpu.dma_semaphore, #tpu.memory_space<semaphore_mem>>)
    %dma_wait3A_16 = arith.constant 0 : i32
    %dma_wait3A_17 = arith.constant 0 : i32
    %dma_wait3A_18 = tpu.memref_slice %arg2[%dma_wait3A_16, %dma_wait3A_17] : memref<8192x48xf32, #tpu.memory_space<hbm>> -> memref<8192x48xf32, #tpu.memory_space<hbm>>
    tpu.wait_indirect_dma semaphore(%arg7 : memref<!tpu.dma_semaphore, #tpu.memory_space<semaphore_mem>>) src(%dma_wait3A_18 : memref<8192x48xf32, #tpu.memory_space<hbm>>) dst(%arg6 : memref<1024x48xf32, #tpu.memory_space<vmem>>)
    "tpu.region"() ({
      %run_scoped3A = tpu.sem_alloc : memref<!tpu.dma_semaphore, #tpu.memory_space<semaphore_mem>>
      %dma_start3A_39 = arith.constant 0 : i32
      %dma_start3A_40 = tpu.memref_slice %arg4[%add3A_12, %dma_start3A_39] : memref<131072x48xf32, #tpu.memory_space<hbm>> -> memref<1024x48xf32, #tpu.memory_space<hbm>>
      %dma_start3A_41 = arith.constant 0 : i32
      %dma_start3A_42 = tpu.memref_slice %arg4[%add3A_12, %dma_start3A_41] : memref<131072x48xf32, #tpu.memory_space<hbm>> -> memref<1024x48xf32, #tpu.memory_space<hbm>>
      tpu.enqueue_dma source(%arg6 : memref<1024x48xf32, #tpu.memory_space<vmem>>) target(%dma_start3A_42 : memref<1024x48xf32, #tpu.memory_space<hbm>>) target_semaphore(%run_scoped3A : memref<!tpu.dma_semaphore, #tpu.memory_space<semaphore_mem>>)
      %dma_wait3A_43 = arith.constant 0 : i32
      %dma_wait3A_44 = tpu.memref_slice %arg4[%add3A_12, %dma_wait3A_43] : memref<131072x48xf32, #tpu.memory_space<hbm>> -> memref<1024x48xf32, #tpu.memory_space<hbm>>
      %dma_wait3A_45 = arith.constant 0 : i32
      %dma_wait3A_46 = tpu.memref_slice %arg4[%add3A_12, %dma_wait3A_45] : memref<131072x48xf32, #tpu.memory_space<hbm>> -> memref<1024x48xf32, #tpu.memory_space<hbm>>
      tpu.wait_dma2 semaphore(%run_scoped3A : memref<!tpu.dma_semaphore, #tpu.memory_space<semaphore_mem>>) src(%arg6 : memref<1024x48xf32, #tpu.memory_space<vmem>>) dst(%dma_wait3A_46 : memref<1024x48xf32, #tpu.memory_space<hbm>>)
      tpu.yield
    }) : () -> ()
    %mul3A_19 = arith.constant 4096 : i32
    %mul3A_20 = arith.muli %add3A, %mul3A_19 : i32
    %add3A_21 = arith.constant 2048 : i32
    %add3A_22 = arith.addi %mul3A_20, %add3A_21 : i32
    "tpu.region"() ({
      %run_scoped3A = tpu.sem_alloc : memref<!tpu.dma_semaphore, #tpu.memory_space<semaphore_mem>>
      %dma_start3A_39 = tpu.memref_slice %arg3[%add3A_22] : memref<131072xi32, #tpu.memory_space<hbm>> -> memref<1024xi32, #tpu.memory_space<hbm>>
      %dma_start3A_40 = tpu.memref_slice %arg3[%add3A_22] : memref<131072xi32, #tpu.memory_space<hbm>> -> memref<1024xi32, #tpu.memory_space<hbm>>
      tpu.enqueue_dma source(%dma_start3A_40 : memref<1024xi32, #tpu.memory_space<hbm>>) target(%arg5 : memref<1024xi32, #tpu.memory_space<vmem>>) target_semaphore(%run_scoped3A : memref<!tpu.dma_semaphore, #tpu.memory_space<semaphore_mem>>)
      %dma_wait3A_41 = tpu.memref_slice %arg3[%add3A_22] : memref<131072xi32, #tpu.memory_space<hbm>> -> memref<1024xi32, #tpu.memory_space<hbm>>
      %dma_wait3A_42 = tpu.memref_slice %arg3[%add3A_22] : memref<131072xi32, #tpu.memory_space<hbm>> -> memref<1024xi32, #tpu.memory_space<hbm>>
      tpu.wait_dma2 semaphore(%run_scoped3A : memref<!tpu.dma_semaphore, #tpu.memory_space<semaphore_mem>>) src(%dma_wait3A_42 : memref<1024xi32, #tpu.memory_space<hbm>>) dst(%arg5 : memref<1024xi32, #tpu.memory_space<vmem>>)
      tpu.yield
    }) : () -> ()
    %dma_start3A_23 = arith.constant 0 : i32
    %dma_start3A_24 = arith.constant 0 : i32
    %dma_start3A_25 = tpu.memref_slice %arg2[%dma_start3A_23, %dma_start3A_24] : memref<8192x48xf32, #tpu.memory_space<hbm>> -> memref<8192x48xf32, #tpu.memory_space<hbm>>
    tpu.enqueue_indirect_dma source(%dma_start3A_25 : memref<8192x48xf32, #tpu.memory_space<hbm>>) target(%arg6 : memref<1024x48xf32, #tpu.memory_space<vmem>>) offsets(%arg5 : memref<1024xi32, #tpu.memory_space<vmem>>) semaphore(%arg7 : memref<!tpu.dma_semaphore, #tpu.memory_space<semaphore_mem>>)
    %dma_wait3A_26 = arith.constant 0 : i32
    %dma_wait3A_27 = arith.constant 0 : i32
    %dma_wait3A_28 = tpu.memref_slice %arg2[%dma_wait3A_26, %dma_wait3A_27] : memref<8192x48xf32, #tpu.memory_space<hbm>> -> memref<8192x48xf32, #tpu.memory_space<hbm>>
    tpu.wait_indirect_dma semaphore(%arg7 : memref<!tpu.dma_semaphore, #tpu.memory_space<semaphore_mem>>) src(%dma_wait3A_28 : memref<8192x48xf32, #tpu.memory_space<hbm>>) dst(%arg6 : memref<1024x48xf32, #tpu.memory_space<vmem>>)
    "tpu.region"() ({
      %run_scoped3A = tpu.sem_alloc : memref<!tpu.dma_semaphore, #tpu.memory_space<semaphore_mem>>
      %dma_start3A_39 = arith.constant 0 : i32
      %dma_start3A_40 = tpu.memref_slice %arg4[%add3A_22, %dma_start3A_39] : memref<131072x48xf32, #tpu.memory_space<hbm>> -> memref<1024x48xf32, #tpu.memory_space<hbm>>
      %dma_start3A_41 = arith.constant 0 : i32
      %dma_start3A_42 = tpu.memref_slice %arg4[%add3A_22, %dma_start3A_41] : memref<131072x48xf32, #tpu.memory_space<hbm>> -> memref<1024x48xf32, #tpu.memory_space<hbm>>
      tpu.enqueue_dma source(%arg6 : memref<1024x48xf32, #tpu.memory_space<vmem>>) target(%dma_start3A_42 : memref<1024x48xf32, #tpu.memory_space<hbm>>) target_semaphore(%run_scoped3A : memref<!tpu.dma_semaphore, #tpu.memory_space<semaphore_mem>>)
      %dma_wait3A_43 = arith.constant 0 : i32
      %dma_wait3A_44 = tpu.memref_slice %arg4[%add3A_22, %dma_wait3A_43] : memref<131072x48xf32, #tpu.memory_space<hbm>> -> memref<1024x48xf32, #tpu.memory_space<hbm>>
      %dma_wait3A_45 = arith.constant 0 : i32
      %dma_wait3A_46 = tpu.memref_slice %arg4[%add3A_22, %dma_wait3A_45] : memref<131072x48xf32, #tpu.memory_space<hbm>> -> memref<1024x48xf32, #tpu.memory_space<hbm>>
      tpu.wait_dma2 semaphore(%run_scoped3A : memref<!tpu.dma_semaphore, #tpu.memory_space<semaphore_mem>>) src(%arg6 : memref<1024x48xf32, #tpu.memory_space<vmem>>) dst(%dma_wait3A_46 : memref<1024x48xf32, #tpu.memory_space<hbm>>)
      tpu.yield
    }) : () -> ()
    %mul3A_29 = arith.constant 4096 : i32
    %mul3A_30 = arith.muli %add3A, %mul3A_29 : i32
    %add3A_31 = arith.constant 3072 : i32
    %add3A_32 = arith.addi %mul3A_30, %add3A_31 : i32
    "tpu.region"() ({
      %run_scoped3A = tpu.sem_alloc : memref<!tpu.dma_semaphore, #tpu.memory_space<semaphore_mem>>
      %dma_start3A_39 = tpu.memref_slice %arg3[%add3A_32] : memref<131072xi32, #tpu.memory_space<hbm>> -> memref<1024xi32, #tpu.memory_space<hbm>>
      %dma_start3A_40 = tpu.memref_slice %arg3[%add3A_32] : memref<131072xi32, #tpu.memory_space<hbm>> -> memref<1024xi32, #tpu.memory_space<hbm>>
      tpu.enqueue_dma source(%dma_start3A_40 : memref<1024xi32, #tpu.memory_space<hbm>>) target(%arg5 : memref<1024xi32, #tpu.memory_space<vmem>>) target_semaphore(%run_scoped3A : memref<!tpu.dma_semaphore, #tpu.memory_space<semaphore_mem>>)
      %dma_wait3A_41 = tpu.memref_slice %arg3[%add3A_32] : memref<131072xi32, #tpu.memory_space<hbm>> -> memref<1024xi32, #tpu.memory_space<hbm>>
      %dma_wait3A_42 = tpu.memref_slice %arg3[%add3A_32] : memref<131072xi32, #tpu.memory_space<hbm>> -> memref<1024xi32, #tpu.memory_space<hbm>>
      tpu.wait_dma2 semaphore(%run_scoped3A : memref<!tpu.dma_semaphore, #tpu.memory_space<semaphore_mem>>) src(%dma_wait3A_42 : memref<1024xi32, #tpu.memory_space<hbm>>) dst(%arg5 : memref<1024xi32, #tpu.memory_space<vmem>>)
      tpu.yield
    }) : () -> ()
    %dma_start3A_33 = arith.constant 0 : i32
    %dma_start3A_34 = arith.constant 0 : i32
    %dma_start3A_35 = tpu.memref_slice %arg2[%dma_start3A_33, %dma_start3A_34] : memref<8192x48xf32, #tpu.memory_space<hbm>> -> memref<8192x48xf32, #tpu.memory_space<hbm>>
    tpu.enqueue_indirect_dma source(%dma_start3A_35 : memref<8192x48xf32, #tpu.memory_space<hbm>>) target(%arg6 : memref<1024x48xf32, #tpu.memory_space<vmem>>) offsets(%arg5 : memref<1024xi32, #tpu.memory_space<vmem>>) semaphore(%arg7 : memref<!tpu.dma_semaphore, #tpu.memory_space<semaphore_mem>>)
    %dma_wait3A_36 = arith.constant 0 : i32
    %dma_wait3A_37 = arith.constant 0 : i32
    %dma_wait3A_38 = tpu.memref_slice %arg2[%dma_wait3A_36, %dma_wait3A_37] : memref<8192x48xf32, #tpu.memory_space<hbm>> -> memref<8192x48xf32, #tpu.memory_space<hbm>>
    tpu.wait_indirect_dma semaphore(%arg7 : memref<!tpu.dma_semaphore, #tpu.memory_space<semaphore_mem>>) src(%dma_wait3A_38 : memref<8192x48xf32, #tpu.memory_space<hbm>>) dst(%arg6 : memref<1024x48xf32, #tpu.memory_space<vmem>>)
    "tpu.region"() ({
      %run_scoped3A = tpu.sem_alloc : memref<!tpu.dma_semaphore, #tpu.memory_space<semaphore_mem>>
      %dma_start3A_39 = arith.constant 0 : i32
      %dma_start3A_40 = tpu.memref_slice %arg4[%add3A_32, %dma_start3A_39] : memref<131072x48xf32, #tpu.memory_space<hbm>> -> memref<1024x48xf32, #tpu.memory_space<hbm>>
      %dma_start3A_41 = arith.constant 0 : i32
      %dma_start3A_42 = tpu.memref_slice %arg4[%add3A_32, %dma_start3A_41] : memref<131072x48xf32, #tpu.memory_space<hbm>> -> memref<1024x48xf32, #tpu.memory_space<hbm>>
      tpu.enqueue_dma source(%arg6 : memref<1024x48xf32, #tpu.memory_space<vmem>>) target(%dma_start3A_42 : memref<1024x48xf32, #tpu.memory_space<hbm>>) target_semaphore(%run_scoped3A : memref<!tpu.dma_semaphore, #tpu.memory_space<semaphore_mem>>)
      %dma_wait3A_43 = arith.constant 0 : i32
      %dma_wait3A_44 = tpu.memref_slice %arg4[%add3A_32, %dma_wait3A_43] : memref<131072x48xf32, #tpu.memory_space<hbm>> -> memref<1024x48xf32, #tpu.memory_space<hbm>>
      %dma_wait3A_45 = arith.constant 0 : i32
      %dma_wait3A_46 = tpu.memref_slice %arg4[%add3A_32, %dma_wait3A_45] : memref<131072x48xf32, #tpu.memory_space<hbm>> -> memref<1024x48xf32, #tpu.memory_space<hbm>>
      tpu.wait_dma2 semaphore(%run_scoped3A : memref<!tpu.dma_semaphore, #tpu.memory_space<semaphore_mem>>) src(%arg6 : memref<1024x48xf32, #tpu.memory_space<vmem>>) dst(%dma_wait3A_46 : memref<1024x48xf32, #tpu.memory_space<hbm>>)
      tpu.yield
    }) : () -> ()
    return
  }
}

#map = affine_map<(d0, d1) -> (0, 0)>
#map1 = affine_map<(d0, d1) -> (0)>
module attributes {stable_mosaic.version = 14 : i64} {
  func.func @k(%arg0: i32, %arg1: i32, %arg2: memref<4096x80xf32, #tpu.memory_space<hbm>>, %arg3: memref<65536xi32, #tpu.memory_space<hbm>>, %arg4: memref<65536x80xf32, #tpu.memory_space<hbm>>, %arg5: memref<1024xi32, #tpu.memory_space<vmem>>, %arg6: memref<1024x80xf32, #tpu.memory_space<vmem>>, %arg7: memref<!tpu.dma_semaphore, #tpu.memory_space<semaphore_mem>>) attributes {dimension_semantics = [#tpu.dimension_semantics<core_parallel>, #tpu.dimension_semantics<subcore_parallel>], iteration_bounds = array<i64: 2, 16>, scalar_prefetch = 0 : i64, scratch_operands = 3 : i64, tpu.core_type = #tpu.core_type<sc_vector_subcore>, window_params = [{transform_indices = #map}, {transform_indices = #map1}, {transform_indices = #map}]} {
    %mul3A = arith.constant 2 : i32
    %mul3A_0 = arith.muli %arg1, %mul3A : i32
    %add3A = arith.addi %mul3A_0, %arg0 : i32
    %mul3A_1 = arith.constant 2048 : i32
    %mul3A_2 = arith.muli %add3A, %mul3A_1 : i32
    %add3A_3 = arith.constant 0 : i32
    %add3A_4 = arith.addi %mul3A_2, %add3A_3 : i32
    "tpu.region"() ({
      %run_scoped3A = tpu.sem_alloc : memref<!tpu.dma_semaphore, #tpu.memory_space<semaphore_mem>>
      %dma_start3A_19 = tpu.memref_slice %arg3[%add3A_4] : memref<65536xi32, #tpu.memory_space<hbm>> -> memref<1024xi32, #tpu.memory_space<hbm>>
      %dma_start3A_20 = tpu.memref_slice %arg3[%add3A_4] : memref<65536xi32, #tpu.memory_space<hbm>> -> memref<1024xi32, #tpu.memory_space<hbm>>
      tpu.enqueue_dma source(%dma_start3A_20 : memref<1024xi32, #tpu.memory_space<hbm>>) target(%arg5 : memref<1024xi32, #tpu.memory_space<vmem>>) target_semaphore(%run_scoped3A : memref<!tpu.dma_semaphore, #tpu.memory_space<semaphore_mem>>)
      %dma_wait3A_21 = tpu.memref_slice %arg3[%add3A_4] : memref<65536xi32, #tpu.memory_space<hbm>> -> memref<1024xi32, #tpu.memory_space<hbm>>
      %dma_wait3A_22 = tpu.memref_slice %arg3[%add3A_4] : memref<65536xi32, #tpu.memory_space<hbm>> -> memref<1024xi32, #tpu.memory_space<hbm>>
      tpu.wait_dma2 semaphore(%run_scoped3A : memref<!tpu.dma_semaphore, #tpu.memory_space<semaphore_mem>>) src(%dma_wait3A_22 : memref<1024xi32, #tpu.memory_space<hbm>>) dst(%arg5 : memref<1024xi32, #tpu.memory_space<vmem>>)
      tpu.yield
    }) : () -> ()
    %dma_start3A = arith.constant 0 : i32
    %dma_start3A_5 = arith.constant 0 : i32
    %dma_start3A_6 = tpu.memref_slice %arg2[%dma_start3A, %dma_start3A_5] : memref<4096x80xf32, #tpu.memory_space<hbm>> -> memref<4096x80xf32, #tpu.memory_space<hbm>>
    tpu.enqueue_indirect_dma source(%dma_start3A_6 : memref<4096x80xf32, #tpu.memory_space<hbm>>) target(%arg6 : memref<1024x80xf32, #tpu.memory_space<vmem>>) offsets(%arg5 : memref<1024xi32, #tpu.memory_space<vmem>>) semaphore(%arg7 : memref<!tpu.dma_semaphore, #tpu.memory_space<semaphore_mem>>)
    %dma_wait3A = arith.constant 0 : i32
    %dma_wait3A_7 = arith.constant 0 : i32
    %dma_wait3A_8 = tpu.memref_slice %arg2[%dma_wait3A, %dma_wait3A_7] : memref<4096x80xf32, #tpu.memory_space<hbm>> -> memref<4096x80xf32, #tpu.memory_space<hbm>>
    tpu.wait_indirect_dma semaphore(%arg7 : memref<!tpu.dma_semaphore, #tpu.memory_space<semaphore_mem>>) src(%dma_wait3A_8 : memref<4096x80xf32, #tpu.memory_space<hbm>>) dst(%arg6 : memref<1024x80xf32, #tpu.memory_space<vmem>>)
    "tpu.region"() ({
      %run_scoped3A = tpu.sem_alloc : memref<!tpu.dma_semaphore, #tpu.memory_space<semaphore_mem>>
      %dma_start3A_19 = arith.constant 0 : i32
      %dma_start3A_20 = tpu.memref_slice %arg4[%add3A_4, %dma_start3A_19] : memref<65536x80xf32, #tpu.memory_space<hbm>> -> memref<1024x80xf32, #tpu.memory_space<hbm>>
      %dma_start3A_21 = arith.constant 0 : i32
      %dma_start3A_22 = tpu.memref_slice %arg4[%add3A_4, %dma_start3A_21] : memref<65536x80xf32, #tpu.memory_space<hbm>> -> memref<1024x80xf32, #tpu.memory_space<hbm>>
      tpu.enqueue_dma source(%arg6 : memref<1024x80xf32, #tpu.memory_space<vmem>>) target(%dma_start3A_22 : memref<1024x80xf32, #tpu.memory_space<hbm>>) target_semaphore(%run_scoped3A : memref<!tpu.dma_semaphore, #tpu.memory_space<semaphore_mem>>)
      %dma_wait3A_23 = arith.constant 0 : i32
      %dma_wait3A_24 = tpu.memref_slice %arg4[%add3A_4, %dma_wait3A_23] : memref<65536x80xf32, #tpu.memory_space<hbm>> -> memref<1024x80xf32, #tpu.memory_space<hbm>>
      %dma_wait3A_25 = arith.constant 0 : i32
      %dma_wait3A_26 = tpu.memref_slice %arg4[%add3A_4, %dma_wait3A_25] : memref<65536x80xf32, #tpu.memory_space<hbm>> -> memref<1024x80xf32, #tpu.memory_space<hbm>>
      tpu.wait_dma2 semaphore(%run_scoped3A : memref<!tpu.dma_semaphore, #tpu.memory_space<semaphore_mem>>) src(%arg6 : memref<1024x80xf32, #tpu.memory_space<vmem>>) dst(%dma_wait3A_26 : memref<1024x80xf32, #tpu.memory_space<hbm>>)
      tpu.yield
    }) : () -> ()
    %mul3A_9 = arith.constant 2048 : i32
    %mul3A_10 = arith.muli %add3A, %mul3A_9 : i32
    %add3A_11 = arith.constant 1024 : i32
    %add3A_12 = arith.addi %mul3A_10, %add3A_11 : i32
    "tpu.region"() ({
      %run_scoped3A = tpu.sem_alloc : memref<!tpu.dma_semaphore, #tpu.memory_space<semaphore_mem>>
      %dma_start3A_19 = tpu.memref_slice %arg3[%add3A_12] : memref<65536xi32, #tpu.memory_space<hbm>> -> memref<1024xi32, #tpu.memory_space<hbm>>
      %dma_start3A_20 = tpu.memref_slice %arg3[%add3A_12] : memref<65536xi32, #tpu.memory_space<hbm>> -> memref<1024xi32, #tpu.memory_space<hbm>>
      tpu.enqueue_dma source(%dma_start3A_20 : memref<1024xi32, #tpu.memory_space<hbm>>) target(%arg5 : memref<1024xi32, #tpu.memory_space<vmem>>) target_semaphore(%run_scoped3A : memref<!tpu.dma_semaphore, #tpu.memory_space<semaphore_mem>>)
      %dma_wait3A_21 = tpu.memref_slice %arg3[%add3A_12] : memref<65536xi32, #tpu.memory_space<hbm>> -> memref<1024xi32, #tpu.memory_space<hbm>>
      %dma_wait3A_22 = tpu.memref_slice %arg3[%add3A_12] : memref<65536xi32, #tpu.memory_space<hbm>> -> memref<1024xi32, #tpu.memory_space<hbm>>
      tpu.wait_dma2 semaphore(%run_scoped3A : memref<!tpu.dma_semaphore, #tpu.memory_space<semaphore_mem>>) src(%dma_wait3A_22 : memref<1024xi32, #tpu.memory_space<hbm>>) dst(%arg5 : memref<1024xi32, #tpu.memory_space<vmem>>)
      tpu.yield
    }) : () -> ()
    %dma_start3A_13 = arith.constant 0 : i32
    %dma_start3A_14 = arith.constant 0 : i32
    %dma_start3A_15 = tpu.memref_slice %arg2[%dma_start3A_13, %dma_start3A_14] : memref<4096x80xf32, #tpu.memory_space<hbm>> -> memref<4096x80xf32, #tpu.memory_space<hbm>>
    tpu.enqueue_indirect_dma source(%dma_start3A_15 : memref<4096x80xf32, #tpu.memory_space<hbm>>) target(%arg6 : memref<1024x80xf32, #tpu.memory_space<vmem>>) offsets(%arg5 : memref<1024xi32, #tpu.memory_space<vmem>>) semaphore(%arg7 : memref<!tpu.dma_semaphore, #tpu.memory_space<semaphore_mem>>)
    %dma_wait3A_16 = arith.constant 0 : i32
    %dma_wait3A_17 = arith.constant 0 : i32
    %dma_wait3A_18 = tpu.memref_slice %arg2[%dma_wait3A_16, %dma_wait3A_17] : memref<4096x80xf32, #tpu.memory_space<hbm>> -> memref<4096x80xf32, #tpu.memory_space<hbm>>
    tpu.wait_indirect_dma semaphore(%arg7 : memref<!tpu.dma_semaphore, #tpu.memory_space<semaphore_mem>>) src(%dma_wait3A_18 : memref<4096x80xf32, #tpu.memory_space<hbm>>) dst(%arg6 : memref<1024x80xf32, #tpu.memory_space<vmem>>)
    "tpu.region"() ({
      %run_scoped3A = tpu.sem_alloc : memref<!tpu.dma_semaphore, #tpu.memory_space<semaphore_mem>>
      %dma_start3A_19 = arith.constant 0 : i32
      %dma_start3A_20 = tpu.memref_slice %arg4[%add3A_12, %dma_start3A_19] : memref<65536x80xf32, #tpu.memory_space<hbm>> -> memref<1024x80xf32, #tpu.memory_space<hbm>>
      %dma_start3A_21 = arith.constant 0 : i32
      %dma_start3A_22 = tpu.memref_slice %arg4[%add3A_12, %dma_start3A_21] : memref<65536x80xf32, #tpu.memory_space<hbm>> -> memref<1024x80xf32, #tpu.memory_space<hbm>>
      tpu.enqueue_dma source(%arg6 : memref<1024x80xf32, #tpu.memory_space<vmem>>) target(%dma_start3A_22 : memref<1024x80xf32, #tpu.memory_space<hbm>>) target_semaphore(%run_scoped3A : memref<!tpu.dma_semaphore, #tpu.memory_space<semaphore_mem>>)
      %dma_wait3A_23 = arith.constant 0 : i32
      %dma_wait3A_24 = tpu.memref_slice %arg4[%add3A_12, %dma_wait3A_23] : memref<65536x80xf32, #tpu.memory_space<hbm>> -> memref<1024x80xf32, #tpu.memory_space<hbm>>
      %dma_wait3A_25 = arith.constant 0 : i32
      %dma_wait3A_26 = tpu.memref_slice %arg4[%add3A_12, %dma_wait3A_25] : memref<65536x80xf32, #tpu.memory_space<hbm>> -> memref<1024x80xf32, #tpu.memory_space<hbm>>
      tpu.wait_dma2 semaphore(%run_scoped3A : memref<!tpu.dma_semaphore, #tpu.memory_space<semaphore_mem>>) src(%arg6 : memref<1024x80xf32, #tpu.memory_space<vmem>>) dst(%dma_wait3A_26 : memref<1024x80xf32, #tpu.memory_space<hbm>>)
      tpu.yield
    }) : () -> ()
    return
  }
}

#map = affine_map<(d0, d1) -> (0, 0)>
#map1 = affine_map<(d0, d1) -> (0)>
module attributes {stable_mosaic.version = 14 : i64} {
  func.func @k(%arg0: i32, %arg1: i32, %arg2: memref<1024x272xf32, #tpu.memory_space<hbm>>, %arg3: memref<16384xi32, #tpu.memory_space<hbm>>, %arg4: memref<16384x272xf32, #tpu.memory_space<hbm>>, %arg5: memref<256xi32, #tpu.memory_space<vmem>>, %arg6: memref<256x272xf32, #tpu.memory_space<vmem>>, %arg7: memref<!tpu.dma_semaphore, #tpu.memory_space<semaphore_mem>>) attributes {dimension_semantics = [#tpu.dimension_semantics<core_parallel>, #tpu.dimension_semantics<subcore_parallel>], iteration_bounds = array<i64: 2, 16>, scalar_prefetch = 0 : i64, scratch_operands = 3 : i64, tpu.core_type = #tpu.core_type<sc_vector_subcore>, window_params = [{transform_indices = #map}, {transform_indices = #map1}, {transform_indices = #map}]} {
    %mul3A = arith.constant 2 : i32
    %mul3A_0 = arith.muli %arg1, %mul3A : i32
    %add3A = arith.addi %mul3A_0, %arg0 : i32
    %mul3A_1 = arith.constant 512 : i32
    %mul3A_2 = arith.muli %add3A, %mul3A_1 : i32
    %add3A_3 = arith.constant 0 : i32
    %add3A_4 = arith.addi %mul3A_2, %add3A_3 : i32
    "tpu.region"() ({
      %run_scoped3A = tpu.sem_alloc : memref<!tpu.dma_semaphore, #tpu.memory_space<semaphore_mem>>
      %dma_start3A_19 = tpu.memref_slice %arg3[%add3A_4] : memref<16384xi32, #tpu.memory_space<hbm>> -> memref<256xi32, #tpu.memory_space<hbm>>
      %dma_start3A_20 = tpu.memref_slice %arg3[%add3A_4] : memref<16384xi32, #tpu.memory_space<hbm>> -> memref<256xi32, #tpu.memory_space<hbm>>
      tpu.enqueue_dma source(%dma_start3A_20 : memref<256xi32, #tpu.memory_space<hbm>>) target(%arg5 : memref<256xi32, #tpu.memory_space<vmem>>) target_semaphore(%run_scoped3A : memref<!tpu.dma_semaphore, #tpu.memory_space<semaphore_mem>>)
      %dma_wait3A_21 = tpu.memref_slice %arg3[%add3A_4] : memref<16384xi32, #tpu.memory_space<hbm>> -> memref<256xi32, #tpu.memory_space<hbm>>
      %dma_wait3A_22 = tpu.memref_slice %arg3[%add3A_4] : memref<16384xi32, #tpu.memory_space<hbm>> -> memref<256xi32, #tpu.memory_space<hbm>>
      tpu.wait_dma2 semaphore(%run_scoped3A : memref<!tpu.dma_semaphore, #tpu.memory_space<semaphore_mem>>) src(%dma_wait3A_22 : memref<256xi32, #tpu.memory_space<hbm>>) dst(%arg5 : memref<256xi32, #tpu.memory_space<vmem>>)
      tpu.yield
    }) : () -> ()
    %dma_start3A = arith.constant 0 : i32
    %dma_start3A_5 = arith.constant 0 : i32
    %dma_start3A_6 = tpu.memref_slice %arg2[%dma_start3A, %dma_start3A_5] : memref<1024x272xf32, #tpu.memory_space<hbm>> -> memref<1024x272xf32, #tpu.memory_space<hbm>>
    tpu.enqueue_indirect_dma source(%dma_start3A_6 : memref<1024x272xf32, #tpu.memory_space<hbm>>) target(%arg6 : memref<256x272xf32, #tpu.memory_space<vmem>>) offsets(%arg5 : memref<256xi32, #tpu.memory_space<vmem>>) semaphore(%arg7 : memref<!tpu.dma_semaphore, #tpu.memory_space<semaphore_mem>>)
    %dma_wait3A = arith.constant 0 : i32
    %dma_wait3A_7 = arith.constant 0 : i32
    %dma_wait3A_8 = tpu.memref_slice %arg2[%dma_wait3A, %dma_wait3A_7] : memref<1024x272xf32, #tpu.memory_space<hbm>> -> memref<1024x272xf32, #tpu.memory_space<hbm>>
    tpu.wait_indirect_dma semaphore(%arg7 : memref<!tpu.dma_semaphore, #tpu.memory_space<semaphore_mem>>) src(%dma_wait3A_8 : memref<1024x272xf32, #tpu.memory_space<hbm>>) dst(%arg6 : memref<256x272xf32, #tpu.memory_space<vmem>>)
    "tpu.region"() ({
      %run_scoped3A = tpu.sem_alloc : memref<!tpu.dma_semaphore, #tpu.memory_space<semaphore_mem>>
      %dma_start3A_19 = arith.constant 0 : i32
      %dma_start3A_20 = tpu.memref_slice %arg4[%add3A_4, %dma_start3A_19] : memref<16384x272xf32, #tpu.memory_space<hbm>> -> memref<256x272xf32, #tpu.memory_space<hbm>>
      %dma_start3A_21 = arith.constant 0 : i32
      %dma_start3A_22 = tpu.memref_slice %arg4[%add3A_4, %dma_start3A_21] : memref<16384x272xf32, #tpu.memory_space<hbm>> -> memref<256x272xf32, #tpu.memory_space<hbm>>
      tpu.enqueue_dma source(%arg6 : memref<256x272xf32, #tpu.memory_space<vmem>>) target(%dma_start3A_22 : memref<256x272xf32, #tpu.memory_space<hbm>>) target_semaphore(%run_scoped3A : memref<!tpu.dma_semaphore, #tpu.memory_space<semaphore_mem>>)
      %dma_wait3A_23 = arith.constant 0 : i32
      %dma_wait3A_24 = tpu.memref_slice %arg4[%add3A_4, %dma_wait3A_23] : memref<16384x272xf32, #tpu.memory_space<hbm>> -> memref<256x272xf32, #tpu.memory_space<hbm>>
      %dma_wait3A_25 = arith.constant 0 : i32
      %dma_wait3A_26 = tpu.memref_slice %arg4[%add3A_4, %dma_wait3A_25] : memref<16384x272xf32, #tpu.memory_space<hbm>> -> memref<256x272xf32, #tpu.memory_space<hbm>>
      tpu.wait_dma2 semaphore(%run_scoped3A : memref<!tpu.dma_semaphore, #tpu.memory_space<semaphore_mem>>) src(%arg6 : memref<256x272xf32, #tpu.memory_space<vmem>>) dst(%dma_wait3A_26 : memref<256x272xf32, #tpu.memory_space<hbm>>)
      tpu.yield
    }) : () -> ()
    %mul3A_9 = arith.constant 512 : i32
    %mul3A_10 = arith.muli %add3A, %mul3A_9 : i32
    %add3A_11 = arith.constant 256 : i32
    %add3A_12 = arith.addi %mul3A_10, %add3A_11 : i32
    "tpu.region"() ({
      %run_scoped3A = tpu.sem_alloc : memref<!tpu.dma_semaphore, #tpu.memory_space<semaphore_mem>>
      %dma_start3A_19 = tpu.memref_slice %arg3[%add3A_12] : memref<16384xi32, #tpu.memory_space<hbm>> -> memref<256xi32, #tpu.memory_space<hbm>>
      %dma_start3A_20 = tpu.memref_slice %arg3[%add3A_12] : memref<16384xi32, #tpu.memory_space<hbm>> -> memref<256xi32, #tpu.memory_space<hbm>>
      tpu.enqueue_dma source(%dma_start3A_20 : memref<256xi32, #tpu.memory_space<hbm>>) target(%arg5 : memref<256xi32, #tpu.memory_space<vmem>>) target_semaphore(%run_scoped3A : memref<!tpu.dma_semaphore, #tpu.memory_space<semaphore_mem>>)
      %dma_wait3A_21 = tpu.memref_slice %arg3[%add3A_12] : memref<16384xi32, #tpu.memory_space<hbm>> -> memref<256xi32, #tpu.memory_space<hbm>>
      %dma_wait3A_22 = tpu.memref_slice %arg3[%add3A_12] : memref<16384xi32, #tpu.memory_space<hbm>> -> memref<256xi32, #tpu.memory_space<hbm>>
      tpu.wait_dma2 semaphore(%run_scoped3A : memref<!tpu.dma_semaphore, #tpu.memory_space<semaphore_mem>>) src(%dma_wait3A_22 : memref<256xi32, #tpu.memory_space<hbm>>) dst(%arg5 : memref<256xi32, #tpu.memory_space<vmem>>)
      tpu.yield
    }) : () -> ()
    %dma_start3A_13 = arith.constant 0 : i32
    %dma_start3A_14 = arith.constant 0 : i32
    %dma_start3A_15 = tpu.memref_slice %arg2[%dma_start3A_13, %dma_start3A_14] : memref<1024x272xf32, #tpu.memory_space<hbm>> -> memref<1024x272xf32, #tpu.memory_space<hbm>>
    tpu.enqueue_indirect_dma source(%dma_start3A_15 : memref<1024x272xf32, #tpu.memory_space<hbm>>) target(%arg6 : memref<256x272xf32, #tpu.memory_space<vmem>>) offsets(%arg5 : memref<256xi32, #tpu.memory_space<vmem>>) semaphore(%arg7 : memref<!tpu.dma_semaphore, #tpu.memory_space<semaphore_mem>>)
    %dma_wait3A_16 = arith.constant 0 : i32
    %dma_wait3A_17 = arith.constant 0 : i32
    %dma_wait3A_18 = tpu.memref_slice %arg2[%dma_wait3A_16, %dma_wait3A_17] : memref<1024x272xf32, #tpu.memory_space<hbm>> -> memref<1024x272xf32, #tpu.memory_space<hbm>>
    tpu.wait_indirect_dma semaphore(%arg7 : memref<!tpu.dma_semaphore, #tpu.memory_space<semaphore_mem>>) src(%dma_wait3A_18 : memref<1024x272xf32, #tpu.memory_space<hbm>>) dst(%arg6 : memref<256x272xf32, #tpu.memory_space<vmem>>)
    "tpu.region"() ({
      %run_scoped3A = tpu.sem_alloc : memref<!tpu.dma_semaphore, #tpu.memory_space<semaphore_mem>>
      %dma_start3A_19 = arith.constant 0 : i32
      %dma_start3A_20 = tpu.memref_slice %arg4[%add3A_12, %dma_start3A_19] : memref<16384x272xf32, #tpu.memory_space<hbm>> -> memref<256x272xf32, #tpu.memory_space<hbm>>
      %dma_start3A_21 = arith.constant 0 : i32
      %dma_start3A_22 = tpu.memref_slice %arg4[%add3A_12, %dma_start3A_21] : memref<16384x272xf32, #tpu.memory_space<hbm>> -> memref<256x272xf32, #tpu.memory_space<hbm>>
      tpu.enqueue_dma source(%arg6 : memref<256x272xf32, #tpu.memory_space<vmem>>) target(%dma_start3A_22 : memref<256x272xf32, #tpu.memory_space<hbm>>) target_semaphore(%run_scoped3A : memref<!tpu.dma_semaphore, #tpu.memory_space<semaphore_mem>>)
      %dma_wait3A_23 = arith.constant 0 : i32
      %dma_wait3A_24 = tpu.memref_slice %arg4[%add3A_12, %dma_wait3A_23] : memref<16384x272xf32, #tpu.memory_space<hbm>> -> memref<256x272xf32, #tpu.memory_space<hbm>>
      %dma_wait3A_25 = arith.constant 0 : i32
      %dma_wait3A_26 = tpu.memref_slice %arg4[%add3A_12, %dma_wait3A_25] : memref<16384x272xf32, #tpu.memory_space<hbm>> -> memref<256x272xf32, #tpu.memory_space<hbm>>
      tpu.wait_dma2 semaphore(%run_scoped3A : memref<!tpu.dma_semaphore, #tpu.memory_space<semaphore_mem>>) src(%arg6 : memref<256x272xf32, #tpu.memory_space<vmem>>) dst(%dma_wait3A_26 : memref<256x272xf32, #tpu.memory_space<hbm>>)
      tpu.yield
    }) : () -> ()
    return
  }
}

#map = affine_map<(d0, d1) -> (0, 0)>
#map1 = affine_map<(d0, d1) -> (0)>
module attributes {stable_mosaic.version = 14 : i64} {
  func.func @k(%arg0: i32, %arg1: i32, %arg2: memref<2048x144xf32, #tpu.memory_space<hbm>>, %arg3: memref<32768xi32, #tpu.memory_space<hbm>>, %arg4: memref<32768x144xf32, #tpu.memory_space<hbm>>, %arg5: memref<512xi32, #tpu.memory_space<vmem>>, %arg6: memref<512x144xf32, #tpu.memory_space<vmem>>, %arg7: memref<!tpu.dma_semaphore, #tpu.memory_space<semaphore_mem>>) attributes {dimension_semantics = [#tpu.dimension_semantics<core_parallel>, #tpu.dimension_semantics<subcore_parallel>], iteration_bounds = array<i64: 2, 16>, scalar_prefetch = 0 : i64, scratch_operands = 3 : i64, tpu.core_type = #tpu.core_type<sc_vector_subcore>, window_params = [{transform_indices = #map}, {transform_indices = #map1}, {transform_indices = #map}]} {
    %mul3A = arith.constant 2 : i32
    %mul3A_0 = arith.muli %arg1, %mul3A : i32
    %add3A = arith.addi %mul3A_0, %arg0 : i32
    %mul3A_1 = arith.constant 1024 : i32
    %mul3A_2 = arith.muli %add3A, %mul3A_1 : i32
    %add3A_3 = arith.constant 0 : i32
    %add3A_4 = arith.addi %mul3A_2, %add3A_3 : i32
    "tpu.region"() ({
      %run_scoped3A = tpu.sem_alloc : memref<!tpu.dma_semaphore, #tpu.memory_space<semaphore_mem>>
      %dma_start3A_19 = tpu.memref_slice %arg3[%add3A_4] : memref<32768xi32, #tpu.memory_space<hbm>> -> memref<512xi32, #tpu.memory_space<hbm>>
      %dma_start3A_20 = tpu.memref_slice %arg3[%add3A_4] : memref<32768xi32, #tpu.memory_space<hbm>> -> memref<512xi32, #tpu.memory_space<hbm>>
      tpu.enqueue_dma source(%dma_start3A_20 : memref<512xi32, #tpu.memory_space<hbm>>) target(%arg5 : memref<512xi32, #tpu.memory_space<vmem>>) target_semaphore(%run_scoped3A : memref<!tpu.dma_semaphore, #tpu.memory_space<semaphore_mem>>)
      %dma_wait3A_21 = tpu.memref_slice %arg3[%add3A_4] : memref<32768xi32, #tpu.memory_space<hbm>> -> memref<512xi32, #tpu.memory_space<hbm>>
      %dma_wait3A_22 = tpu.memref_slice %arg3[%add3A_4] : memref<32768xi32, #tpu.memory_space<hbm>> -> memref<512xi32, #tpu.memory_space<hbm>>
      tpu.wait_dma2 semaphore(%run_scoped3A : memref<!tpu.dma_semaphore, #tpu.memory_space<semaphore_mem>>) src(%dma_wait3A_22 : memref<512xi32, #tpu.memory_space<hbm>>) dst(%arg5 : memref<512xi32, #tpu.memory_space<vmem>>)
      tpu.yield
    }) : () -> ()
    %dma_start3A = arith.constant 0 : i32
    %dma_start3A_5 = arith.constant 0 : i32
    %dma_start3A_6 = tpu.memref_slice %arg2[%dma_start3A, %dma_start3A_5] : memref<2048x144xf32, #tpu.memory_space<hbm>> -> memref<2048x144xf32, #tpu.memory_space<hbm>>
    tpu.enqueue_indirect_dma source(%dma_start3A_6 : memref<2048x144xf32, #tpu.memory_space<hbm>>) target(%arg6 : memref<512x144xf32, #tpu.memory_space<vmem>>) offsets(%arg5 : memref<512xi32, #tpu.memory_space<vmem>>) semaphore(%arg7 : memref<!tpu.dma_semaphore, #tpu.memory_space<semaphore_mem>>)
    %dma_wait3A = arith.constant 0 : i32
    %dma_wait3A_7 = arith.constant 0 : i32
    %dma_wait3A_8 = tpu.memref_slice %arg2[%dma_wait3A, %dma_wait3A_7] : memref<2048x144xf32, #tpu.memory_space<hbm>> -> memref<2048x144xf32, #tpu.memory_space<hbm>>
    tpu.wait_indirect_dma semaphore(%arg7 : memref<!tpu.dma_semaphore, #tpu.memory_space<semaphore_mem>>) src(%dma_wait3A_8 : memref<2048x144xf32, #tpu.memory_space<hbm>>) dst(%arg6 : memref<512x144xf32, #tpu.memory_space<vmem>>)
    "tpu.region"() ({
      %run_scoped3A = tpu.sem_alloc : memref<!tpu.dma_semaphore, #tpu.memory_space<semaphore_mem>>
      %dma_start3A_19 = arith.constant 0 : i32
      %dma_start3A_20 = tpu.memref_slice %arg4[%add3A_4, %dma_start3A_19] : memref<32768x144xf32, #tpu.memory_space<hbm>> -> memref<512x144xf32, #tpu.memory_space<hbm>>
      %dma_start3A_21 = arith.constant 0 : i32
      %dma_start3A_22 = tpu.memref_slice %arg4[%add3A_4, %dma_start3A_21] : memref<32768x144xf32, #tpu.memory_space<hbm>> -> memref<512x144xf32, #tpu.memory_space<hbm>>
      tpu.enqueue_dma source(%arg6 : memref<512x144xf32, #tpu.memory_space<vmem>>) target(%dma_start3A_22 : memref<512x144xf32, #tpu.memory_space<hbm>>) target_semaphore(%run_scoped3A : memref<!tpu.dma_semaphore, #tpu.memory_space<semaphore_mem>>)
      %dma_wait3A_23 = arith.constant 0 : i32
      %dma_wait3A_24 = tpu.memref_slice %arg4[%add3A_4, %dma_wait3A_23] : memref<32768x144xf32, #tpu.memory_space<hbm>> -> memref<512x144xf32, #tpu.memory_space<hbm>>
      %dma_wait3A_25 = arith.constant 0 : i32
      %dma_wait3A_26 = tpu.memref_slice %arg4[%add3A_4, %dma_wait3A_25] : memref<32768x144xf32, #tpu.memory_space<hbm>> -> memref<512x144xf32, #tpu.memory_space<hbm>>
      tpu.wait_dma2 semaphore(%run_scoped3A : memref<!tpu.dma_semaphore, #tpu.memory_space<semaphore_mem>>) src(%arg6 : memref<512x144xf32, #tpu.memory_space<vmem>>) dst(%dma_wait3A_26 : memref<512x144xf32, #tpu.memory_space<hbm>>)
      tpu.yield
    }) : () -> ()
    %mul3A_9 = arith.constant 1024 : i32
    %mul3A_10 = arith.muli %add3A, %mul3A_9 : i32
    %add3A_11 = arith.constant 512 : i32
    %add3A_12 = arith.addi %mul3A_10, %add3A_11 : i32
    "tpu.region"() ({
      %run_scoped3A = tpu.sem_alloc : memref<!tpu.dma_semaphore, #tpu.memory_space<semaphore_mem>>
      %dma_start3A_19 = tpu.memref_slice %arg3[%add3A_12] : memref<32768xi32, #tpu.memory_space<hbm>> -> memref<512xi32, #tpu.memory_space<hbm>>
      %dma_start3A_20 = tpu.memref_slice %arg3[%add3A_12] : memref<32768xi32, #tpu.memory_space<hbm>> -> memref<512xi32, #tpu.memory_space<hbm>>
      tpu.enqueue_dma source(%dma_start3A_20 : memref<512xi32, #tpu.memory_space<hbm>>) target(%arg5 : memref<512xi32, #tpu.memory_space<vmem>>) target_semaphore(%run_scoped3A : memref<!tpu.dma_semaphore, #tpu.memory_space<semaphore_mem>>)
      %dma_wait3A_21 = tpu.memref_slice %arg3[%add3A_12] : memref<32768xi32, #tpu.memory_space<hbm>> -> memref<512xi32, #tpu.memory_space<hbm>>
      %dma_wait3A_22 = tpu.memref_slice %arg3[%add3A_12] : memref<32768xi32, #tpu.memory_space<hbm>> -> memref<512xi32, #tpu.memory_space<hbm>>
      tpu.wait_dma2 semaphore(%run_scoped3A : memref<!tpu.dma_semaphore, #tpu.memory_space<semaphore_mem>>) src(%dma_wait3A_22 : memref<512xi32, #tpu.memory_space<hbm>>) dst(%arg5 : memref<512xi32, #tpu.memory_space<vmem>>)
      tpu.yield
    }) : () -> ()
    %dma_start3A_13 = arith.constant 0 : i32
    %dma_start3A_14 = arith.constant 0 : i32
    %dma_start3A_15 = tpu.memref_slice %arg2[%dma_start3A_13, %dma_start3A_14] : memref<2048x144xf32, #tpu.memory_space<hbm>> -> memref<2048x144xf32, #tpu.memory_space<hbm>>
    tpu.enqueue_indirect_dma source(%dma_start3A_15 : memref<2048x144xf32, #tpu.memory_space<hbm>>) target(%arg6 : memref<512x144xf32, #tpu.memory_space<vmem>>) offsets(%arg5 : memref<512xi32, #tpu.memory_space<vmem>>) semaphore(%arg7 : memref<!tpu.dma_semaphore, #tpu.memory_space<semaphore_mem>>)
    %dma_wait3A_16 = arith.constant 0 : i32
    %dma_wait3A_17 = arith.constant 0 : i32
    %dma_wait3A_18 = tpu.memref_slice %arg2[%dma_wait3A_16, %dma_wait3A_17] : memref<2048x144xf32, #tpu.memory_space<hbm>> -> memref<2048x144xf32, #tpu.memory_space<hbm>>
    tpu.wait_indirect_dma semaphore(%arg7 : memref<!tpu.dma_semaphore, #tpu.memory_space<semaphore_mem>>) src(%dma_wait3A_18 : memref<2048x144xf32, #tpu.memory_space<hbm>>) dst(%arg6 : memref<512x144xf32, #tpu.memory_space<vmem>>)
    "tpu.region"() ({
      %run_scoped3A = tpu.sem_alloc : memref<!tpu.dma_semaphore, #tpu.memory_space<semaphore_mem>>
      %dma_start3A_19 = arith.constant 0 : i32
      %dma_start3A_20 = tpu.memref_slice %arg4[%add3A_12, %dma_start3A_19] : memref<32768x144xf32, #tpu.memory_space<hbm>> -> memref<512x144xf32, #tpu.memory_space<hbm>>
      %dma_start3A_21 = arith.constant 0 : i32
      %dma_start3A_22 = tpu.memref_slice %arg4[%add3A_12, %dma_start3A_21] : memref<32768x144xf32, #tpu.memory_space<hbm>> -> memref<512x144xf32, #tpu.memory_space<hbm>>
      tpu.enqueue_dma source(%arg6 : memref<512x144xf32, #tpu.memory_space<vmem>>) target(%dma_start3A_22 : memref<512x144xf32, #tpu.memory_space<hbm>>) target_semaphore(%run_scoped3A : memref<!tpu.dma_semaphore, #tpu.memory_space<semaphore_mem>>)
      %dma_wait3A_23 = arith.constant 0 : i32
      %dma_wait3A_24 = tpu.memref_slice %arg4[%add3A_12, %dma_wait3A_23] : memref<32768x144xf32, #tpu.memory_space<hbm>> -> memref<512x144xf32, #tpu.memory_space<hbm>>
      %dma_wait3A_25 = arith.constant 0 : i32
      %dma_wait3A_26 = tpu.memref_slice %arg4[%add3A_12, %dma_wait3A_25] : memref<32768x144xf32, #tpu.memory_space<hbm>> -> memref<512x144xf32, #tpu.memory_space<hbm>>
      tpu.wait_dma2 semaphore(%run_scoped3A : memref<!tpu.dma_semaphore, #tpu.memory_space<semaphore_mem>>) src(%arg6 : memref<512x144xf32, #tpu.memory_space<vmem>>) dst(%dma_wait3A_26 : memref<512x144xf32, #tpu.memory_space<hbm>>)
      tpu.yield
    }) : () -> ()
    return
  }
}

module attributes {stable_mosaic.version = 14 : i64} {
  func.func @_fps_body(%arg0: memref<4x2048xf32, #tpu.memory_space<vmem>>, %arg1: memref<4x2048xf32, #tpu.memory_space<vmem>>, %arg2: memref<4x2048xf32, #tpu.memory_space<vmem>>, %arg3: memref<4x1024xi32, #tpu.memory_space<vmem>>) attributes {dimension_semantics = [], scalar_prefetch = 0 : i64, scratch_operands = 0 : i64, tpu.core_type = #tpu.core_type<tc>} {
    %get3A = arith.constant 0 : index
    %get3A_0 = arith.constant 0 : index
    %get3A_1 = vector.load %arg0[%get3A, %get3A_0] : memref<4x2048xf32, #tpu.memory_space<vmem>>, vector<4x2048xf32>
    %get3A_2 = arith.constant 0 : index
    %get3A_3 = arith.constant 0 : index
    %get3A_4 = vector.load %arg1[%get3A_2, %get3A_3] : memref<4x2048xf32, #tpu.memory_space<vmem>>, vector<4x2048xf32>
    %get3A_5 = arith.constant 0 : index
    %get3A_6 = arith.constant 0 : index
    %get3A_7 = vector.load %arg2[%get3A_5, %get3A_6] : memref<4x2048xf32, #tpu.memory_space<vmem>>, vector<4x2048xf32>
    %iota3A = tpu.iota {dimensions = array<i32: 1>} : vector<4x2048xi32>
    %broadcast_in_dim3A = arith.constant 1.000000e+10 : f32
    %broadcast_in_dim3A_8 = vector.broadcast %broadcast_in_dim3A : f32 to vector<4x2048xf32>
    %broadcast_in_dim3A_9 = arith.constant 0 : i32
    %broadcast_in_dim3A_10 = vector.broadcast %broadcast_in_dim3A_9 : i32 to vector<4x1xi32>
    %broadcast_in_dim3A_11 = arith.constant 0 : i32
    %broadcast_in_dim3A_12 = vector.broadcast %broadcast_in_dim3A_11 : i32 to vector<4x1024xi32>
    %scan3A = arith.constant 0 : i32
    %scan3A_13 = arith.constant 1024 : i32
    %scan3A_14 = arith.addi %scan3A, %scan3A_13 : i32
    %scan3A_15 = arith.constant 1 : i32
    %scan3A_16:3 = scf.for %scan3A_19 = %scan3A to %scan3A_14 step %scan3A_15 iter_args(%scan3A_20 = %broadcast_in_dim3A_8, %scan3A_21 = %broadcast_in_dim3A_10, %scan3A_22 = %broadcast_in_dim3A_12) -> (vector<4x2048xf32>, vector<4x1xi32>, vector<4x1024xi32>)  : i32 {
      %eq3A = vector.broadcast %scan3A_21 : vector<4x1xi32> to vector<4x2048xi32>
      %eq3A_23 = arith.cmpi eq, %iota3A, %eq3A : vector<4x2048xi32>
      %jit3A = arith.constant 0.000000e+00 : f32
      %broadcast_in_dim3A_24 = vector.broadcast %jit3A : f32 to vector<4x2048xf32>
      %select_n3A = arith.select %eq3A_23, %get3A_1, %broadcast_in_dim3A_24 : vector<4x2048xi1>, vector<4x2048xf32>
      %reduce_sum3A = arith.constant dense<0.000000e+00> : vector<4xf32>
      %reduce_sum3A_25 = vector.multi_reduction <add>, %select_n3A, %reduce_sum3A [1] : vector<4x2048xf32> to vector<4xf32>
      %broadcast_in_dim3A_26 = vector.shape_cast %reduce_sum3A_25 : vector<4xf32> to vector<4x1xf32>
      %jit3A_27 = arith.constant 0.000000e+00 : f32
      %broadcast_in_dim3A_28 = vector.broadcast %jit3A_27 : f32 to vector<4x2048xf32>
      %select_n3A_29 = arith.select %eq3A_23, %get3A_4, %broadcast_in_dim3A_28 : vector<4x2048xi1>, vector<4x2048xf32>
      %reduce_sum3A_30 = arith.constant dense<0.000000e+00> : vector<4xf32>
      %reduce_sum3A_31 = vector.multi_reduction <add>, %select_n3A_29, %reduce_sum3A_30 [1] : vector<4x2048xf32> to vector<4xf32>
      %broadcast_in_dim3A_32 = vector.shape_cast %reduce_sum3A_31 : vector<4xf32> to vector<4x1xf32>
      %jit3A_33 = arith.constant 0.000000e+00 : f32
      %broadcast_in_dim3A_34 = vector.broadcast %jit3A_33 : f32 to vector<4x2048xf32>
      %select_n3A_35 = arith.select %eq3A_23, %get3A_7, %broadcast_in_dim3A_34 : vector<4x2048xi1>, vector<4x2048xf32>
      %reduce_sum3A_36 = arith.constant dense<0.000000e+00> : vector<4xf32>
      %reduce_sum3A_37 = vector.multi_reduction <add>, %select_n3A_35, %reduce_sum3A_36 [1] : vector<4x2048xf32> to vector<4xf32>
      %broadcast_in_dim3A_38 = vector.shape_cast %reduce_sum3A_37 : vector<4xf32> to vector<4x1xf32>
      %sub3A = vector.broadcast %broadcast_in_dim3A_26 : vector<4x1xf32> to vector<4x2048xf32>
      %sub3A_39 = arith.subf %get3A_1, %sub3A : vector<4x2048xf32>
      %integer_pow3A = arith.mulf %sub3A_39, %sub3A_39 : vector<4x2048xf32>
      %sub3A_40 = vector.broadcast %broadcast_in_dim3A_32 : vector<4x1xf32> to vector<4x2048xf32>
      %sub3A_41 = arith.subf %get3A_4, %sub3A_40 : vector<4x2048xf32>
      %integer_pow3A_42 = arith.mulf %sub3A_41, %sub3A_41 : vector<4x2048xf32>
      %add3A = arith.addf %integer_pow3A, %integer_pow3A_42 : vector<4x2048xf32>
      %sub3A_43 = vector.broadcast %broadcast_in_dim3A_38 : vector<4x1xf32> to vector<4x2048xf32>
      %sub3A_44 = arith.subf %get3A_7, %sub3A_43 : vector<4x2048xf32>
      %integer_pow3A_45 = arith.mulf %sub3A_44, %sub3A_44 : vector<4x2048xf32>
      %add3A_46 = arith.addf %add3A, %integer_pow3A_45 : vector<4x2048xf32>
      %min3A = arith.minimumf %scan3A_20, %add3A_46 : vector<4x2048xf32>
      %reduce_max3A = arith.constant dense<0xFF800000> : vector<4xf32>
      %reduce_max3A_47 = vector.multi_reduction <maximumf>, %min3A, %reduce_max3A [1] : vector<4x2048xf32> to vector<4xf32>
      %broadcast_in_dim3A_48 = vector.shape_cast %reduce_max3A_47 : vector<4xf32> to vector<4x1xf32>
      %eq3A_49 = vector.broadcast %broadcast_in_dim3A_48 : vector<4x1xf32> to vector<4x2048xf32>
      %eq3A_50 = arith.cmpf oeq, %min3A, %eq3A_49 : vector<4x2048xf32>
      %jit3A_51 = arith.constant 2048 : i32
      %broadcast_in_dim3A_52 = vector.broadcast %jit3A_51 : i32 to vector<4x2048xi32>
      %select_n3A_53 = arith.select %eq3A_50, %iota3A, %broadcast_in_dim3A_52 : vector<4x2048xi1>, vector<4x2048xi32>
      %reduce_min3A = arith.constant dense<2147483647> : vector<4xi32>
      %reduce_min3A_54 = vector.multi_reduction <minsi>, %select_n3A_53, %reduce_min3A [1] : vector<4x2048xi32> to vector<4xi32>
      %broadcast_in_dim3A_55 = vector.shape_cast %reduce_min3A_54 : vector<4xi32> to vector<4x1xi32>
      %slice3A = vector.extract_strided_slice %scan3A_22 {offsets = [0, 1], sizes = [4, 1023], strides = [1, 1]} : vector<4x1024xi32> to vector<4x1023xi32>
      %concatenate3A = tpu.concatenate %slice3A, %scan3A_21 in 1 : vector<4x1023xi32>, vector<4x1xi32> -> vector<4x1024xi32>
      scf.yield %min3A, %broadcast_in_dim3A_55, %concatenate3A : vector<4x2048xf32>, vector<4x1xi32>, vector<4x1024xi32>
    }
    %swap3A = arith.constant 0 : index
    %swap3A_17 = arith.constant 0 : index
    %swap3A_18 = vector.load %arg3[%swap3A, %swap3A_17] : memref<4x1024xi32, #tpu.memory_space<vmem>>, vector<4x1024xi32>
    tpu.vector_store %arg3[%swap3A, %swap3A_17], %scan3A_16#2 {strides = array<i32>} : memref<4x1024xi32, #tpu.memory_space<vmem>>, vector<4x1024xi32>,
    return
  }
}

module attributes {stable_mosaic.version = 14 : i64} {
  func.func @_knn_body(%arg0: i32, %arg1: i32, %arg2: memref<1x1024x3xf32, #tpu.memory_space<vmem>>, %arg3: memref<1x1x2048xf32, #tpu.memory_space<vmem>>, %arg4: memref<1x1x2048xf32, #tpu.memory_space<vmem>>, %arg5: memref<1x1x2048xf32, #tpu.memory_space<vmem>>, %arg6: memref<1x1024x32xi32, #tpu.memory_space<vmem>>) attributes {dimension_semantics = [#tpu.dimension_semantics<arbitrary>, #tpu.dimension_semantics<arbitrary>], iteration_bounds = array<i64: 4, 1>, scalar_prefetch = 0 : i64, scratch_operands = 0 : i64, tpu.core_type = #tpu.core_type<tc>, window_params = [{transform_indices = @transform_0, window_bounds = array<i64: 1, 1024, 3>}, {transform_indices = @transform_1, window_bounds = array<i64: 1, 1, 2048>}, {transform_indices = @transform_2, window_bounds = array<i64: 1, 1, 2048>}, {transform_indices = @transform_3, window_bounds = array<i64: 1, 1, 2048>}, {transform_indices = @transform_4, window_bounds = array<i64: 1, 1024, 32>}]} {
    %get3A = arith.constant 0 : index
    %get3A_0 = arith.constant 0 : index
    %get3A_1 = arith.constant 0 : index
    %get3A_2 = vector.load %arg2[%get3A, %get3A_0, %get3A_1] : memref<1x1024x3xf32, #tpu.memory_space<vmem>>, vector<1x1024x1xf32>
    %get3A_3 = vector.shape_cast %get3A_2 : vector<1x1024x1xf32> to vector<1024x1xf32>
    %get3A_4 = arith.constant 0 : index
    %get3A_5 = arith.constant 0 : index
    %get3A_6 = arith.constant 1 : index
    %get3A_7 = vector.load %arg2[%get3A_4, %get3A_5, %get3A_6] : memref<1x1024x3xf32, #tpu.memory_space<vmem>>, vector<1x1024x1xf32>
    %get3A_8 = vector.shape_cast %get3A_7 : vector<1x1024x1xf32> to vector<1024x1xf32>
    %get3A_9 = arith.constant 0 : index
    %get3A_10 = arith.constant 0 : index
    %get3A_11 = arith.constant 2 : index
    %get3A_12 = vector.load %arg2[%get3A_9, %get3A_10, %get3A_11] : memref<1x1024x3xf32, #tpu.memory_space<vmem>>, vector<1x1024x1xf32>
    %get3A_13 = vector.shape_cast %get3A_12 : vector<1x1024x1xf32> to vector<1024x1xf32>
    %get3A_14 = arith.constant 0 : index
    %get3A_15 = arith.constant 0 : index
    %get3A_16 = arith.constant 0 : index
    %get3A_17 = vector.load %arg3[%get3A_14, %get3A_15, %get3A_16] : memref<1x1x2048xf32, #tpu.memory_space<vmem>>, vector<1x1x2048xf32>
    %get3A_18 = vector.shape_cast %get3A_17 : vector<1x1x2048xf32> to vector<1x2048xf32>
    %get3A_19 = arith.constant 0 : index
    %get3A_20 = arith.constant 0 : index
    %get3A_21 = arith.constant 0 : index
    %get3A_22 = vector.load %arg4[%get3A_19, %get3A_20, %get3A_21] : memref<1x1x2048xf32, #tpu.memory_space<vmem>>, vector<1x1x2048xf32>
    %get3A_23 = vector.shape_cast %get3A_22 : vector<1x1x2048xf32> to vector<1x2048xf32>
    %get3A_24 = arith.constant 0 : index
    %get3A_25 = arith.constant 0 : index
    %get3A_26 = arith.constant 0 : index
    %get3A_27 = vector.load %arg5[%get3A_24, %get3A_25, %get3A_26] : memref<1x1x2048xf32, #tpu.memory_space<vmem>>, vector<1x1x2048xf32>
    %get3A_28 = vector.shape_cast %get3A_27 : vector<1x1x2048xf32> to vector<1x2048xf32>
    %sub3A = vector.broadcast %get3A_3 : vector<1024x1xf32> to vector<1024x2048xf32>
    %sub3A_29 = vector.broadcast %get3A_18 : vector<1x2048xf32> to vector<1024x2048xf32>
    %sub3A_30 = arith.subf %sub3A, %sub3A_29 : vector<1024x2048xf32>
    %integer_pow3A = arith.mulf %sub3A_30, %sub3A_30 : vector<1024x2048xf32>
    %sub3A_31 = vector.broadcast %get3A_8 : vector<1024x1xf32> to vector<1024x2048xf32>
    %sub3A_32 = vector.broadcast %get3A_23 : vector<1x2048xf32> to vector<1024x2048xf32>
    %sub3A_33 = arith.subf %sub3A_31, %sub3A_32 : vector<1024x2048xf32>
    %integer_pow3A_34 = arith.mulf %sub3A_33, %sub3A_33 : vector<1024x2048xf32>
    %add3A = arith.addf %integer_pow3A, %integer_pow3A_34 : vector<1024x2048xf32>
    %sub3A_35 = vector.broadcast %get3A_13 : vector<1024x1xf32> to vector<1024x2048xf32>
    %sub3A_36 = vector.broadcast %get3A_28 : vector<1x2048xf32> to vector<1024x2048xf32>
    %sub3A_37 = arith.subf %sub3A_35, %sub3A_36 : vector<1024x2048xf32>
    %integer_pow3A_38 = arith.mulf %sub3A_37, %sub3A_37 : vector<1024x2048xf32>
    %add3A_39 = arith.addf %add3A, %integer_pow3A_38 : vector<1024x2048xf32>
    %iota3A = tpu.iota {dimensions = array<i32: 1>} : vector<1024x2048xi32>
    %broadcast_in_dim3A = arith.constant -3.400000e+38 : f32
    %broadcast_in_dim3A_40 = vector.broadcast %broadcast_in_dim3A : f32 to vector<1024x1xf32>
    %broadcast_in_dim3A_41 = arith.constant -1 : i32
    %broadcast_in_dim3A_42 = vector.broadcast %broadcast_in_dim3A_41 : i32 to vector<1024x1xi32>
    %broadcast_in_dim3A_43 = arith.constant 0 : i32
    %broadcast_in_dim3A_44 = vector.broadcast %broadcast_in_dim3A_43 : i32 to vector<1024x32xi32>
    %scan3A = arith.constant 0 : i32
    %scan3A_45 = arith.constant 32 : i32
    %scan3A_46 = arith.addi %scan3A, %scan3A_45 : i32
    %scan3A_47 = arith.constant 1 : i32
    %scan3A_48:3 = scf.for %scan3A_54 = %scan3A to %scan3A_46 step %scan3A_47 iter_args(%scan3A_55 = %broadcast_in_dim3A_40, %scan3A_56 = %broadcast_in_dim3A_42, %scan3A_57 = %broadcast_in_dim3A_44) -> (vector<1024x1xf32>, vector<1024x1xi32>, vector<1024x32xi32>)  : i32 {
      %gt3A = vector.broadcast %scan3A_55 : vector<1024x1xf32> to vector<1024x2048xf32>
      %gt3A_58 = arith.cmpf ogt, %add3A_39, %gt3A : vector<1024x2048xf32>
      %eq3A = vector.broadcast %scan3A_55 : vector<1024x1xf32> to vector<1024x2048xf32>
      %eq3A_59 = arith.cmpf oeq, %add3A_39, %eq3A : vector<1024x2048xf32>
      %gt3A_60 = vector.broadcast %scan3A_56 : vector<1024x1xi32> to vector<1024x2048xi32>
      %gt3A_61 = arith.cmpi sgt, %iota3A, %gt3A_60 : vector<1024x2048xi32>
      %and3A = arith.andi %eq3A_59, %gt3A_61 : vector<1024x2048xi1>
      %or3A = arith.ori %gt3A_58, %and3A : vector<1024x2048xi1>
      %jit3A = arith.constant 3.400000e+38 : f32
      %broadcast_in_dim3A_62 = vector.broadcast %jit3A : f32 to vector<1024x2048xf32>
      %select_n3A = arith.select %or3A, %add3A_39, %broadcast_in_dim3A_62 : vector<1024x2048xi1>, vector<1024x2048xf32>
      %reduce_min3A = arith.constant dense<0x7F800000> : vector<1024xf32>
      %reduce_min3A_63 = vector.multi_reduction <minimumf>, %select_n3A, %reduce_min3A [1] : vector<1024x2048xf32> to vector<1024xf32>
      %broadcast_in_dim3A_64 = vector.shape_cast %reduce_min3A_63 : vector<1024xf32> to vector<1024x1xf32>
      %eq3A_65 = vector.broadcast %broadcast_in_dim3A_64 : vector<1024x1xf32> to vector<1024x2048xf32>
      %eq3A_66 = arith.cmpf oeq, %select_n3A, %eq3A_65 : vector<1024x2048xf32>
      %jit3A_67 = arith.constant 2048 : i32
      %broadcast_in_dim3A_68 = vector.broadcast %jit3A_67 : i32 to vector<1024x2048xi32>
      %select_n3A_69 = arith.select %eq3A_66, %iota3A, %broadcast_in_dim3A_68 : vector<1024x2048xi1>, vector<1024x2048xi32>
      %reduce_min3A_70 = arith.constant dense<2147483647> : vector<1024xi32>
      %reduce_min3A_71 = vector.multi_reduction <minsi>, %select_n3A_69, %reduce_min3A_70 [1] : vector<1024x2048xi32> to vector<1024xi32>
      %broadcast_in_dim3A_72 = vector.shape_cast %reduce_min3A_71 : vector<1024xi32> to vector<1024x1xi32>
      %slice3A = vector.extract_strided_slice %scan3A_57 {offsets = [0, 1], sizes = [1024, 31], strides = [1, 1]} : vector<1024x32xi32> to vector<1024x31xi32>
      %concatenate3A = tpu.concatenate %slice3A, %broadcast_in_dim3A_72 in 1 : vector<1024x31xi32>, vector<1024x1xi32> -> vector<1024x32xi32>
      scf.yield %broadcast_in_dim3A_64, %broadcast_in_dim3A_72, %concatenate3A : vector<1024x1xf32>, vector<1024x1xi32>, vector<1024x32xi32>
    }
    %swap3A = arith.constant 0 : index
    %swap3A_49 = arith.constant 0 : index
    %swap3A_50 = arith.constant 0 : index
    %swap3A_51 = vector.load %arg6[%swap3A, %swap3A_49, %swap3A_50] : memref<1x1024x32xi32, #tpu.memory_space<vmem>>, vector<1x1024x32xi32>
    %swap3A_52 = vector.shape_cast %swap3A_51 : vector<1x1024x32xi32> to vector<1024x32xi32>
    %swap3A_53 = vector.shape_cast %scan3A_48#2 : vector<1024x32xi32> to vector<1x1024x32xi32>
    tpu.vector_store %arg6[%swap3A, %swap3A_49, %swap3A_50], %swap3A_53 {strides = array<i32>} : memref<1x1024x32xi32, #tpu.memory_space<vmem>>, vector<1x1024x32xi32>,
    return
  }
  func.func @transform_0(%arg0: i32, %arg1: i32) -> (i32, i32, i32) {
    %c0_i32 = arith.constant 0 : i32
    %c0_i32_0 = arith.constant 0 : i32
    return %arg0, %arg1, %c0_i32 : i32, i32, i32
  }
  func.func @transform_1(%arg0: i32, %arg1: i32) -> (i32, i32, i32) {
    %c0_i32 = arith.constant 0 : i32
    %c0_i32_0 = arith.constant 0 : i32
    %c0_i32_1 = arith.constant 0 : i32
    return %arg0, %c0_i32, %c0_i32_0 : i32, i32, i32
  }
  func.func @transform_2(%arg0: i32, %arg1: i32) -> (i32, i32, i32) {
    %c0_i32 = arith.constant 0 : i32
    %c0_i32_0 = arith.constant 0 : i32
    %c0_i32_1 = arith.constant 0 : i32
    return %arg0, %c0_i32, %c0_i32_0 : i32, i32, i32
  }
  func.func @transform_3(%arg0: i32, %arg1: i32) -> (i32, i32, i32) {
    %c0_i32 = arith.constant 0 : i32
    %c0_i32_0 = arith.constant 0 : i32
    %c0_i32_1 = arith.constant 0 : i32
    return %arg0, %c0_i32, %c0_i32_0 : i32, i32, i32
  }
  func.func @transform_4(%arg0: i32, %arg1: i32) -> (i32, i32, i32) {
    %c0_i32 = arith.constant 0 : i32
    %c0_i32_0 = arith.constant 0 : i32
    return %arg0, %arg1, %c0_i32 : i32, i32, i32
  }
}

module attributes {stable_mosaic.version = 14 : i64} {
  func.func @_fps_body(%arg0: memref<4x1024xf32, #tpu.memory_space<vmem>>, %arg1: memref<4x1024xf32, #tpu.memory_space<vmem>>, %arg2: memref<4x1024xf32, #tpu.memory_space<vmem>>, %arg3: memref<4x512xi32, #tpu.memory_space<vmem>>) attributes {dimension_semantics = [], scalar_prefetch = 0 : i64, scratch_operands = 0 : i64, tpu.core_type = #tpu.core_type<tc>} {
    %get3A = arith.constant 0 : index
    %get3A_0 = arith.constant 0 : index
    %get3A_1 = vector.load %arg0[%get3A, %get3A_0] : memref<4x1024xf32, #tpu.memory_space<vmem>>, vector<4x1024xf32>
    %get3A_2 = arith.constant 0 : index
    %get3A_3 = arith.constant 0 : index
    %get3A_4 = vector.load %arg1[%get3A_2, %get3A_3] : memref<4x1024xf32, #tpu.memory_space<vmem>>, vector<4x1024xf32>
    %get3A_5 = arith.constant 0 : index
    %get3A_6 = arith.constant 0 : index
    %get3A_7 = vector.load %arg2[%get3A_5, %get3A_6] : memref<4x1024xf32, #tpu.memory_space<vmem>>, vector<4x1024xf32>
    %iota3A = tpu.iota {dimensions = array<i32: 1>} : vector<4x1024xi32>
    %broadcast_in_dim3A = arith.constant 1.000000e+10 : f32
    %broadcast_in_dim3A_8 = vector.broadcast %broadcast_in_dim3A : f32 to vector<4x1024xf32>
    %broadcast_in_dim3A_9 = arith.constant 0 : i32
    %broadcast_in_dim3A_10 = vector.broadcast %broadcast_in_dim3A_9 : i32 to vector<4x1xi32>
    %broadcast_in_dim3A_11 = arith.constant 0 : i32
    %broadcast_in_dim3A_12 = vector.broadcast %broadcast_in_dim3A_11 : i32 to vector<4x512xi32>
    %scan3A = arith.constant 0 : i32
    %scan3A_13 = arith.constant 512 : i32
    %scan3A_14 = arith.addi %scan3A, %scan3A_13 : i32
    %scan3A_15 = arith.constant 1 : i32
    %scan3A_16:3 = scf.for %scan3A_19 = %scan3A to %scan3A_14 step %scan3A_15 iter_args(%scan3A_20 = %broadcast_in_dim3A_8, %scan3A_21 = %broadcast_in_dim3A_10, %scan3A_22 = %broadcast_in_dim3A_12) -> (vector<4x1024xf32>, vector<4x1xi32>, vector<4x512xi32>)  : i32 {
      %eq3A = vector.broadcast %scan3A_21 : vector<4x1xi32> to vector<4x1024xi32>
      %eq3A_23 = arith.cmpi eq, %iota3A, %eq3A : vector<4x1024xi32>
      %jit3A = arith.constant 0.000000e+00 : f32
      %broadcast_in_dim3A_24 = vector.broadcast %jit3A : f32 to vector<4x1024xf32>
      %select_n3A = arith.select %eq3A_23, %get3A_1, %broadcast_in_dim3A_24 : vector<4x1024xi1>, vector<4x1024xf32>
      %reduce_sum3A = arith.constant dense<0.000000e+00> : vector<4xf32>
      %reduce_sum3A_25 = vector.multi_reduction <add>, %select_n3A, %reduce_sum3A [1] : vector<4x1024xf32> to vector<4xf32>
      %broadcast_in_dim3A_26 = vector.shape_cast %reduce_sum3A_25 : vector<4xf32> to vector<4x1xf32>
      %jit3A_27 = arith.constant 0.000000e+00 : f32
      %broadcast_in_dim3A_28 = vector.broadcast %jit3A_27 : f32 to vector<4x1024xf32>
      %select_n3A_29 = arith.select %eq3A_23, %get3A_4, %broadcast_in_dim3A_28 : vector<4x1024xi1>, vector<4x1024xf32>
      %reduce_sum3A_30 = arith.constant dense<0.000000e+00> : vector<4xf32>
      %reduce_sum3A_31 = vector.multi_reduction <add>, %select_n3A_29, %reduce_sum3A_30 [1] : vector<4x1024xf32> to vector<4xf32>
      %broadcast_in_dim3A_32 = vector.shape_cast %reduce_sum3A_31 : vector<4xf32> to vector<4x1xf32>
      %jit3A_33 = arith.constant 0.000000e+00 : f32
      %broadcast_in_dim3A_34 = vector.broadcast %jit3A_33 : f32 to vector<4x1024xf32>
      %select_n3A_35 = arith.select %eq3A_23, %get3A_7, %broadcast_in_dim3A_34 : vector<4x1024xi1>, vector<4x1024xf32>
      %reduce_sum3A_36 = arith.constant dense<0.000000e+00> : vector<4xf32>
      %reduce_sum3A_37 = vector.multi_reduction <add>, %select_n3A_35, %reduce_sum3A_36 [1] : vector<4x1024xf32> to vector<4xf32>
      %broadcast_in_dim3A_38 = vector.shape_cast %reduce_sum3A_37 : vector<4xf32> to vector<4x1xf32>
      %sub3A = vector.broadcast %broadcast_in_dim3A_26 : vector<4x1xf32> to vector<4x1024xf32>
      %sub3A_39 = arith.subf %get3A_1, %sub3A : vector<4x1024xf32>
      %integer_pow3A = arith.mulf %sub3A_39, %sub3A_39 : vector<4x1024xf32>
      %sub3A_40 = vector.broadcast %broadcast_in_dim3A_32 : vector<4x1xf32> to vector<4x1024xf32>
      %sub3A_41 = arith.subf %get3A_4, %sub3A_40 : vector<4x1024xf32>
      %integer_pow3A_42 = arith.mulf %sub3A_41, %sub3A_41 : vector<4x1024xf32>
      %add3A = arith.addf %integer_pow3A, %integer_pow3A_42 : vector<4x1024xf32>
      %sub3A_43 = vector.broadcast %broadcast_in_dim3A_38 : vector<4x1xf32> to vector<4x1024xf32>
      %sub3A_44 = arith.subf %get3A_7, %sub3A_43 : vector<4x1024xf32>
      %integer_pow3A_45 = arith.mulf %sub3A_44, %sub3A_44 : vector<4x1024xf32>
      %add3A_46 = arith.addf %add3A, %integer_pow3A_45 : vector<4x1024xf32>
      %min3A = arith.minimumf %scan3A_20, %add3A_46 : vector<4x1024xf32>
      %reduce_max3A = arith.constant dense<0xFF800000> : vector<4xf32>
      %reduce_max3A_47 = vector.multi_reduction <maximumf>, %min3A, %reduce_max3A [1] : vector<4x1024xf32> to vector<4xf32>
      %broadcast_in_dim3A_48 = vector.shape_cast %reduce_max3A_47 : vector<4xf32> to vector<4x1xf32>
      %eq3A_49 = vector.broadcast %broadcast_in_dim3A_48 : vector<4x1xf32> to vector<4x1024xf32>
      %eq3A_50 = arith.cmpf oeq, %min3A, %eq3A_49 : vector<4x1024xf32>
      %jit3A_51 = arith.constant 1024 : i32
      %broadcast_in_dim3A_52 = vector.broadcast %jit3A_51 : i32 to vector<4x1024xi32>
      %select_n3A_53 = arith.select %eq3A_50, %iota3A, %broadcast_in_dim3A_52 : vector<4x1024xi1>, vector<4x1024xi32>
      %reduce_min3A = arith.constant dense<2147483647> : vector<4xi32>
      %reduce_min3A_54 = vector.multi_reduction <minsi>, %select_n3A_53, %reduce_min3A [1] : vector<4x1024xi32> to vector<4xi32>
      %broadcast_in_dim3A_55 = vector.shape_cast %reduce_min3A_54 : vector<4xi32> to vector<4x1xi32>
      %slice3A = vector.extract_strided_slice %scan3A_22 {offsets = [0, 1], sizes = [4, 511], strides = [1, 1]} : vector<4x512xi32> to vector<4x511xi32>
      %concatenate3A = tpu.concatenate %slice3A, %scan3A_21 in 1 : vector<4x511xi32>, vector<4x1xi32> -> vector<4x512xi32>
      scf.yield %min3A, %broadcast_in_dim3A_55, %concatenate3A : vector<4x1024xf32>, vector<4x1xi32>, vector<4x512xi32>
    }
    %swap3A = arith.constant 0 : index
    %swap3A_17 = arith.constant 0 : index
    %swap3A_18 = vector.load %arg3[%swap3A, %swap3A_17] : memref<4x512xi32, #tpu.memory_space<vmem>>, vector<4x512xi32>
    tpu.vector_store %arg3[%swap3A, %swap3A_17], %scan3A_16#2 {strides = array<i32>} : memref<4x512xi32, #tpu.memory_space<vmem>>, vector<4x512xi32>,
    return
  }
}

module attributes {stable_mosaic.version = 14 : i64} {
  func.func @_knn_body(%arg0: i32, %arg1: i32, %arg2: memref<1x512x3xf32, #tpu.memory_space<vmem>>, %arg3: memref<1x1x1024xf32, #tpu.memory_space<vmem>>, %arg4: memref<1x1x1024xf32, #tpu.memory_space<vmem>>, %arg5: memref<1x1x1024xf32, #tpu.memory_space<vmem>>, %arg6: memref<1x512x32xi32, #tpu.memory_space<vmem>>) attributes {dimension_semantics = [#tpu.dimension_semantics<arbitrary>, #tpu.dimension_semantics<arbitrary>], iteration_bounds = array<i64: 4, 1>, scalar_prefetch = 0 : i64, scratch_operands = 0 : i64, tpu.core_type = #tpu.core_type<tc>, window_params = [{transform_indices = @transform_0, window_bounds = array<i64: 1, 512, 3>}, {transform_indices = @transform_1, window_bounds = array<i64: 1, 1, 1024>}, {transform_indices = @transform_2, window_bounds = array<i64: 1, 1, 1024>}, {transform_indices = @transform_3, window_bounds = array<i64: 1, 1, 1024>}, {transform_indices = @transform_4, window_bounds = array<i64: 1, 512, 32>}]} {
    %get3A = arith.constant 0 : index
    %get3A_0 = arith.constant 0 : index
    %get3A_1 = arith.constant 0 : index
    %get3A_2 = vector.load %arg2[%get3A, %get3A_0, %get3A_1] : memref<1x512x3xf32, #tpu.memory_space<vmem>>, vector<1x512x1xf32>
    %get3A_3 = vector.shape_cast %get3A_2 : vector<1x512x1xf32> to vector<512x1xf32>
    %get3A_4 = arith.constant 0 : index
    %get3A_5 = arith.constant 0 : index
    %get3A_6 = arith.constant 1 : index
    %get3A_7 = vector.load %arg2[%get3A_4, %get3A_5, %get3A_6] : memref<1x512x3xf32, #tpu.memory_space<vmem>>, vector<1x512x1xf32>
    %get3A_8 = vector.shape_cast %get3A_7 : vector<1x512x1xf32> to vector<512x1xf32>
    %get3A_9 = arith.constant 0 : index
    %get3A_10 = arith.constant 0 : index
    %get3A_11 = arith.constant 2 : index
    %get3A_12 = vector.load %arg2[%get3A_9, %get3A_10, %get3A_11] : memref<1x512x3xf32, #tpu.memory_space<vmem>>, vector<1x512x1xf32>
    %get3A_13 = vector.shape_cast %get3A_12 : vector<1x512x1xf32> to vector<512x1xf32>
    %get3A_14 = arith.constant 0 : index
    %get3A_15 = arith.constant 0 : index
    %get3A_16 = arith.constant 0 : index
    %get3A_17 = vector.load %arg3[%get3A_14, %get3A_15, %get3A_16] : memref<1x1x1024xf32, #tpu.memory_space<vmem>>, vector<1x1x1024xf32>
    %get3A_18 = vector.shape_cast %get3A_17 : vector<1x1x1024xf32> to vector<1x1024xf32>
    %get3A_19 = arith.constant 0 : index
    %get3A_20 = arith.constant 0 : index
    %get3A_21 = arith.constant 0 : index
    %get3A_22 = vector.load %arg4[%get3A_19, %get3A_20, %get3A_21] : memref<1x1x1024xf32, #tpu.memory_space<vmem>>, vector<1x1x1024xf32>
    %get3A_23 = vector.shape_cast %get3A_22 : vector<1x1x1024xf32> to vector<1x1024xf32>
    %get3A_24 = arith.constant 0 : index
    %get3A_25 = arith.constant 0 : index
    %get3A_26 = arith.constant 0 : index
    %get3A_27 = vector.load %arg5[%get3A_24, %get3A_25, %get3A_26] : memref<1x1x1024xf32, #tpu.memory_space<vmem>>, vector<1x1x1024xf32>
    %get3A_28 = vector.shape_cast %get3A_27 : vector<1x1x1024xf32> to vector<1x1024xf32>
    %sub3A = vector.broadcast %get3A_3 : vector<512x1xf32> to vector<512x1024xf32>
    %sub3A_29 = vector.broadcast %get3A_18 : vector<1x1024xf32> to vector<512x1024xf32>
    %sub3A_30 = arith.subf %sub3A, %sub3A_29 : vector<512x1024xf32>
    %integer_pow3A = arith.mulf %sub3A_30, %sub3A_30 : vector<512x1024xf32>
    %sub3A_31 = vector.broadcast %get3A_8 : vector<512x1xf32> to vector<512x1024xf32>
    %sub3A_32 = vector.broadcast %get3A_23 : vector<1x1024xf32> to vector<512x1024xf32>
    %sub3A_33 = arith.subf %sub3A_31, %sub3A_32 : vector<512x1024xf32>
    %integer_pow3A_34 = arith.mulf %sub3A_33, %sub3A_33 : vector<512x1024xf32>
    %add3A = arith.addf %integer_pow3A, %integer_pow3A_34 : vector<512x1024xf32>
    %sub3A_35 = vector.broadcast %get3A_13 : vector<512x1xf32> to vector<512x1024xf32>
    %sub3A_36 = vector.broadcast %get3A_28 : vector<1x1024xf32> to vector<512x1024xf32>
    %sub3A_37 = arith.subf %sub3A_35, %sub3A_36 : vector<512x1024xf32>
    %integer_pow3A_38 = arith.mulf %sub3A_37, %sub3A_37 : vector<512x1024xf32>
    %add3A_39 = arith.addf %add3A, %integer_pow3A_38 : vector<512x1024xf32>
    %iota3A = tpu.iota {dimensions = array<i32: 1>} : vector<512x1024xi32>
    %broadcast_in_dim3A = arith.constant -3.400000e+38 : f32
    %broadcast_in_dim3A_40 = vector.broadcast %broadcast_in_dim3A : f32 to vector<512x1xf32>
    %broadcast_in_dim3A_41 = arith.constant -1 : i32
    %broadcast_in_dim3A_42 = vector.broadcast %broadcast_in_dim3A_41 : i32 to vector<512x1xi32>
    %broadcast_in_dim3A_43 = arith.constant 0 : i32
    %broadcast_in_dim3A_44 = vector.broadcast %broadcast_in_dim3A_43 : i32 to vector<512x32xi32>
    %scan3A = arith.constant 0 : i32
    %scan3A_45 = arith.constant 32 : i32
    %scan3A_46 = arith.addi %scan3A, %scan3A_45 : i32
    %scan3A_47 = arith.constant 1 : i32
    %scan3A_48:3 = scf.for %scan3A_54 = %scan3A to %scan3A_46 step %scan3A_47 iter_args(%scan3A_55 = %broadcast_in_dim3A_40, %scan3A_56 = %broadcast_in_dim3A_42, %scan3A_57 = %broadcast_in_dim3A_44) -> (vector<512x1xf32>, vector<512x1xi32>, vector<512x32xi32>)  : i32 {
      %gt3A = vector.broadcast %scan3A_55 : vector<512x1xf32> to vector<512x1024xf32>
      %gt3A_58 = arith.cmpf ogt, %add3A_39, %gt3A : vector<512x1024xf32>
      %eq3A = vector.broadcast %scan3A_55 : vector<512x1xf32> to vector<512x1024xf32>
      %eq3A_59 = arith.cmpf oeq, %add3A_39, %eq3A : vector<512x1024xf32>
      %gt3A_60 = vector.broadcast %scan3A_56 : vector<512x1xi32> to vector<512x1024xi32>
      %gt3A_61 = arith.cmpi sgt, %iota3A, %gt3A_60 : vector<512x1024xi32>
      %and3A = arith.andi %eq3A_59, %gt3A_61 : vector<512x1024xi1>
      %or3A = arith.ori %gt3A_58, %and3A : vector<512x1024xi1>
      %jit3A = arith.constant 3.400000e+38 : f32
      %broadcast_in_dim3A_62 = vector.broadcast %jit3A : f32 to vector<512x1024xf32>
      %select_n3A = arith.select %or3A, %add3A_39, %broadcast_in_dim3A_62 : vector<512x1024xi1>, vector<512x1024xf32>
      %reduce_min3A = arith.constant dense<0x7F800000> : vector<512xf32>
      %reduce_min3A_63 = vector.multi_reduction <minimumf>, %select_n3A, %reduce_min3A [1] : vector<512x1024xf32> to vector<512xf32>
      %broadcast_in_dim3A_64 = vector.shape_cast %reduce_min3A_63 : vector<512xf32> to vector<512x1xf32>
      %eq3A_65 = vector.broadcast %broadcast_in_dim3A_64 : vector<512x1xf32> to vector<512x1024xf32>
      %eq3A_66 = arith.cmpf oeq, %select_n3A, %eq3A_65 : vector<512x1024xf32>
      %jit3A_67 = arith.constant 1024 : i32
      %broadcast_in_dim3A_68 = vector.broadcast %jit3A_67 : i32 to vector<512x1024xi32>
      %select_n3A_69 = arith.select %eq3A_66, %iota3A, %broadcast_in_dim3A_68 : vector<512x1024xi1>, vector<512x1024xi32>
      %reduce_min3A_70 = arith.constant dense<2147483647> : vector<512xi32>
      %reduce_min3A_71 = vector.multi_reduction <minsi>, %select_n3A_69, %reduce_min3A_70 [1] : vector<512x1024xi32> to vector<512xi32>
      %broadcast_in_dim3A_72 = vector.shape_cast %reduce_min3A_71 : vector<512xi32> to vector<512x1xi32>
      %slice3A = vector.extract_strided_slice %scan3A_57 {offsets = [0, 1], sizes = [512, 31], strides = [1, 1]} : vector<512x32xi32> to vector<512x31xi32>
      %concatenate3A = tpu.concatenate %slice3A, %broadcast_in_dim3A_72 in 1 : vector<512x31xi32>, vector<512x1xi32> -> vector<512x32xi32>
      scf.yield %broadcast_in_dim3A_64, %broadcast_in_dim3A_72, %concatenate3A : vector<512x1xf32>, vector<512x1xi32>, vector<512x32xi32>
    }
    %swap3A = arith.constant 0 : index
    %swap3A_49 = arith.constant 0 : index
    %swap3A_50 = arith.constant 0 : index
    %swap3A_51 = vector.load %arg6[%swap3A, %swap3A_49, %swap3A_50] : memref<1x512x32xi32, #tpu.memory_space<vmem>>, vector<1x512x32xi32>
    %swap3A_52 = vector.shape_cast %swap3A_51 : vector<1x512x32xi32> to vector<512x32xi32>
    %swap3A_53 = vector.shape_cast %scan3A_48#2 : vector<512x32xi32> to vector<1x512x32xi32>
    tpu.vector_store %arg6[%swap3A, %swap3A_49, %swap3A_50], %swap3A_53 {strides = array<i32>} : memref<1x512x32xi32, #tpu.memory_space<vmem>>, vector<1x512x32xi32>,
    return
  }
  func.func @transform_0(%arg0: i32, %arg1: i32) -> (i32, i32, i32) {
    %c0_i32 = arith.constant 0 : i32
    %c0_i32_0 = arith.constant 0 : i32
    return %arg0, %arg1, %c0_i32 : i32, i32, i32
  }
  func.func @transform_1(%arg0: i32, %arg1: i32) -> (i32, i32, i32) {
    %c0_i32 = arith.constant 0 : i32
    %c0_i32_0 = arith.constant 0 : i32
    %c0_i32_1 = arith.constant 0 : i32
    return %arg0, %c0_i32, %c0_i32_0 : i32, i32, i32
  }
  func.func @transform_2(%arg0: i32, %arg1: i32) -> (i32, i32, i32) {
    %c0_i32 = arith.constant 0 : i32
    %c0_i32_0 = arith.constant 0 : i32
    %c0_i32_1 = arith.constant 0 : i32
    return %arg0, %c0_i32, %c0_i32_0 : i32, i32, i32
  }
  func.func @transform_3(%arg0: i32, %arg1: i32) -> (i32, i32, i32) {
    %c0_i32 = arith.constant 0 : i32
    %c0_i32_0 = arith.constant 0 : i32
    %c0_i32_1 = arith.constant 0 : i32
    return %arg0, %c0_i32, %c0_i32_0 : i32, i32, i32
  }
  func.func @transform_4(%arg0: i32, %arg1: i32) -> (i32, i32, i32) {
    %c0_i32 = arith.constant 0 : i32
    %c0_i32_0 = arith.constant 0 : i32
    return %arg0, %arg1, %c0_i32 : i32, i32, i32
  }
}

module attributes {stable_mosaic.version = 14 : i64} {
  func.func @_fps_body(%arg0: memref<4x512xf32, #tpu.memory_space<vmem>>, %arg1: memref<4x512xf32, #tpu.memory_space<vmem>>, %arg2: memref<4x512xf32, #tpu.memory_space<vmem>>, %arg3: memref<4x256xi32, #tpu.memory_space<vmem>>) attributes {dimension_semantics = [], scalar_prefetch = 0 : i64, scratch_operands = 0 : i64, tpu.core_type = #tpu.core_type<tc>} {
    %get3A = arith.constant 0 : index
    %get3A_0 = arith.constant 0 : index
    %get3A_1 = vector.load %arg0[%get3A, %get3A_0] : memref<4x512xf32, #tpu.memory_space<vmem>>, vector<4x512xf32>
    %get3A_2 = arith.constant 0 : index
    %get3A_3 = arith.constant 0 : index
    %get3A_4 = vector.load %arg1[%get3A_2, %get3A_3] : memref<4x512xf32, #tpu.memory_space<vmem>>, vector<4x512xf32>
    %get3A_5 = arith.constant 0 : index
    %get3A_6 = arith.constant 0 : index
    %get3A_7 = vector.load %arg2[%get3A_5, %get3A_6] : memref<4x512xf32, #tpu.memory_space<vmem>>, vector<4x512xf32>
    %iota3A = tpu.iota {dimensions = array<i32: 1>} : vector<4x512xi32>
    %broadcast_in_dim3A = arith.constant 1.000000e+10 : f32
    %broadcast_in_dim3A_8 = vector.broadcast %broadcast_in_dim3A : f32 to vector<4x512xf32>
    %broadcast_in_dim3A_9 = arith.constant 0 : i32
    %broadcast_in_dim3A_10 = vector.broadcast %broadcast_in_dim3A_9 : i32 to vector<4x1xi32>
    %broadcast_in_dim3A_11 = arith.constant 0 : i32
    %broadcast_in_dim3A_12 = vector.broadcast %broadcast_in_dim3A_11 : i32 to vector<4x256xi32>
    %scan3A = arith.constant 0 : i32
    %scan3A_13 = arith.constant 256 : i32
    %scan3A_14 = arith.addi %scan3A, %scan3A_13 : i32
    %scan3A_15 = arith.constant 1 : i32
    %scan3A_16:3 = scf.for %scan3A_19 = %scan3A to %scan3A_14 step %scan3A_15 iter_args(%scan3A_20 = %broadcast_in_dim3A_8, %scan3A_21 = %broadcast_in_dim3A_10, %scan3A_22 = %broadcast_in_dim3A_12) -> (vector<4x512xf32>, vector<4x1xi32>, vector<4x256xi32>)  : i32 {
      %eq3A = vector.broadcast %scan3A_21 : vector<4x1xi32> to vector<4x512xi32>
      %eq3A_23 = arith.cmpi eq, %iota3A, %eq3A : vector<4x512xi32>
      %jit3A = arith.constant 0.000000e+00 : f32
      %broadcast_in_dim3A_24 = vector.broadcast %jit3A : f32 to vector<4x512xf32>
      %select_n3A = arith.select %eq3A_23, %get3A_1, %broadcast_in_dim3A_24 : vector<4x512xi1>, vector<4x512xf32>
      %reduce_sum3A = arith.constant dense<0.000000e+00> : vector<4xf32>
      %reduce_sum3A_25 = vector.multi_reduction <add>, %select_n3A, %reduce_sum3A [1] : vector<4x512xf32> to vector<4xf32>
      %broadcast_in_dim3A_26 = vector.shape_cast %reduce_sum3A_25 : vector<4xf32> to vector<4x1xf32>
      %jit3A_27 = arith.constant 0.000000e+00 : f32
      %broadcast_in_dim3A_28 = vector.broadcast %jit3A_27 : f32 to vector<4x512xf32>
      %select_n3A_29 = arith.select %eq3A_23, %get3A_4, %broadcast_in_dim3A_28 : vector<4x512xi1>, vector<4x512xf32>
      %reduce_sum3A_30 = arith.constant dense<0.000000e+00> : vector<4xf32>
      %reduce_sum3A_31 = vector.multi_reduction <add>, %select_n3A_29, %reduce_sum3A_30 [1] : vector<4x512xf32> to vector<4xf32>
      %broadcast_in_dim3A_32 = vector.shape_cast %reduce_sum3A_31 : vector<4xf32> to vector<4x1xf32>
      %jit3A_33 = arith.constant 0.000000e+00 : f32
      %broadcast_in_dim3A_34 = vector.broadcast %jit3A_33 : f32 to vector<4x512xf32>
      %select_n3A_35 = arith.select %eq3A_23, %get3A_7, %broadcast_in_dim3A_34 : vector<4x512xi1>, vector<4x512xf32>
      %reduce_sum3A_36 = arith.constant dense<0.000000e+00> : vector<4xf32>
      %reduce_sum3A_37 = vector.multi_reduction <add>, %select_n3A_35, %reduce_sum3A_36 [1] : vector<4x512xf32> to vector<4xf32>
      %broadcast_in_dim3A_38 = vector.shape_cast %reduce_sum3A_37 : vector<4xf32> to vector<4x1xf32>
      %sub3A = vector.broadcast %broadcast_in_dim3A_26 : vector<4x1xf32> to vector<4x512xf32>
      %sub3A_39 = arith.subf %get3A_1, %sub3A : vector<4x512xf32>
      %integer_pow3A = arith.mulf %sub3A_39, %sub3A_39 : vector<4x512xf32>
      %sub3A_40 = vector.broadcast %broadcast_in_dim3A_32 : vector<4x1xf32> to vector<4x512xf32>
      %sub3A_41 = arith.subf %get3A_4, %sub3A_40 : vector<4x512xf32>
      %integer_pow3A_42 = arith.mulf %sub3A_41, %sub3A_41 : vector<4x512xf32>
      %add3A = arith.addf %integer_pow3A, %integer_pow3A_42 : vector<4x512xf32>
      %sub3A_43 = vector.broadcast %broadcast_in_dim3A_38 : vector<4x1xf32> to vector<4x512xf32>
      %sub3A_44 = arith.subf %get3A_7, %sub3A_43 : vector<4x512xf32>
      %integer_pow3A_45 = arith.mulf %sub3A_44, %sub3A_44 : vector<4x512xf32>
      %add3A_46 = arith.addf %add3A, %integer_pow3A_45 : vector<4x512xf32>
      %min3A = arith.minimumf %scan3A_20, %add3A_46 : vector<4x512xf32>
      %reduce_max3A = arith.constant dense<0xFF800000> : vector<4xf32>
      %reduce_max3A_47 = vector.multi_reduction <maximumf>, %min3A, %reduce_max3A [1] : vector<4x512xf32> to vector<4xf32>
      %broadcast_in_dim3A_48 = vector.shape_cast %reduce_max3A_47 : vector<4xf32> to vector<4x1xf32>
      %eq3A_49 = vector.broadcast %broadcast_in_dim3A_48 : vector<4x1xf32> to vector<4x512xf32>
      %eq3A_50 = arith.cmpf oeq, %min3A, %eq3A_49 : vector<4x512xf32>
      %jit3A_51 = arith.constant 512 : i32
      %broadcast_in_dim3A_52 = vector.broadcast %jit3A_51 : i32 to vector<4x512xi32>
      %select_n3A_53 = arith.select %eq3A_50, %iota3A, %broadcast_in_dim3A_52 : vector<4x512xi1>, vector<4x512xi32>
      %reduce_min3A = arith.constant dense<2147483647> : vector<4xi32>
      %reduce_min3A_54 = vector.multi_reduction <minsi>, %select_n3A_53, %reduce_min3A [1] : vector<4x512xi32> to vector<4xi32>
      %broadcast_in_dim3A_55 = vector.shape_cast %reduce_min3A_54 : vector<4xi32> to vector<4x1xi32>
      %slice3A = vector.extract_strided_slice %scan3A_22 {offsets = [0, 1], sizes = [4, 255], strides = [1, 1]} : vector<4x256xi32> to vector<4x255xi32>
      %concatenate3A = tpu.concatenate %slice3A, %scan3A_21 in 1 : vector<4x255xi32>, vector<4x1xi32> -> vector<4x256xi32>
      scf.yield %min3A, %broadcast_in_dim3A_55, %concatenate3A : vector<4x512xf32>, vector<4x1xi32>, vector<4x256xi32>
    }
    %swap3A = arith.constant 0 : index
    %swap3A_17 = arith.constant 0 : index
    %swap3A_18 = vector.load %arg3[%swap3A, %swap3A_17] : memref<4x256xi32, #tpu.memory_space<vmem>>, vector<4x256xi32>
    tpu.vector_store %arg3[%swap3A, %swap3A_17], %scan3A_16#2 {strides = array<i32>} : memref<4x256xi32, #tpu.memory_space<vmem>>, vector<4x256xi32>,
    return
  }
}

module attributes {stable_mosaic.version = 14 : i64} {
  func.func @_knn_body(%arg0: i32, %arg1: i32, %arg2: memref<1x256x3xf32, #tpu.memory_space<vmem>>, %arg3: memref<1x1x512xf32, #tpu.memory_space<vmem>>, %arg4: memref<1x1x512xf32, #tpu.memory_space<vmem>>, %arg5: memref<1x1x512xf32, #tpu.memory_space<vmem>>, %arg6: memref<1x256x32xi32, #tpu.memory_space<vmem>>) attributes {dimension_semantics = [#tpu.dimension_semantics<arbitrary>, #tpu.dimension_semantics<arbitrary>], iteration_bounds = array<i64: 4, 1>, scalar_prefetch = 0 : i64, scratch_operands = 0 : i64, tpu.core_type = #tpu.core_type<tc>, window_params = [{transform_indices = @transform_0, window_bounds = array<i64: 1, 256, 3>}, {transform_indices = @transform_1, window_bounds = array<i64: 1, 1, 512>}, {transform_indices = @transform_2, window_bounds = array<i64: 1, 1, 512>}, {transform_indices = @transform_3, window_bounds = array<i64: 1, 1, 512>}, {transform_indices = @transform_4, window_bounds = array<i64: 1, 256, 32>}]} {
    %get3A = arith.constant 0 : index
    %get3A_0 = arith.constant 0 : index
    %get3A_1 = arith.constant 0 : index
    %get3A_2 = vector.load %arg2[%get3A, %get3A_0, %get3A_1] : memref<1x256x3xf32, #tpu.memory_space<vmem>>, vector<1x256x1xf32>
    %get3A_3 = vector.shape_cast %get3A_2 : vector<1x256x1xf32> to vector<256x1xf32>
    %get3A_4 = arith.constant 0 : index
    %get3A_5 = arith.constant 0 : index
    %get3A_6 = arith.constant 1 : index
    %get3A_7 = vector.load %arg2[%get3A_4, %get3A_5, %get3A_6] : memref<1x256x3xf32, #tpu.memory_space<vmem>>, vector<1x256x1xf32>
    %get3A_8 = vector.shape_cast %get3A_7 : vector<1x256x1xf32> to vector<256x1xf32>
    %get3A_9 = arith.constant 0 : index
    %get3A_10 = arith.constant 0 : index
    %get3A_11 = arith.constant 2 : index
    %get3A_12 = vector.load %arg2[%get3A_9, %get3A_10, %get3A_11] : memref<1x256x3xf32, #tpu.memory_space<vmem>>, vector<1x256x1xf32>
    %get3A_13 = vector.shape_cast %get3A_12 : vector<1x256x1xf32> to vector<256x1xf32>
    %get3A_14 = arith.constant 0 : index
    %get3A_15 = arith.constant 0 : index
    %get3A_16 = arith.constant 0 : index
    %get3A_17 = vector.load %arg3[%get3A_14, %get3A_15, %get3A_16] : memref<1x1x512xf32, #tpu.memory_space<vmem>>, vector<1x1x512xf32>
    %get3A_18 = vector.shape_cast %get3A_17 : vector<1x1x512xf32> to vector<1x512xf32>
    %get3A_19 = arith.constant 0 : index
    %get3A_20 = arith.constant 0 : index
    %get3A_21 = arith.constant 0 : index
    %get3A_22 = vector.load %arg4[%get3A_19, %get3A_20, %get3A_21] : memref<1x1x512xf32, #tpu.memory_space<vmem>>, vector<1x1x512xf32>
    %get3A_23 = vector.shape_cast %get3A_22 : vector<1x1x512xf32> to vector<1x512xf32>
    %get3A_24 = arith.constant 0 : index
    %get3A_25 = arith.constant 0 : index
    %get3A_26 = arith.constant 0 : index
    %get3A_27 = vector.load %arg5[%get3A_24, %get3A_25, %get3A_26] : memref<1x1x512xf32, #tpu.memory_space<vmem>>, vector<1x1x512xf32>
    %get3A_28 = vector.shape_cast %get3A_27 : vector<1x1x512xf32> to vector<1x512xf32>
    %sub3A = vector.broadcast %get3A_3 : vector<256x1xf32> to vector<256x512xf32>
    %sub3A_29 = vector.broadcast %get3A_18 : vector<1x512xf32> to vector<256x512xf32>
    %sub3A_30 = arith.subf %sub3A, %sub3A_29 : vector<256x512xf32>
    %integer_pow3A = arith.mulf %sub3A_30, %sub3A_30 : vector<256x512xf32>
    %sub3A_31 = vector.broadcast %get3A_8 : vector<256x1xf32> to vector<256x512xf32>
    %sub3A_32 = vector.broadcast %get3A_23 : vector<1x512xf32> to vector<256x512xf32>
    %sub3A_33 = arith.subf %sub3A_31, %sub3A_32 : vector<256x512xf32>
    %integer_pow3A_34 = arith.mulf %sub3A_33, %sub3A_33 : vector<256x512xf32>
    %add3A = arith.addf %integer_pow3A, %integer_pow3A_34 : vector<256x512xf32>
    %sub3A_35 = vector.broadcast %get3A_13 : vector<256x1xf32> to vector<256x512xf32>
    %sub3A_36 = vector.broadcast %get3A_28 : vector<1x512xf32> to vector<256x512xf32>
    %sub3A_37 = arith.subf %sub3A_35, %sub3A_36 : vector<256x512xf32>
    %integer_pow3A_38 = arith.mulf %sub3A_37, %sub3A_37 : vector<256x512xf32>
    %add3A_39 = arith.addf %add3A, %integer_pow3A_38 : vector<256x512xf32>
    %iota3A = tpu.iota {dimensions = array<i32: 1>} : vector<256x512xi32>
    %broadcast_in_dim3A = arith.constant -3.400000e+38 : f32
    %broadcast_in_dim3A_40 = vector.broadcast %broadcast_in_dim3A : f32 to vector<256x1xf32>
    %broadcast_in_dim3A_41 = arith.constant -1 : i32
    %broadcast_in_dim3A_42 = vector.broadcast %broadcast_in_dim3A_41 : i32 to vector<256x1xi32>
    %broadcast_in_dim3A_43 = arith.constant 0 : i32
    %broadcast_in_dim3A_44 = vector.broadcast %broadcast_in_dim3A_43 : i32 to vector<256x32xi32>
    %scan3A = arith.constant 0 : i32
    %scan3A_45 = arith.constant 32 : i32
    %scan3A_46 = arith.addi %scan3A, %scan3A_45 : i32
    %scan3A_47 = arith.constant 1 : i32
    %scan3A_48:3 = scf.for %scan3A_54 = %scan3A to %scan3A_46 step %scan3A_47 iter_args(%scan3A_55 = %broadcast_in_dim3A_40, %scan3A_56 = %broadcast_in_dim3A_42, %scan3A_57 = %broadcast_in_dim3A_44) -> (vector<256x1xf32>, vector<256x1xi32>, vector<256x32xi32>)  : i32 {
      %gt3A = vector.broadcast %scan3A_55 : vector<256x1xf32> to vector<256x512xf32>
      %gt3A_58 = arith.cmpf ogt, %add3A_39, %gt3A : vector<256x512xf32>
      %eq3A = vector.broadcast %scan3A_55 : vector<256x1xf32> to vector<256x512xf32>
      %eq3A_59 = arith.cmpf oeq, %add3A_39, %eq3A : vector<256x512xf32>
      %gt3A_60 = vector.broadcast %scan3A_56 : vector<256x1xi32> to vector<256x512xi32>
      %gt3A_61 = arith.cmpi sgt, %iota3A, %gt3A_60 : vector<256x512xi32>
      %and3A = arith.andi %eq3A_59, %gt3A_61 : vector<256x512xi1>
      %or3A = arith.ori %gt3A_58, %and3A : vector<256x512xi1>
      %jit3A = arith.constant 3.400000e+38 : f32
      %broadcast_in_dim3A_62 = vector.broadcast %jit3A : f32 to vector<256x512xf32>
      %select_n3A = arith.select %or3A, %add3A_39, %broadcast_in_dim3A_62 : vector<256x512xi1>, vector<256x512xf32>
      %reduce_min3A = arith.constant dense<0x7F800000> : vector<256xf32>
      %reduce_min3A_63 = vector.multi_reduction <minimumf>, %select_n3A, %reduce_min3A [1] : vector<256x512xf32> to vector<256xf32>
      %broadcast_in_dim3A_64 = vector.shape_cast %reduce_min3A_63 : vector<256xf32> to vector<256x1xf32>
      %eq3A_65 = vector.broadcast %broadcast_in_dim3A_64 : vector<256x1xf32> to vector<256x512xf32>
      %eq3A_66 = arith.cmpf oeq, %select_n3A, %eq3A_65 : vector<256x512xf32>
      %jit3A_67 = arith.constant 512 : i32
      %broadcast_in_dim3A_68 = vector.broadcast %jit3A_67 : i32 to vector<256x512xi32>
      %select_n3A_69 = arith.select %eq3A_66, %iota3A, %broadcast_in_dim3A_68 : vector<256x512xi1>, vector<256x512xi32>
      %reduce_min3A_70 = arith.constant dense<2147483647> : vector<256xi32>
      %reduce_min3A_71 = vector.multi_reduction <minsi>, %select_n3A_69, %reduce_min3A_70 [1] : vector<256x512xi32> to vector<256xi32>
      %broadcast_in_dim3A_72 = vector.shape_cast %reduce_min3A_71 : vector<256xi32> to vector<256x1xi32>
      %slice3A = vector.extract_strided_slice %scan3A_57 {offsets = [0, 1], sizes = [256, 31], strides = [1, 1]} : vector<256x32xi32> to vector<256x31xi32>
      %concatenate3A = tpu.concatenate %slice3A, %broadcast_in_dim3A_72 in 1 : vector<256x31xi32>, vector<256x1xi32> -> vector<256x32xi32>
      scf.yield %broadcast_in_dim3A_64, %broadcast_in_dim3A_72, %concatenate3A : vector<256x1xf32>, vector<256x1xi32>, vector<256x32xi32>
    }
    %swap3A = arith.constant 0 : index
    %swap3A_49 = arith.constant 0 : index
    %swap3A_50 = arith.constant 0 : index
    %swap3A_51 = vector.load %arg6[%swap3A, %swap3A_49, %swap3A_50] : memref<1x256x32xi32, #tpu.memory_space<vmem>>, vector<1x256x32xi32>
    %swap3A_52 = vector.shape_cast %swap3A_51 : vector<1x256x32xi32> to vector<256x32xi32>
    %swap3A_53 = vector.shape_cast %scan3A_48#2 : vector<256x32xi32> to vector<1x256x32xi32>
    tpu.vector_store %arg6[%swap3A, %swap3A_49, %swap3A_50], %swap3A_53 {strides = array<i32>} : memref<1x256x32xi32, #tpu.memory_space<vmem>>, vector<1x256x32xi32>,
    return
  }
  func.func @transform_0(%arg0: i32, %arg1: i32) -> (i32, i32, i32) {
    %c0_i32 = arith.constant 0 : i32
    %c0_i32_0 = arith.constant 0 : i32
    return %arg0, %arg1, %c0_i32 : i32, i32, i32
  }
  func.func @transform_1(%arg0: i32, %arg1: i32) -> (i32, i32, i32) {
    %c0_i32 = arith.constant 0 : i32
    %c0_i32_0 = arith.constant 0 : i32
    %c0_i32_1 = arith.constant 0 : i32
    return %arg0, %c0_i32, %c0_i32_0 : i32, i32, i32
  }
  func.func @transform_2(%arg0: i32, %arg1: i32) -> (i32, i32, i32) {
    %c0_i32 = arith.constant 0 : i32
    %c0_i32_0 = arith.constant 0 : i32
    %c0_i32_1 = arith.constant 0 : i32
    return %arg0, %c0_i32, %c0_i32_0 : i32, i32, i32
  }
  func.func @transform_3(%arg0: i32, %arg1: i32) -> (i32, i32, i32) {
    %c0_i32 = arith.constant 0 : i32
    %c0_i32_0 = arith.constant 0 : i32
    %c0_i32_1 = arith.constant 0 : i32
    return %arg0, %c0_i32, %c0_i32_0 : i32, i32, i32
  }
  func.func @transform_4(%arg0: i32, %arg1: i32) -> (i32, i32, i32) {
    %c0_i32 = arith.constant 0 : i32
    %c0_i32_0 = arith.constant 0 : i32
    return %arg0, %arg1, %c0_i32 : i32, i32, i32
  }
}

module attributes {stable_mosaic.version = 14 : i64} {
  func.func @_fps_body(%arg0: memref<4x256xf32, #tpu.memory_space<vmem>>, %arg1: memref<4x256xf32, #tpu.memory_space<vmem>>, %arg2: memref<4x256xf32, #tpu.memory_space<vmem>>, %arg3: memref<4x128xi32, #tpu.memory_space<vmem>>) attributes {dimension_semantics = [], scalar_prefetch = 0 : i64, scratch_operands = 0 : i64, tpu.core_type = #tpu.core_type<tc>} {
    %get3A = arith.constant 0 : index
    %get3A_0 = arith.constant 0 : index
    %get3A_1 = vector.load %arg0[%get3A, %get3A_0] : memref<4x256xf32, #tpu.memory_space<vmem>>, vector<4x256xf32>
    %get3A_2 = arith.constant 0 : index
    %get3A_3 = arith.constant 0 : index
    %get3A_4 = vector.load %arg1[%get3A_2, %get3A_3] : memref<4x256xf32, #tpu.memory_space<vmem>>, vector<4x256xf32>
    %get3A_5 = arith.constant 0 : index
    %get3A_6 = arith.constant 0 : index
    %get3A_7 = vector.load %arg2[%get3A_5, %get3A_6] : memref<4x256xf32, #tpu.memory_space<vmem>>, vector<4x256xf32>
    %iota3A = tpu.iota {dimensions = array<i32: 1>} : vector<4x256xi32>
    %broadcast_in_dim3A = arith.constant 1.000000e+10 : f32
    %broadcast_in_dim3A_8 = vector.broadcast %broadcast_in_dim3A : f32 to vector<4x256xf32>
    %broadcast_in_dim3A_9 = arith.constant 0 : i32
    %broadcast_in_dim3A_10 = vector.broadcast %broadcast_in_dim3A_9 : i32 to vector<4x1xi32>
    %broadcast_in_dim3A_11 = arith.constant 0 : i32
    %broadcast_in_dim3A_12 = vector.broadcast %broadcast_in_dim3A_11 : i32 to vector<4x128xi32>
    %scan3A = arith.constant 0 : i32
    %scan3A_13 = arith.constant 128 : i32
    %scan3A_14 = arith.addi %scan3A, %scan3A_13 : i32
    %scan3A_15 = arith.constant 1 : i32
    %scan3A_16:3 = scf.for %scan3A_19 = %scan3A to %scan3A_14 step %scan3A_15 iter_args(%scan3A_20 = %broadcast_in_dim3A_8, %scan3A_21 = %broadcast_in_dim3A_10, %scan3A_22 = %broadcast_in_dim3A_12) -> (vector<4x256xf32>, vector<4x1xi32>, vector<4x128xi32>)  : i32 {
      %eq3A = vector.broadcast %scan3A_21 : vector<4x1xi32> to vector<4x256xi32>
      %eq3A_23 = arith.cmpi eq, %iota3A, %eq3A : vector<4x256xi32>
      %jit3A = arith.constant 0.000000e+00 : f32
      %broadcast_in_dim3A_24 = vector.broadcast %jit3A : f32 to vector<4x256xf32>
      %select_n3A = arith.select %eq3A_23, %get3A_1, %broadcast_in_dim3A_24 : vector<4x256xi1>, vector<4x256xf32>
      %reduce_sum3A = arith.constant dense<0.000000e+00> : vector<4xf32>
      %reduce_sum3A_25 = vector.multi_reduction <add>, %select_n3A, %reduce_sum3A [1] : vector<4x256xf32> to vector<4xf32>
      %broadcast_in_dim3A_26 = vector.shape_cast %reduce_sum3A_25 : vector<4xf32> to vector<4x1xf32>
      %jit3A_27 = arith.constant 0.000000e+00 : f32
      %broadcast_in_dim3A_28 = vector.broadcast %jit3A_27 : f32 to vector<4x256xf32>
      %select_n3A_29 = arith.select %eq3A_23, %get3A_4, %broadcast_in_dim3A_28 : vector<4x256xi1>, vector<4x256xf32>
      %reduce_sum3A_30 = arith.constant dense<0.000000e+00> : vector<4xf32>
      %reduce_sum3A_31 = vector.multi_reduction <add>, %select_n3A_29, %reduce_sum3A_30 [1] : vector<4x256xf32> to vector<4xf32>
      %broadcast_in_dim3A_32 = vector.shape_cast %reduce_sum3A_31 : vector<4xf32> to vector<4x1xf32>
      %jit3A_33 = arith.constant 0.000000e+00 : f32
      %broadcast_in_dim3A_34 = vector.broadcast %jit3A_33 : f32 to vector<4x256xf32>
      %select_n3A_35 = arith.select %eq3A_23, %get3A_7, %broadcast_in_dim3A_34 : vector<4x256xi1>, vector<4x256xf32>
      %reduce_sum3A_36 = arith.constant dense<0.000000e+00> : vector<4xf32>
      %reduce_sum3A_37 = vector.multi_reduction <add>, %select_n3A_35, %reduce_sum3A_36 [1] : vector<4x256xf32> to vector<4xf32>
      %broadcast_in_dim3A_38 = vector.shape_cast %reduce_sum3A_37 : vector<4xf32> to vector<4x1xf32>
      %sub3A = vector.broadcast %broadcast_in_dim3A_26 : vector<4x1xf32> to vector<4x256xf32>
      %sub3A_39 = arith.subf %get3A_1, %sub3A : vector<4x256xf32>
      %integer_pow3A = arith.mulf %sub3A_39, %sub3A_39 : vector<4x256xf32>
      %sub3A_40 = vector.broadcast %broadcast_in_dim3A_32 : vector<4x1xf32> to vector<4x256xf32>
      %sub3A_41 = arith.subf %get3A_4, %sub3A_40 : vector<4x256xf32>
      %integer_pow3A_42 = arith.mulf %sub3A_41, %sub3A_41 : vector<4x256xf32>
      %add3A = arith.addf %integer_pow3A, %integer_pow3A_42 : vector<4x256xf32>
      %sub3A_43 = vector.broadcast %broadcast_in_dim3A_38 : vector<4x1xf32> to vector<4x256xf32>
      %sub3A_44 = arith.subf %get3A_7, %sub3A_43 : vector<4x256xf32>
      %integer_pow3A_45 = arith.mulf %sub3A_44, %sub3A_44 : vector<4x256xf32>
      %add3A_46 = arith.addf %add3A, %integer_pow3A_45 : vector<4x256xf32>
      %min3A = arith.minimumf %scan3A_20, %add3A_46 : vector<4x256xf32>
      %reduce_max3A = arith.constant dense<0xFF800000> : vector<4xf32>
      %reduce_max3A_47 = vector.multi_reduction <maximumf>, %min3A, %reduce_max3A [1] : vector<4x256xf32> to vector<4xf32>
      %broadcast_in_dim3A_48 = vector.shape_cast %reduce_max3A_47 : vector<4xf32> to vector<4x1xf32>
      %eq3A_49 = vector.broadcast %broadcast_in_dim3A_48 : vector<4x1xf32> to vector<4x256xf32>
      %eq3A_50 = arith.cmpf oeq, %min3A, %eq3A_49 : vector<4x256xf32>
      %jit3A_51 = arith.constant 256 : i32
      %broadcast_in_dim3A_52 = vector.broadcast %jit3A_51 : i32 to vector<4x256xi32>
      %select_n3A_53 = arith.select %eq3A_50, %iota3A, %broadcast_in_dim3A_52 : vector<4x256xi1>, vector<4x256xi32>
      %reduce_min3A = arith.constant dense<2147483647> : vector<4xi32>
      %reduce_min3A_54 = vector.multi_reduction <minsi>, %select_n3A_53, %reduce_min3A [1] : vector<4x256xi32> to vector<4xi32>
      %broadcast_in_dim3A_55 = vector.shape_cast %reduce_min3A_54 : vector<4xi32> to vector<4x1xi32>
      %slice3A = vector.extract_strided_slice %scan3A_22 {offsets = [0, 1], sizes = [4, 127], strides = [1, 1]} : vector<4x128xi32> to vector<4x127xi32>
      %concatenate3A = tpu.concatenate %slice3A, %scan3A_21 in 1 : vector<4x127xi32>, vector<4x1xi32> -> vector<4x128xi32>
      scf.yield %min3A, %broadcast_in_dim3A_55, %concatenate3A : vector<4x256xf32>, vector<4x1xi32>, vector<4x128xi32>
    }
    %swap3A = arith.constant 0 : index
    %swap3A_17 = arith.constant 0 : index
    %swap3A_18 = vector.load %arg3[%swap3A, %swap3A_17] : memref<4x128xi32, #tpu.memory_space<vmem>>, vector<4x128xi32>
    tpu.vector_store %arg3[%swap3A, %swap3A_17], %scan3A_16#2 {strides = array<i32>} : memref<4x128xi32, #tpu.memory_space<vmem>>, vector<4x128xi32>,
    return
  }
}

module attributes {stable_mosaic.version = 14 : i64} {
  func.func @_knn_body(%arg0: i32, %arg1: i32, %arg2: memref<1x128x3xf32, #tpu.memory_space<vmem>>, %arg3: memref<1x1x256xf32, #tpu.memory_space<vmem>>, %arg4: memref<1x1x256xf32, #tpu.memory_space<vmem>>, %arg5: memref<1x1x256xf32, #tpu.memory_space<vmem>>, %arg6: memref<1x128x32xi32, #tpu.memory_space<vmem>>) attributes {dimension_semantics = [#tpu.dimension_semantics<arbitrary>, #tpu.dimension_semantics<arbitrary>], iteration_bounds = array<i64: 4, 1>, scalar_prefetch = 0 : i64, scratch_operands = 0 : i64, tpu.core_type = #tpu.core_type<tc>, window_params = [{transform_indices = @transform_0, window_bounds = array<i64: 1, 128, 3>}, {transform_indices = @transform_1, window_bounds = array<i64: 1, 1, 256>}, {transform_indices = @transform_2, window_bounds = array<i64: 1, 1, 256>}, {transform_indices = @transform_3, window_bounds = array<i64: 1, 1, 256>}, {transform_indices = @transform_4, window_bounds = array<i64: 1, 128, 32>}]} {
    %get3A = arith.constant 0 : index
    %get3A_0 = arith.constant 0 : index
    %get3A_1 = arith.constant 0 : index
    %get3A_2 = vector.load %arg2[%get3A, %get3A_0, %get3A_1] : memref<1x128x3xf32, #tpu.memory_space<vmem>>, vector<1x128x1xf32>
    %get3A_3 = vector.shape_cast %get3A_2 : vector<1x128x1xf32> to vector<128x1xf32>
    %get3A_4 = arith.constant 0 : index
    %get3A_5 = arith.constant 0 : index
    %get3A_6 = arith.constant 1 : index
    %get3A_7 = vector.load %arg2[%get3A_4, %get3A_5, %get3A_6] : memref<1x128x3xf32, #tpu.memory_space<vmem>>, vector<1x128x1xf32>
    %get3A_8 = vector.shape_cast %get3A_7 : vector<1x128x1xf32> to vector<128x1xf32>
    %get3A_9 = arith.constant 0 : index
    %get3A_10 = arith.constant 0 : index
    %get3A_11 = arith.constant 2 : index
    %get3A_12 = vector.load %arg2[%get3A_9, %get3A_10, %get3A_11] : memref<1x128x3xf32, #tpu.memory_space<vmem>>, vector<1x128x1xf32>
    %get3A_13 = vector.shape_cast %get3A_12 : vector<1x128x1xf32> to vector<128x1xf32>
    %get3A_14 = arith.constant 0 : index
    %get3A_15 = arith.constant 0 : index
    %get3A_16 = arith.constant 0 : index
    %get3A_17 = vector.load %arg3[%get3A_14, %get3A_15, %get3A_16] : memref<1x1x256xf32, #tpu.memory_space<vmem>>, vector<1x1x256xf32>
    %get3A_18 = vector.shape_cast %get3A_17 : vector<1x1x256xf32> to vector<1x256xf32>
    %get3A_19 = arith.constant 0 : index
    %get3A_20 = arith.constant 0 : index
    %get3A_21 = arith.constant 0 : index
    %get3A_22 = vector.load %arg4[%get3A_19, %get3A_20, %get3A_21] : memref<1x1x256xf32, #tpu.memory_space<vmem>>, vector<1x1x256xf32>
    %get3A_23 = vector.shape_cast %get3A_22 : vector<1x1x256xf32> to vector<1x256xf32>
    %get3A_24 = arith.constant 0 : index
    %get3A_25 = arith.constant 0 : index
    %get3A_26 = arith.constant 0 : index
    %get3A_27 = vector.load %arg5[%get3A_24, %get3A_25, %get3A_26] : memref<1x1x256xf32, #tpu.memory_space<vmem>>, vector<1x1x256xf32>
    %get3A_28 = vector.shape_cast %get3A_27 : vector<1x1x256xf32> to vector<1x256xf32>
    %sub3A = vector.broadcast %get3A_3 : vector<128x1xf32> to vector<128x256xf32>
    %sub3A_29 = vector.broadcast %get3A_18 : vector<1x256xf32> to vector<128x256xf32>
    %sub3A_30 = arith.subf %sub3A, %sub3A_29 : vector<128x256xf32>
    %integer_pow3A = arith.mulf %sub3A_30, %sub3A_30 : vector<128x256xf32>
    %sub3A_31 = vector.broadcast %get3A_8 : vector<128x1xf32> to vector<128x256xf32>
    %sub3A_32 = vector.broadcast %get3A_23 : vector<1x256xf32> to vector<128x256xf32>
    %sub3A_33 = arith.subf %sub3A_31, %sub3A_32 : vector<128x256xf32>
    %integer_pow3A_34 = arith.mulf %sub3A_33, %sub3A_33 : vector<128x256xf32>
    %add3A = arith.addf %integer_pow3A, %integer_pow3A_34 : vector<128x256xf32>
    %sub3A_35 = vector.broadcast %get3A_13 : vector<128x1xf32> to vector<128x256xf32>
    %sub3A_36 = vector.broadcast %get3A_28 : vector<1x256xf32> to vector<128x256xf32>
    %sub3A_37 = arith.subf %sub3A_35, %sub3A_36 : vector<128x256xf32>
    %integer_pow3A_38 = arith.mulf %sub3A_37, %sub3A_37 : vector<128x256xf32>
    %add3A_39 = arith.addf %add3A, %integer_pow3A_38 : vector<128x256xf32>
    %iota3A = tpu.iota {dimensions = array<i32: 1>} : vector<128x256xi32>
    %broadcast_in_dim3A = arith.constant -3.400000e+38 : f32
    %broadcast_in_dim3A_40 = vector.broadcast %broadcast_in_dim3A : f32 to vector<128x1xf32>
    %broadcast_in_dim3A_41 = arith.constant -1 : i32
    %broadcast_in_dim3A_42 = vector.broadcast %broadcast_in_dim3A_41 : i32 to vector<128x1xi32>
    %broadcast_in_dim3A_43 = arith.constant 0 : i32
    %broadcast_in_dim3A_44 = vector.broadcast %broadcast_in_dim3A_43 : i32 to vector<128x32xi32>
    %scan3A = arith.constant 0 : i32
    %scan3A_45 = arith.constant 32 : i32
    %scan3A_46 = arith.addi %scan3A, %scan3A_45 : i32
    %scan3A_47 = arith.constant 1 : i32
    %scan3A_48:3 = scf.for %scan3A_54 = %scan3A to %scan3A_46 step %scan3A_47 iter_args(%scan3A_55 = %broadcast_in_dim3A_40, %scan3A_56 = %broadcast_in_dim3A_42, %scan3A_57 = %broadcast_in_dim3A_44) -> (vector<128x1xf32>, vector<128x1xi32>, vector<128x32xi32>)  : i32 {
      %gt3A = vector.broadcast %scan3A_55 : vector<128x1xf32> to vector<128x256xf32>
      %gt3A_58 = arith.cmpf ogt, %add3A_39, %gt3A : vector<128x256xf32>
      %eq3A = vector.broadcast %scan3A_55 : vector<128x1xf32> to vector<128x256xf32>
      %eq3A_59 = arith.cmpf oeq, %add3A_39, %eq3A : vector<128x256xf32>
      %gt3A_60 = vector.broadcast %scan3A_56 : vector<128x1xi32> to vector<128x256xi32>
      %gt3A_61 = arith.cmpi sgt, %iota3A, %gt3A_60 : vector<128x256xi32>
      %and3A = arith.andi %eq3A_59, %gt3A_61 : vector<128x256xi1>
      %or3A = arith.ori %gt3A_58, %and3A : vector<128x256xi1>
      %jit3A = arith.constant 3.400000e+38 : f32
      %broadcast_in_dim3A_62 = vector.broadcast %jit3A : f32 to vector<128x256xf32>
      %select_n3A = arith.select %or3A, %add3A_39, %broadcast_in_dim3A_62 : vector<128x256xi1>, vector<128x256xf32>
      %reduce_min3A = arith.constant dense<0x7F800000> : vector<128xf32>
      %reduce_min3A_63 = vector.multi_reduction <minimumf>, %select_n3A, %reduce_min3A [1] : vector<128x256xf32> to vector<128xf32>
      %broadcast_in_dim3A_64 = vector.shape_cast %reduce_min3A_63 : vector<128xf32> to vector<128x1xf32>
      %eq3A_65 = vector.broadcast %broadcast_in_dim3A_64 : vector<128x1xf32> to vector<128x256xf32>
      %eq3A_66 = arith.cmpf oeq, %select_n3A, %eq3A_65 : vector<128x256xf32>
      %jit3A_67 = arith.constant 256 : i32
      %broadcast_in_dim3A_68 = vector.broadcast %jit3A_67 : i32 to vector<128x256xi32>
      %select_n3A_69 = arith.select %eq3A_66, %iota3A, %broadcast_in_dim3A_68 : vector<128x256xi1>, vector<128x256xi32>
      %reduce_min3A_70 = arith.constant dense<2147483647> : vector<128xi32>
      %reduce_min3A_71 = vector.multi_reduction <minsi>, %select_n3A_69, %reduce_min3A_70 [1] : vector<128x256xi32> to vector<128xi32>
      %broadcast_in_dim3A_72 = vector.shape_cast %reduce_min3A_71 : vector<128xi32> to vector<128x1xi32>
      %slice3A = vector.extract_strided_slice %scan3A_57 {offsets = [0, 1], sizes = [128, 31], strides = [1, 1]} : vector<128x32xi32> to vector<128x31xi32>
      %concatenate3A = tpu.concatenate %slice3A, %broadcast_in_dim3A_72 in 1 : vector<128x31xi32>, vector<128x1xi32> -> vector<128x32xi32>
      scf.yield %broadcast_in_dim3A_64, %broadcast_in_dim3A_72, %concatenate3A : vector<128x1xf32>, vector<128x1xi32>, vector<128x32xi32>
    }
    %swap3A = arith.constant 0 : index
    %swap3A_49 = arith.constant 0 : index
    %swap3A_50 = arith.constant 0 : index
    %swap3A_51 = vector.load %arg6[%swap3A, %swap3A_49, %swap3A_50] : memref<1x128x32xi32, #tpu.memory_space<vmem>>, vector<1x128x32xi32>
    %swap3A_52 = vector.shape_cast %swap3A_51 : vector<1x128x32xi32> to vector<128x32xi32>
    %swap3A_53 = vector.shape_cast %scan3A_48#2 : vector<128x32xi32> to vector<1x128x32xi32>
    tpu.vector_store %arg6[%swap3A, %swap3A_49, %swap3A_50], %swap3A_53 {strides = array<i32>} : memref<1x128x32xi32, #tpu.memory_space<vmem>>, vector<1x128x32xi32>,
    return
  }
  func.func @transform_0(%arg0: i32, %arg1: i32) -> (i32, i32, i32) {
    %c0_i32 = arith.constant 0 : i32
    %c0_i32_0 = arith.constant 0 : i32
    return %arg0, %arg1, %c0_i32 : i32, i32, i32
  }
  func.func @transform_1(%arg0: i32, %arg1: i32) -> (i32, i32, i32) {
    %c0_i32 = arith.constant 0 : i32
    %c0_i32_0 = arith.constant 0 : i32
    %c0_i32_1 = arith.constant 0 : i32
    return %arg0, %c0_i32, %c0_i32_0 : i32, i32, i32
  }
  func.func @transform_2(%arg0: i32, %arg1: i32) -> (i32, i32, i32) {
    %c0_i32 = arith.constant 0 : i32
    %c0_i32_0 = arith.constant 0 : i32
    %c0_i32_1 = arith.constant 0 : i32
    return %arg0, %c0_i32, %c0_i32_0 : i32, i32, i32
  }
  func.func @transform_3(%arg0: i32, %arg1: i32) -> (i32, i32, i32) {
    %c0_i32 = arith.constant 0 : i32
    %c0_i32_0 = arith.constant 0 : i32
    %c0_i32_1 = arith.constant 0 : i32
    return %arg0, %c0_i32, %c0_i32_0 : i32, i32, i32
  }
  func.func @transform_4(%arg0: i32, %arg1: i32) -> (i32, i32, i32) {
    %c0_i32 = arith.constant 0 : i32
    %c0_i32_0 = arith.constant 0 : i32
    return %arg0, %arg1, %c0_i32 : i32, i32, i32
  }
}

</mosaic_0001>

<sc_bundles>
// kernel: gather_offload_async_start.1
scs
__scs_entry_jumppad:
0x0: {  	(pc) =	sbr.rel $0x88, $3  }
0x1: {  	(tag) =	ssettag $0x0;
	lr =	simm.s32 $0x1  }
0x2: {  	[smem:$0x3F02] =	sst lr;
	_ =	strace $0xD0000000  }
0x3: {  	_ = 	snop  }
0x4: {  	_ = 	snop  }
0x5: {  	_ = 	snop  }
0x6: {  	_ = 	snop  }
0x7: {  	_ = 	snop  }
__scs_overlays_trampoline_lowered:
0x8: {  	[smem:$0x3F11] =	sst s0  }
0x9: {  	[smem:$0x3F12] =	sst s1  }
0xa: {  	[smem:$0x3F13] =	sst s2  }
0xb: {  	[smem:$0x3F14] =	sst s3  }
0xc: {  	[smem:$0x3F15] =	sst s4  }
0xd: {  	[smem:$0x3F16] =	sst s5  }
0xe: {  	[smem:$0x3F17] =	sst s6  }
0xf: {  	[smem:$0x3F18] =	sst s7  }
0x10: {  	[smem:$0x3F19] =	sst s8  }
0x11: {  	[smem:$0x3F1A] =	sst s9;
	s0 =	simm.s32 @!p0 $0x0  }
0x12: {  	s1 =	sld [smem:$0x3F00];
	s0 =	simm.s32 @p0 $0x1  }
0x13: {  	[smem:$0x3F1B] =	sst s0;
	s0 =	simm.s32 @!p1 $0x0  }
0x14: {  	s2 =	sld [smem:$0x3EFF];
	s0 =	simm.s32 @p1 $0x1  }
0x15: {  	[smem:$0x3F1C] =	sst s0;
	s0 =	simm.s32 @!p2 $0x0  }
0x16: {  	s3 =	sld [smem:$0x3FDB];
	s0 =	simm.s32 @p2 $0x1  }
0x17: {  	s4 =	simm.s32 $0x1BF5;
	[smem:$0x3F1E] =	sst s0  }
0x18: {  	s0 =	sld [smem:$0x3F01];
	_ =	swait.ge [sflag:s4], $0x0  }
0x19: {  	s7 =	sld [smem:$0x3F02]  }
0x1a: {  	s8 =	sadd.s32 $0xFFFFE003, lr  }
0x1b: {  	s9 =	sadd.s32 $0xFFFFFEF7, lr;
	s5 =	simm.s32 $0xFFFFFFFF;
	p2 =	slt.u32 s8, $0xFFFFF086  }
0x1c: {  	p1 =	slt.u32 s9, $0xF7A;
	s5 =	simm.s32 @!p2 $0x0  }
0x1d: {  	s5 =	simm.s32 @p1 $0x1;
	p0 =	seq.s32 s7, s2  }
0x1e: {  	s7 =	smul.u32 @!p0 $0xF7A, s2;
	p2 =	seq.s32 @!p0 s5, $0x0  }
0x1f: {  	s9 =	smul.u32 $0xF7A, s1;
	s8 =	simm.s32 @!p0 $0x1BF5;
	p2 =	por !p2, p0  }
0x20: {  	[sflag:s8] =	ssyncset.s32 @!p0 $0xFFFFF086;
	s6 =	sadd.s32 @!p0 s3, s7;
	s7 =	simm.s32 @!p0 $0x108  }
0x21: {  	s3 =	sadd.s32 s3, s9;
	s6 =	sadd.s32 @!p0 $0x88, s6;
	s7 =	simm.s32 @p2 $0x1082  }
0x22: {  	[simem:s7], [sflag:s8] =	dma.local @!p0 [hbm:s6], $0xF7A  }
0x23: {  	s9 =	sor.u32 $0xD0000000, s2;
	s6 =	simm.s32 $0x108;
	_ =	swait.ge @!p0 [sflag:s8], $0x0  }
0x24: {  	s3 =	sadd.s32 $0x88, s3;
	s6 =	simm.s32 @!p1 $0x1082;
	[sflag:s4] =	ssyncset.s32 $0xFFFFF086  }
0x25: {  	[simem:s6], [sflag:s4] =	dma.local [hbm:s3], $0xF7A  }
0x26: {  	[smem:$0x3F02] =	sst s1;
	(tag) =	ssettag s2;
	_ =	strace s9  }
0x27: {  	s1 =	sld [smem:$0x3F12]  }
0x28: {  	s2 =	sld [smem:$0x3F13]  }
0x29: {  	s4 =	sld [smem:$0x3F15]  }
0x2a: {  	p0 =	seq.s32 s5, $0x0;
	s5 =	sld [smem:$0x3F16]  }
0x2b: {  	s6 =	sld [smem:$0x3F17]  }
0x2c: {  	s7 =	sld [smem:$0x3F18]  }
0x2d: {  	s3 =	simm.s32 $0x108;
	s8 =	sld [smem:$0x3F19]  }
0x2e: {  	s3 =	simm.s32 @!p0 $0x1082;
	s9 =	sld [smem:$0x3F1A]  }
0x2f: {  	lr =	sadd.s32 s0, s3;
	s0 =	sld [smem:$0x3F11]  }
0x30: {  	s3 =	sld [smem:$0x3F14]  }
0x31: {  	[smem:$0x3F1D] =	sst s10  }
0x32: {  	s10 =	sld [smem:$0x3F1B];
	_ =	sdelay $0x3  }
0x33: {  	p0 =	seq.s32 s10, $0x1;
	s10 =	sld [smem:$0x3F1D];
	_ =	sdelay $0x3  }
0x34: {  	[smem:$0x3F1D] =	sst s10  }
0x35: {  	s10 =	sld [smem:$0x3F1C];
	_ =	sdelay $0x3  }
0x36: {  	p1 =	seq.s32 s10, $0x1;
	s10 =	sld [smem:$0x3F1D];
	_ =	sdelay $0x3  }
0x37: {  	[smem:$0x3F1D] =	sst s10  }
0x38: {  	s10 =	sld [smem:$0x3F1E]  }
0x39: {  	_ = 	snop;
	(pc) =	sbr.ind lr, $3  }
0x3a: {  	_ = 	snop  }
0x3b: {  	_ = 	snop  }
0x3c: {  	p2 =	seq.s32 s10, $0x1;
	s10 =	sld [smem:$0x3F1D]  }
0x3d: {  	_ =	shalt  }
0x3e: {  	_ =	shalt  }
0x3f: {  	_ =	shalt  }
0x40: {  	_ =	shalt  }
0x41: {  	_ =	shalt  }
0x42: {  	_ =	shalt  }
0x43: {  	_ =	shalt  }
0x44: {  	_ =	shalt  }
0x45: {  	_ =	shalt  }
0x46: {  	_ =	shalt  }
0x47: {  	_ =	shalt  }
0x48: {  	_ =	shalt  }
0x49: {  	_ =	shalt  }
0x4a: {  	_ =	shalt  }
0x4b: {  	_ =	shalt  }
0x4c: {  	_ =	shalt  }
0x4d: {  	_ =	shalt  }
0x4e: {  	_ =	shalt  }
0x4f: {  	_ =	shalt  }
0x50: {  	_ =	shalt  }
0x51: {  	_ =	shalt  }
0x52: {  	_ =	shalt  }
0x53: {  	_ =	shalt  }
0x54: {  	_ =	shalt  }
0x55: {  	_ =	shalt  }
0x56: {  	_ =	shalt  }
0x57: {  	_ =	shalt  }
0x58: {  	_ =	shalt  }
0x59: {  	_ =	shalt  }
0x5a: {  	_ =	shalt  }
0x5b: {  	_ =	shalt  }
0x5c: {  	_ =	shalt  }
0x5d: {  	_ =	shalt  }
0x5e: {  	_ =	shalt  }
0x5f: {  	_ =	shalt  }
0x60: {  	_ =	shalt  }
0x61: {  	_ =	shalt  }
0x62: {  	_ =	shalt  }
0x63: {  	_ =	shalt  }
0x64: {  	_ =	shalt  }
0x65: {  	_ =	shalt  }
0x66: {  	_ =	shalt  }
0x67: {  	_ =	shalt  }
0x68: {  	_ =	shalt  }
0x69: {  	_ =	shalt  }
0x6a: {  	_ =	shalt  }
0x6b: {  	_ =	shalt  }
0x6c: {  	_ =	shalt  }
0x6d: {  	_ =	shalt  }
0x6e: {  	_ =	shalt  }
0x6f: {  	_ =	shalt  }
0x70: {  	_ =	shalt  }
0x71: {  	_ =	shalt  }
0x72: {  	_ =	shalt  }
0x73: {  	_ =	shalt  }
0x74: {  	_ =	shalt  }
0x75: {  	_ =	shalt  }
0x76: {  	_ =	shalt  }
0x77: {  	_ =	shalt  }
0x78: {  	_ =	shalt  }
0x79: {  	_ =	shalt  }
0x7a: {  	_ =	shalt  }
0x7b: {  	_ =	shalt  }
0x7c: {  	_ =	shalt  }
0x7d: {  	_ =	shalt  }
0x7e: {  	_ =	shalt  }
0x7f: {  	_ =	shalt  }
0x80: {  	_ =	shalt  }
0x81: {  	_ =	shalt  }
0x82: {  	_ =	shalt  }
0x83: {  	_ =	shalt  }
0x84: {  	_ =	shalt  }
0x85: {  	_ =	shalt  }
0x86: {  	_ =	shalt  }
0x87: {  	_ =	shalt  }
.Lfunc_end0:
.L_simem_size_0:
called_computation.2_lowered:
.L_overlay_start_0:
0x88: {  	s2 =	sld [smem:$0x3FD9]  }
0x89: {  	s3 =	sld [smem:$0x3FFE];
	_ =	sdelay $0x1  }
0x8a: {  	s1 =	srdreg.scid  }
0x8b: {  	s0 =	sand.u32 $0x1, s1  }
0x8c: {  	s13 =	sshll.u32 s0, $0xA;
	s2 =	sadd.s32 s3, s2  }
0x8d: {  	s2 =	sadd.s32 s2, s13  }
0x8e: {  	[smem:$0x3F29] =	sst s2  }
0x8f: {  	_ = 	snop  }
0x90: {  	s2 =	sld [smem:$0x3FD0];
	_ =	sdelay $0x3  }
0x91: {  	s4 =	simm.s32 $0xB;
	s5 =	simm.s32 $0x10;
	s14 =	sadd.s32 $0x1, s2  }
0x92: {  	[smem:s5], [sflag:s4] =	dma.local [hbm:s14], $0x1  }
0x93: {  	_ =	swait.eq [sflag:s4], $0x1  }
0x94: {  	[sflag:s4] =	ssyncset.done $0x0  }
0x95: {  	[sflag:s4] =	ssyncadd.s32 $0xFFFFFFFF  }
0x96: {  	s15 =	sld [smem:$0x10]  }
0x97: {  	[smem:s5], [sflag:s4] =	dma.local [hbm:s2], $0x1  }
0x98: {  	_ =	swait.eq [sflag:s4], $0x1  }
0x99: {  	[sflag:s4] =	ssyncset.done $0x0  }
0x9a: {  	[sflag:s4] =	ssyncadd.s32 $0xFFFFFFFF  }
0x9b: {  	s16 =	sld [smem:$0x13];
	(tm) =	ssettm $0x1  }
0x9c: {  	s17 =	sld [smem:$0x3FFB];
	_ =	sdelay $0x3  }
0x9d: {  	_ =	strace s17  }
0x9e: {  	s4 =	sld [smem:$0x3FFC];
	_ =	sdelay $0x3  }
0x9f: {  	_ =	strace s4  }
0xa0: {  	s4 =	sld [smem:$0x3FFD];
	_ =	sdelay $0x3  }
0xa1: {  	_ =	strace s4  }
0xa2: {  	_ =	strace $0x8FFFFFFF  }
0xa3: {  	s18 =	sld [smem:$0x3FDB];
	_ =	sdelay $0x1  }
0xa4: {  	s19 =	simm.s32 $_scs_section_size  }
0xa5: {  	s6 =	simm.s32 $_size__tile_overlayer_lowered;
	s7 =	simm.s32 $_tile_overlayer_lowered  }
0xa6: {  	s22 =	simm.s32 $0x1BFF;
	s21 =	sshll.u32 s7, $0x1;
	s4 =	sadd.s32 s19, s18  }
0xa7: {  	s8 =	simm.s32 $0x0;
	s20 =	sshll.u32 s6, $0x1;
	s6 =	sadd.s32 s21, s4  }
0xa8: {  	[timem:s8], [sflag:s22] =	dma.local [hbm:s6], s20  }
0xa9: {  	_ =	swait.ge [sflag:s22], s20  }
0xaa: {  	s5 =	ssub.s32 $0x0, s20;
	[sflag:s22] =	ssyncset.done $0x0  }
0xab: {  	[sflag:s22] =	ssyncadd.s32 s5;
	_ =	sdelay $0x1  }
0xac: {  	s23 =	simm.s32 $0x1B8B  }
0xad: {  	_ =	swait.ge [sflag:s23], $0x1  }
0xae: {  	[sflag:s23] =	ssyncset.done $0x0  }
0xaf: {  	s25 =	simm.s32 $0x1B8E;
	s24 =	sld [smem:$0x3FFE];
	[sflag:s23] =	ssyncadd.s32 $0xFFFFFFFF  }
0xb0: {  	s26 =	simm.s32 $execute0_lowered;
	[smem:$0x3FD2] =	sst s25  }
0xb1: {  	s6 =	sshll.u32 s26, $0x1;
	_ =	strace $0x8000004F;
	[dreg:$0x1] =	wrdreg $0xFFFFFFFF  }
0xb2: {  	s28 =	simm.s32 $_size_execute0_lowered;
	s4 =	sadd.s32 s4, s6;
	[dreg:$0x0] =	wrdreg $0x0  }
0xb3: {  	s6 =	sshll.u32 s28, $0x1;
	[dreg:$0x2] =	wrdreg s4  }
0xb4: {  	[dreg:$0x3] =	wrdreg s6  }
0xb5: {  	[dreg:$0x4] =	wrdreg $0xC0  }
0xb6: {  	_ =	task [dreg:s8], $0x5FFFF  }
0xb7: {  	[dreg:$0x1] =	wrdreg $0xFFFFFFFF  }
0xb8: {  	[dreg:$0x0] =	wrdreg $0x60  }
0xb9: {  	[dreg:$0x2] =	wrdreg s24  }
0xba: {  	[dreg:$0x3] =	wrdreg s16  }
0xbb: {  	[dreg:$0x4] =	wrdreg s15  }
0xbc: {  	[dreg:$0x5] =	wrdreg $0xA  }
0xbd: {  	_ =	task.clear_ibuf [dreg:s8], $0x6FFFF;
	_ =	strace $0x9000004F  }
0xbe: {  	s29 =	simm.s32 $0xA;
	_ =	strace $0x80000051  }
0xbf: {  	_ =	swait.ge [sflag:s29], $0x1  }
0xc0: {  	[sflag:s29] =	ssyncadd.s32 $0xFFFFFFFF  }
0xc1: {  	_ =	strace $0x90000051  }
0xc2: {  	_ =	sfence  }
0xc3: {  	s30 =	sld [smem:$0x0];
	_ =	sdelay $0x2  }
0xc4: {  	s31 =	sshll.u32 s1, $0xD;
	s1 =	sshrl.u32 s1, $0x2  }
0xc5: {  	s3 =	sand.u32 $0x4000, s31;
	s1 =	sadd.s32 s1, s30  }
0xc6: {  	s0 =	sor.u32 s3, s0;
	s1 =	sshll.u32 s1, $0x11  }
0xc7: {  	s0 =	sor.u32 s1, s0  }
0xc8: {  	s0 =	sadd.s32 $0x8F2B, s0  }
0xc9: {  	[sflag:s0] =	ssyncadd.remote.s32 $0x1  }
0xca: {  	_ =	sfence.sel $0xFFFF  }
0xcb: {  	[dreg:$0x0] =	wrdreg $0xFFFFFFFF;
	(pc) =	sbr.abs _section_cstart, $3  }
0xcc: {  	[dreg:$0x1] =	wrdreg $0xFFFFFFFF  }
0xcd: {  	_ =	task.clear_ibuf [dreg:s8], $0x2FFFF;
	_ =	strace $0x9FFFFFFF  }
0xce: {  	(tm) =	ssettm $0x7FFFFFFF  }
0xcf: {  	_ =	shalt  }
tec
execute0_lowered:
.L_overlay_start_1:
0x0: {  	(tag) =	ssettag $0x1  }
0x1: {  	s7 =	rddreg [dreg:$0x0]  }
0x2: {  	s2 =	rddreg [dreg:$0x1]  }
0x3: {  	s3 =	rddreg [dreg:$0x2]  }
0x4: {  	s0 =	rddreg [dreg:$0x3];
	s1 =	srdreg.scid;
	_ =	strace $0x80000050  }
0x5: {  	s4 =	simm.s32 $0x1;
	s9 =	simm.s32 $0x3;
	s5 =	sshll.u32 s1, $0x4  }
.Ltmp0:
0x6: {  	s1 =	stileid.u32;
	s5 =	sand.u32 $0x10, s5;
	(pc) =	sbr.rel .LBB2_1-.Ltmp0, $4  }
0x7: {  	s12 =	simm.s32 $0x0;
	s10 =	simm.s32 $0x0;
	s6 =	sor.u32 s1, s5  }
0x8: {  	[sflag:s4] =	ssyncpa.u1 $0x0;
	s5 =	simm.s32 $0x2;
	s6 =	sshll.u32 s6, $0x6  }
0x9: {  	s7 =	sadd.s32 $0x26400, s7;
	[sflag:s5] =	ssyncpa.u1 $0x0;
	s8 =	sadd.s32 $0x40, s6  }
0xa: {  	vm0 =	vmmov $0xff;
	vm1 =	vcmask $0x3F20;
	[sflag:s9] =	ssyncpa.u1 $0x0;
	s9 =	simm.s32 $0x40;
	s11 =	smov.u32 s6  }
.LBB2_9:
0xb: {  	p0 =	seq.s32 s10, $0x2  }
.Ltmp1:
0xc: {  	_ = 	snop;
	(pc) =	sbr.rel @p0 .LBB2_11-.Ltmp1, $1  }
0xd: {  	_ =	sdelay $0x3  }
.LBB2_10:
0xe: {  	s12 =	sadd.s32 $0x40, s11  }
0xf: {  	s13 =	smov.u32 s6;
	p0 =	slt.s32 s12, s8  }
0x10: {  	s13 =	smov.u32 @p0 s12  }
0x11: {  	s10 =	sadd.s32 $0x1, s10;
	s12 =	smov.u32 s11;
	s11 =	smov.u32 s13  }
.LBB2_1:
0x12: {  	p0 =	sne.s32 s10, $0x0  }
.Ltmp2:
0x13: {  	_ = 	snop;
	(pc) =	sbr.rel @!p0 .LBB2_2-.Ltmp2, $1  }
0x14: {  	_ =	sdelay $0x3  }
0x15: {  	s13 =	sand.u32 $0x1, s10  }
0x16: {  	p0 =	seq.s32 s13, $0x0  }
.Ltmp3:
0x17: {  	_ = 	snop;
	(pc) =	sbr.rel @p0 .LBB2_9-.Ltmp3, $1  }
0x18: {  	_ =	sdelay $0x3  }
0x19: {  	_ =	swait.ge [sflag:s5], $0x40  }
0x1a: {  	[sflag:s5] =	ssyncset.done $0x0  }
0x1b: {  	s13 =	simm.s32 $0x0;
	[sflag:s5] =	ssyncadd.s32 $0xFFFFFFC0  }
0x1c: {  	v0 =	vld.msk [tilespmem:s13+$0x40 ss:$0x1], $0xffff;
	_ =	sdelay $0x4  }
0x1d: {  	v1 =	vshll.u32 v0, $0x5  }
0x1e: {  	vm2 =	veq.s32 v0, $0x80000000;
	v0 =	vshll.u32 v0, $0x11;
	v1 =	vand.u32 $0x1FF80, v1  }
0x1f: {  	v0 =	vand.u32 $0x60000, v0;
	v1 =	vsel vm2, $0xFFFFFF80, v1  }
0x20: {  	v0 =	vsel vm2, $0xFFFE0000, v0;
	v2 =	vand.u32 $0xFFFFFC00, v1  }
0x21: {  	v1 =	vand.u32 $0x380, v1;
	v0 =	vadd.s32 v0, v2  }
0x22: {  	v0 =	vor.u32 v1, v0  }
0x23: {  	v0 =	vshrl.u32 v0, $0x3;
	_ =	sdelay $0x3  }
0x24: {  	s13 =	simm.s32 $0x2080  }
0x25: {  	[tilespmem:s13], [sflag:$0x1] =	stream.indirect_vreg.gather [hbm:s7], $0x80, v0, vm0, $0x38;
	[tilespmem:$0x4080] =	vst v63  }
0x26: {  	s14 =	simm.s32 $0x2480;
	s31 =	simm.s32 $0x10  }
0x27: {  	[tilespmem:s14], [sflag:$0x1] =	stream.indirect_vreg.gather [hbm:s7], $0x80, v0, vm1, $0x38;
	[tilespmem:$0x4080] =	vst v63  }
0x28: {  	s14 =	simm.s32 $0x80;
	v0 =	vld.msk [tilespmem:s31+$0x40 ss:$0x1], $0xffff  }
.LBB2_5:
0x29: {  	p0 =	sne.s32 s14, $0xC0;
	_ =	sdelay $0x4  }
0x2a: {  	v1 =	vshll.u32 v0, $0x5  }
0x2b: {  	vm2 =	veq.s32 v0, $0x80000000;
	v0 =	vshll.u32 v0, $0x11;
	v1 =	vand.u32 $0x1FF80, v1  }
0x2c: {  	v0 =	vand.u32 $0x60000, v0;
	v1 =	vsel vm2, $0xFFFFFF80, v1  }
0x2d: {  	v0 =	vsel vm2, $0xFFFE0000, v0;
	v2 =	vand.u32 $0xFFFFFC00, v1  }
0x2e: {  	v1 =	vand.u32 $0x380, v1;
	v0 =	vadd.s32 v0, v2  }
0x2f: {  	v0 =	vor.u32 v1, v0  }
0x30: {  	v0 =	vshrl.u32 v0, $0x3;
	_ =	sdelay $0x3  }
.Ltmp4:
0x31: {  	s13 =	sadd.s32 $0x800, s13;
	(pc) =	sbr.rel @p0 .LBB2_5-.Ltmp4, $4  }
0x32: {  	[tilespmem:s13], [sflag:$0x1] =	stream.indirect_vreg.gather [hbm:s7], $0x80, v0, vm0, $0x38;
	[tilespmem:$0x4080] =	vst v63  }
0x33: {  	s15 =	sshra.s32 s14, $0x2;
	s16 =	sadd.s32 $0x400, s13  }
0x34: {  	[tilespmem:s16], [sflag:$0x1] =	stream.indirect_vreg.gather [hbm:s7], $0x80, v0, vm1, $0x38;
	[tilespmem:$0x4080] =	vst v63  }
0x35: {  	s14 =	sadd.s32 $0x40, s14;
	v0 =	vld.msk [tilespmem:s15+$0x40 ss:$0x1], $0xffff  }
0x36: {  	_ =	sdelay $0x3  }
0x37: {  	v1 =	vshll.u32 v0, $0x5  }
0x38: {  	vm2 =	veq.s32 v0, $0x80000000;
	v63 =	vshll.u32 v0, $0x11;
	v1 =	vand.u32 $0x1FF80, v1  }
0x39: {  	v0 =	vand.u32 $0x60000, v63;
	v1 =	vsel vm2, $0xFFFFFF80, v1  }
0x3a: {  	v0 =	vsel vm2, $0xFFFE0000, v0;
	v2 =	vand.u32 $0xFFFFFC00, v1  }
0x3b: {  	v1 =	vand.u32 $0x380, v1;
	v0 =	vadd.s32 v0, v2  }
0x3c: {  	v0 =	vor.u32 v1, v0  }
0x3d: {  	v0 =	vshrl.u32 v0, $0x3;
	_ =	sdelay $0x3  }
0x3e: {  	s13 =	sadd.s32 $0x800, s13  }
0x3f: {  	[tilespmem:s13], [sflag:$0x1] =	stream.indirect_vreg.gather [hbm:s7], $0x80, v0, vm0, $0x38;
	[tilespmem:$0x4080] =	vst v63  }
0x40: {  	s13 =	sadd.s32 $0x400, s13  }
0x41: {  	[tilespmem:s13], [sflag:$0x1] =	stream.indirect_vreg.gather [hbm:s7], $0x80, v0, vm1, $0x38;
	[tilespmem:$0x4080] =	vst v63  }
0x42: {  	s12 =	sshll.u32 s12, $0x4;
	s14 =	simm.s32 $0x80;
	_ =	swait.ge [sflag:s4], $0x2000  }
0x43: {  	s15 =	simm.s32 $0x2480;
	s12 =	sadd.s32 s12, s3;
	[sflag:s4] =	ssyncset.done $0x0  }
0x44: {  	s16 =	sadd.s32 $0x0, s12;
	s13 =	simm.s32 $0x2080;
	[sflag:s4] =	ssyncadd.s32 $0xFFFFE000  }
.LBB2_7:
0x45: {  	[hbm:s16] =	stream.linear.scatter [tilespmem:s13], [sflag:$0x3], $0x400, $0x38;
	[tilespmem:$0x4080] =	vst v63  }
0x46: {  	s16 =	smov.u32 s14;
	s13 =	smov.u32 s15;
	p0 =	sne.s32 s14, $0x380  }
.Ltmp5:
0x47: {  	s14 =	sadd.s32 $0x80, s14;
	(pc) =	sbr.rel @p0 .LBB2_7-.Ltmp5, $2  }
0x48: {  	_ =	sdelay $0x2  }
0x49: {  	s15 =	sadd.s32 $0x400, s15;
	s16 =	sadd.s32 s16, s12  }
.Ltmp6:
0x4a: {  	(pc) =	sbr.rel .LBB2_9-.Ltmp6, $2  }
0x4b: {  	_ =	sdelay $0x2  }
0x4c: {  	[hbm:s16] =	stream.linear.scatter [tilespmem:s13], [sflag:$0x3], $0x400, $0x38;
	[tilespmem:$0x4080] =	vst v63  }
.LBB2_2:
.Ltmp7:
0x4d: {  	(pc) =	sbr.rel .LBB2_10-.Ltmp7, $4  }
0x4e: {  	_ = 	snop  }
0x4f: {  	s12 =	sshrl.u32 s11, $0x3  }
0x50: {  	s13 =	sand.u32 $0x7, s11;
	s12 =	sadd.s32 s2, s12  }
0x51: {  	[tilespmem:s9], [sflag:$0x2] =	stream.linear.gather [hbm4b:s12+s13], $0x40, $0x38;
	[tilespmem:$0x4080] =	vst v63  }
.LBB2_11:
0x52: {  	s2 =	simm.s32 $0x3  }
0x53: {  	_ =	swait.ge [sflag:s2], $0x2000  }
0x54: {  	[sflag:s2] =	ssyncset.done $0x0  }
0x55: {  	[sflag:s2] =	ssyncadd.s32 $0xFFFFE000  }
0x56: {  	_ =	sfence.sel $0x180000  }
0x57: {  	s3 =	simm.s32 $0x2;
	[bflag:$0x0] =	sbarrier.arrive $0xFFFF  }
0x58: {  	[sflag:s3] =	ssyncpa.u1 $0x1  }
0x59: {  	s31 =	simm.s32 $0x1;
	[sflag:s2] =	ssyncpa.u1 $0x1  }
0x5a: {  	[sflag:s31] =	ssyncpa.u1 $0x1  }
0x5b: {  	p0 =	sne.s32 s1, $0x0;
	_ =	strace $0x90000050  }
0x5c: {  	s0 =	sadd.s32 @!p0 $0x100000, s0;
	[bflag:$0x2] =	sbarrier.arrive $0xFFFF  }
0x5d: {  	[sflag:s0] =	ssyncadd.tile.s32 @!p0 $0x1;
	_ =	shalt  }
.Lfunc_end2:
_tile_overlayer_lowered:
.L_overlay_start_2:
0x5e: {  	(tag) =	ssettag $0x2  }
0x5f: {  	s0 =	rddreg [dreg:$0x0];
	s2 =	stileid.u32  }
0x60: {  	s1 =	rddreg [dreg:$0x1];
	p0 =	sne.s32 s2, $0x0  }
0x61: {  	s3 =	rddreg [dreg:$0x2];
	[bflag:$0x3] =	sbarrier.arrive $0xFFFF;
	s2 =	simm.s32 @!p0 $0x1C01  }
0x62: {  	[timem:s3], [sflag:s2] =	dma.local @!p0 [hbm:s0], s1  }
0x63: {  	s0 =	simm.s32 @!p0 $0x1  }
0x64: {  	_ =	swait.ge @!p0 [sflag:s0], s1  }
0x65: {  	s1 =	ssub.s32 @!p0 $0x0, s1;
	[sflag:s0] =	ssyncset.done @!p0 $0x0  }
0x66: {  	[sflag:s0] =	ssyncadd.s32 @!p0 s1  }
0x67: {  	[bflag:$0x3] =	sbarrier.arrive $0xFFFF  }
0x68: {  	_ =	shalt  }

// kernel: gather_offload_async_start.2
scs
__scs_entry_jumppad:
0x0: {  	(pc) =	sbr.rel $0x88, $3  }
0x1: {  	(tag) =	ssettag $0x0;
	lr =	simm.s32 $0x1  }
0x2: {  	[smem:$0x3F02] =	sst lr;
	_ =	strace $0xD0000000  }
0x3: {  	_ = 	snop  }
0x4: {  	_ = 	snop  }
0x5: {  	_ = 	snop  }
0x6: {  	_ = 	snop  }
0x7: {  	_ = 	snop  }
__scs_overlays_trampoline_lowered:
0x8: {  	[smem:$0x3F11] =	sst s0  }
0x9: {  	[smem:$0x3F12] =	sst s1  }
0xa: {  	[smem:$0x3F13] =	sst s2  }
0xb: {  	[smem:$0x3F14] =	sst s3  }
0xc: {  	[smem:$0x3F15] =	sst s4  }
0xd: {  	[smem:$0x3F16] =	sst s5  }
0xe: {  	[smem:$0x3F17] =	sst s6  }
0xf: {  	[smem:$0x3F18] =	sst s7  }
0x10: {  	[smem:$0x3F19] =	sst s8  }
0x11: {  	[smem:$0x3F1A] =	sst s9;
	s0 =	simm.s32 @!p0 $0x0  }
0x12: {  	s1 =	sld [smem:$0x3F00];
	s0 =	simm.s32 @p0 $0x1  }
0x13: {  	[smem:$0x3F1B] =	sst s0;
	s0 =	simm.s32 @!p1 $0x0  }
0x14: {  	s2 =	sld [smem:$0x3EFF];
	s0 =	simm.s32 @p1 $0x1  }
0x15: {  	[smem:$0x3F1C] =	sst s0;
	s0 =	simm.s32 @!p2 $0x0  }
0x16: {  	s3 =	sld [smem:$0x3FDB];
	s0 =	simm.s32 @p2 $0x1  }
0x17: {  	s4 =	simm.s32 $0x1BF5;
	[smem:$0x3F1E] =	sst s0  }
0x18: {  	s0 =	sld [smem:$0x3F01];
	_ =	swait.ge [sflag:s4], $0x0  }
0x19: {  	s7 =	sld [smem:$0x3F02]  }
0x1a: {  	s8 =	sadd.s32 $0xFFFFE003, lr  }
0x1b: {  	s9 =	sadd.s32 $0xFFFFFEF7, lr;
	s5 =	simm.s32 $0xFFFFFFFF;
	p2 =	slt.u32 s8, $0xFFFFF086  }
0x1c: {  	p1 =	slt.u32 s9, $0xF7A;
	s5 =	simm.s32 @!p2 $0x0  }
0x1d: {  	s5 =	simm.s32 @p1 $0x1;
	p0 =	seq.s32 s7, s2  }
0x1e: {  	s7 =	smul.u32 @!p0 $0xF7A, s2;
	p2 =	seq.s32 @!p0 s5, $0x0  }
0x1f: {  	s9 =	smul.u32 $0xF7A, s1;
	s8 =	simm.s32 @!p0 $0x1BF5;
	p2 =	por !p2, p0  }
0x20: {  	[sflag:s8] =	ssyncset.s32 @!p0 $0xFFFFF086;
	s6 =	sadd.s32 @!p0 s3, s7;
	s7 =	simm.s32 @!p0 $0x108  }
0x21: {  	s3 =	sadd.s32 s3, s9;
	s6 =	sadd.s32 @!p0 $0x88, s6;
	s7 =	simm.s32 @p2 $0x1082  }
0x22: {  	[simem:s7], [sflag:s8] =	dma.local @!p0 [hbm:s6], $0xF7A  }
0x23: {  	s9 =	sor.u32 $0xD0000000, s2;
	s6 =	simm.s32 $0x108;
	_ =	swait.ge @!p0 [sflag:s8], $0x0  }
0x24: {  	s3 =	sadd.s32 $0x88, s3;
	s6 =	simm.s32 @!p1 $0x1082;
	[sflag:s4] =	ssyncset.s32 $0xFFFFF086  }
0x25: {  	[simem:s6], [sflag:s4] =	dma.local [hbm:s3], $0xF7A  }
0x26: {  	[smem:$0x3F02] =	sst s1;
	(tag) =	ssettag s2;
	_ =	strace s9  }
0x27: {  	s1 =	sld [smem:$0x3F12]  }
0x28: {  	s2 =	sld [smem:$0x3F13]  }
0x29: {  	s4 =	sld [smem:$0x3F15]  }
0x2a: {  	p0 =	seq.s32 s5, $0x0;
	s5 =	sld [smem:$0x3F16]  }
0x2b: {  	s6 =	sld [smem:$0x3F17]  }
0x2c: {  	s7 =	sld [smem:$0x3F18]  }
0x2d: {  	s3 =	simm.s32 $0x108;
	s8 =	sld [smem:$0x3F19]  }
0x2e: {  	s3 =	simm.s32 @!p0 $0x1082;
	s9 =	sld [smem:$0x3F1A]  }
0x2f: {  	lr =	sadd.s32 s0, s3;
	s0 =	sld [smem:$0x3F11]  }
0x30: {  	s3 =	sld [smem:$0x3F14]  }
0x31: {  	[smem:$0x3F1D] =	sst s10  }
0x32: {  	s10 =	sld [smem:$0x3F1B];
	_ =	sdelay $0x3  }
0x33: {  	p0 =	seq.s32 s10, $0x1;
	s10 =	sld [smem:$0x3F1D];
	_ =	sdelay $0x3  }
0x34: {  	[smem:$0x3F1D] =	sst s10  }
0x35: {  	s10 =	sld [smem:$0x3F1C];
	_ =	sdelay $0x3  }
0x36: {  	p1 =	seq.s32 s10, $0x1;
	s10 =	sld [smem:$0x3F1D];
	_ =	sdelay $0x3  }
0x37: {  	[smem:$0x3F1D] =	sst s10  }
0x38: {  	s10 =	sld [smem:$0x3F1E]  }
0x39: {  	_ = 	snop;
	(pc) =	sbr.ind lr, $3  }
0x3a: {  	_ = 	snop  }
0x3b: {  	_ = 	snop  }
0x3c: {  	p2 =	seq.s32 s10, $0x1;
	s10 =	sld [smem:$0x3F1D]  }
0x3d: {  	_ =	shalt  }
0x3e: {  	_ =	shalt  }
0x3f: {  	_ =	shalt  }
0x40: {  	_ =	shalt  }
0x41: {  	_ =	shalt  }
0x42: {  	_ =	shalt  }
0x43: {  	_ =	shalt  }
0x44: {  	_ =	shalt  }
0x45: {  	_ =	shalt  }
0x46: {  	_ =	shalt  }
0x47: {  	_ =	shalt  }
0x48: {  	_ =	shalt  }
0x49: {  	_ =	shalt  }
0x4a: {  	_ =	shalt  }
0x4b: {  	_ =	shalt  }
0x4c: {  	_ =	shalt  }
0x4d: {  	_ =	shalt  }
0x4e: {  	_ =	shalt  }
0x4f: {  	_ =	shalt  }
0x50: {  	_ =	shalt  }
0x51: {  	_ =	shalt  }
0x52: {  	_ =	shalt  }
0x53: {  	_ =	shalt  }
0x54: {  	_ =	shalt  }
0x55: {  	_ =	shalt  }
0x56: {  	_ =	shalt  }
0x57: {  	_ =	shalt  }
0x58: {  	_ =	shalt  }
0x59: {  	_ =	shalt  }
0x5a: {  	_ =	shalt  }
0x5b: {  	_ =	shalt  }
0x5c: {  	_ =	shalt  }
0x5d: {  	_ =	shalt  }
0x5e: {  	_ =	shalt  }
0x5f: {  	_ =	shalt  }
0x60: {  	_ =	shalt  }
0x61: {  	_ =	shalt  }
0x62: {  	_ =	shalt  }
0x63: {  	_ =	shalt  }
0x64: {  	_ =	shalt  }
0x65: {  	_ =	shalt  }
0x66: {  	_ =	shalt  }
0x67: {  	_ =	shalt  }
0x68: {  	_ =	shalt  }
0x69: {  	_ =	shalt  }
0x6a: {  	_ =	shalt  }
0x6b: {  	_ =	shalt  }
0x6c: {  	_ =	shalt  }
0x6d: {  	_ =	shalt  }
0x6e: {  	_ =	shalt  }
0x6f: {  	_ =	shalt  }
0x70: {  	_ =	shalt  }
0x71: {  	_ =	shalt  }
0x72: {  	_ =	shalt  }
0x73: {  	_ =	shalt  }
0x74: {  	_ =	shalt  }
0x75: {  	_ =	shalt  }
0x76: {  	_ =	shalt  }
0x77: {  	_ =	shalt  }
0x78: {  	_ =	shalt  }
0x79: {  	_ =	shalt  }
0x7a: {  	_ =	shalt  }
0x7b: {  	_ =	shalt  }
0x7c: {  	_ =	shalt  }
0x7d: {  	_ =	shalt  }
0x7e: {  	_ =	shalt  }
0x7f: {  	_ =	shalt  }
0x80: {  	_ =	shalt  }
0x81: {  	_ =	shalt  }
0x82: {  	_ =	shalt  }
0x83: {  	_ =	shalt  }
0x84: {  	_ =	shalt  }
0x85: {  	_ =	shalt  }
0x86: {  	_ =	shalt  }
0x87: {  	_ =	shalt  }
.Lfunc_end0:
.L_simem_size_0:
called_computation.3_lowered:
.L_overlay_start_0:
0x88: {  	s2 =	sld [smem:$0x3FD9]  }
0x89: {  	s3 =	sld [smem:$0x3FFE];
	_ =	sdelay $0x1  }
0x8a: {  	s1 =	srdreg.scid  }
0x8b: {  	s0 =	sand.u32 $0x1, s1  }
0x8c: {  	s14 =	sshll.u32 s0, $0xA;
	s2 =	sadd.s32 s3, s2  }
0x8d: {  	s2 =	sadd.s32 s2, s14  }
0x8e: {  	[smem:$0x3F29] =	sst s2  }
0x8f: {  	_ = 	snop  }
0x90: {  	s2 =	sld [smem:$0x3FD0];
	_ =	sdelay $0x2  }
0x91: {  	s15 =	simm.s32 $0xB;
	s4 =	simm.s32 $0x10  }
0x92: {  	[smem:s4], [sflag:s15] =	dma.local [hbm:s2], $0x1  }
0x93: {  	_ =	swait.eq [sflag:s15], $0x1  }
0x94: {  	[sflag:s15] =	ssyncset.done $0x0  }
0x95: {  	[sflag:s15] =	ssyncadd.s32 $0xFFFFFFFF  }
0x96: {  	s16 =	sld [smem:$0x12];
	(tm) =	ssettm $0x1  }
0x97: {  	s17 =	sld [smem:$0x3FFB];
	_ =	sdelay $0x3  }
0x98: {  	_ =	strace s17  }
0x99: {  	s3 =	sld [smem:$0x3FFC];
	_ =	sdelay $0x3  }
0x9a: {  	_ =	strace s3  }
0x9b: {  	s3 =	sld [smem:$0x3FFD];
	_ =	sdelay $0x3  }
0x9c: {  	_ =	strace s3  }
0x9d: {  	_ =	strace $0x8FFFFFFF  }
0x9e: {  	s18 =	sld [smem:$0x3FDB];
	_ =	sdelay $0x1  }
0x9f: {  	s19 =	simm.s32 $_scs_section_size  }
0xa0: {  	s5 =	simm.s32 $_size__tile_overlayer_lowered;
	s6 =	simm.s32 $_tile_overlayer_lowered  }
0xa1: {  	s22 =	simm.s32 $0x1BFF;
	s21 =	sshll.u32 s6, $0x1;
	s3 =	sadd.s32 s19, s18  }
0xa2: {  	s7 =	simm.s32 $0x0;
	s20 =	sshll.u32 s5, $0x1;
	s5 =	sadd.s32 s21, s3  }
0xa3: {  	[timem:s7], [sflag:s22] =	dma.local [hbm:s5], s20  }
0xa4: {  	_ =	swait.ge [sflag:s22], s20  }
0xa5: {  	s4 =	ssub.s32 $0x0, s20;
	[sflag:s22] =	ssyncset.done $0x0  }
0xa6: {  	[sflag:s22] =	ssyncadd.s32 s4;
	_ =	sdelay $0x1  }
0xa7: {  	s23 =	simm.s32 $0x1B8B  }
0xa8: {  	_ =	swait.ge [sflag:s23], $0x1  }
0xa9: {  	[sflag:s23] =	ssyncset.done $0x0  }
0xaa: {  	s25 =	simm.s32 $0x1B8E;
	s24 =	sld [smem:$0x3FFE];
	[sflag:s23] =	ssyncadd.s32 $0xFFFFFFFF  }
0xab: {  	s26 =	simm.s32 $execute0_lowered;
	[smem:$0x3FD2] =	sst s25  }
0xac: {  	s5 =	sshll.u32 s26, $0x1;
	_ =	strace $0x80000049;
	[dreg:$0x1] =	wrdreg $0xFFFFFFFF  }
0xad: {  	s28 =	simm.s32 $_size_execute0_lowered;
	s3 =	sadd.s32 s3, s5;
	[dreg:$0x0] =	wrdreg $0x0  }
0xae: {  	s5 =	sshll.u32 s28, $0x1;
	[dreg:$0x2] =	wrdreg s3  }
0xaf: {  	[dreg:$0x3] =	wrdreg s5  }
0xb0: {  	[dreg:$0x4] =	wrdreg $0xC0  }
0xb1: {  	_ =	task [dreg:s7], $0x5FFFF  }
0xb2: {  	[dreg:$0x1] =	wrdreg $0xFFFFFFFF  }
0xb3: {  	[dreg:$0x0] =	wrdreg $0x60  }
0xb4: {  	[dreg:$0x2] =	wrdreg s24  }
0xb5: {  	[dreg:$0x3] =	wrdreg s16  }
0xb6: {  	[dreg:$0x4] =	wrdreg $0x9  }
0xb7: {  	_ =	task.clear_ibuf [dreg:s7], $0x5FFFF;
	_ =	strace $0x90000049  }
0xb8: {  	s29 =	simm.s32 $0x9;
	_ =	strace $0x8000004B  }
0xb9: {  	_ =	swait.ge [sflag:s29], $0x1  }
0xba: {  	[sflag:s29] =	ssyncadd.s32 $0xFFFFFFFF  }
0xbb: {  	_ =	strace $0x9000004B  }
0xbc: {  	_ =	sfence  }
0xbd: {  	s30 =	sld [smem:$0x0];
	_ =	sdelay $0x2  }
0xbe: {  	s31 =	sshll.u32 s1, $0xD;
	s1 =	sshrl.u32 s1, $0x2  }
0xbf: {  	s3 =	sand.u32 $0x4000, s31;
	s1 =	sadd.s32 s1, s30  }
0xc0: {  	s0 =	sor.u32 s3, s0;
	s1 =	sshll.u32 s1, $0x11  }
0xc1: {  	s0 =	sor.u32 s1, s0  }
0xc2: {  	s0 =	sadd.s32 $0x8F2B, s0  }
0xc3: {  	[sflag:s0] =	ssyncadd.remote.s32 $0x1  }
0xc4: {  	_ =	sfence.sel $0xFFFF  }
0xc5: {  	[dreg:$0x0] =	wrdreg $0xFFFFFFFF;
	(pc) =	sbr.abs _section_cstart, $3  }
0xc6: {  	[dreg:$0x1] =	wrdreg $0xFFFFFFFF  }
0xc7: {  	_ =	task.clear_ibuf [dreg:s7], $0x2FFFF;
	_ =	strace $0x9FFFFFFF  }
0xc8: {  	(tm) =	ssettm $0x7FFFFFFF  }
0xc9: {  	_ =	shalt  }
tec
execute0_lowered:
.L_overlay_start_1:
0x0: {  	(tag) =	ssettag $0x1  }
0x1: {  	s7 =	rddreg [dreg:$0x0]  }
0x2: {  	s2 =	rddreg [dreg:$0x1]  }
0x3: {  	s0 =	rddreg [dreg:$0x2]  }
0x4: {  	s1 =	srdreg.scid;
	_ =	strace $0x8000004A;
	s4 =	simm.s32 $0x1  }
0x5: {  	s9 =	simm.s32 $0x3;
	s12 =	simm.s32 $0x0;
	s5 =	sshll.u32 s1, $0x4  }
.Ltmp0:
0x6: {  	s1 =	stileid.u32;
	s5 =	sand.u32 $0x10, s5;
	(pc) =	sbr.rel .LBB2_1-.Ltmp0, $4  }
0x7: {  	s10 =	simm.s32 $0x0;
	s3 =	sadd.s32 $0x36400, s7;
	s6 =	sor.u32 s1, s5  }
0x8: {  	[sflag:s4] =	ssyncpa.u1 $0x0;
	s5 =	simm.s32 $0x2;
	s6 =	sshll.u32 s6, $0x7  }
0x9: {  	s7 =	sadd.s32 $0x5E00, s7;
	[sflag:s5] =	ssyncpa.u1 $0x0;
	s8 =	sadd.s32 $0x80, s6  }
0xa: {  	vm0 =	vmmov $0xff;
	vm1 =	vcmask $0x3F20;
	[sflag:s9] =	ssyncpa.u1 $0x0;
	s9 =	simm.s32 $0x80;
	s11 =	smov.u32 s6  }
.LBB2_9:
0xb: {  	p0 =	seq.s32 s10, $0x2  }
.Ltmp1:
0xc: {  	_ = 	snop;
	(pc) =	sbr.rel @p0 .LBB2_11-.Ltmp1, $1  }
0xd: {  	_ =	sdelay $0x3  }
.LBB2_10:
0xe: {  	s12 =	sadd.s32 $0x80, s11  }
0xf: {  	s13 =	smov.u32 s6;
	p0 =	slt.s32 s12, s8  }
0x10: {  	s13 =	smov.u32 @p0 s12  }
0x11: {  	s10 =	sadd.s32 $0x1, s10;
	s12 =	smov.u32 s11;
	s11 =	smov.u32 s13  }
.LBB2_1:
0x12: {  	p0 =	sne.s32 s10, $0x0  }
.Ltmp2:
0x13: {  	_ = 	snop;
	(pc) =	sbr.rel @!p0 .LBB2_2-.Ltmp2, $1  }
0x14: {  	_ =	sdelay $0x3  }
0x15: {  	s13 =	sand.u32 $0x1, s10  }
0x16: {  	p0 =	seq.s32 s13, $0x0  }
.Ltmp3:
0x17: {  	_ = 	snop;
	(pc) =	sbr.rel @p0 .LBB2_9-.Ltmp3, $1  }
0x18: {  	_ =	sdelay $0x3  }
0x19: {  	_ =	swait.ge [sflag:s5], $0x80  }
0x1a: {  	[sflag:s5] =	ssyncset.done $0x0  }
0x1b: {  	s13 =	simm.s32 $0x0;
	[sflag:s5] =	ssyncadd.s32 $0xFFFFFF80  }
0x1c: {  	v0 =	vld.msk [tilespmem:s13+$0x80 ss:$0x1], $0xffff;
	_ =	sdelay $0x4  }
0x1d: {  	v1 =	vshll.u32 v0, $0x5  }
0x1e: {  	vm2 =	veq.s32 v0, $0x80000000;
	v0 =	vshll.u32 v0, $0x12;
	v1 =	vand.u32 $0x3FF80, v1  }
0x1f: {  	v0 =	vand.u32 $0xC0000, v0;
	v1 =	vsel vm2, $0xFFFFFF80, v1  }
0x20: {  	v0 =	vsel vm2, $0xFFFC0000, v0;
	v2 =	vand.u32 $0xFFFFFC00, v1  }
0x21: {  	v1 =	vand.u32 $0x380, v1;
	v0 =	vadd.s32 v0, v2  }
0x22: {  	v0 =	vor.u32 v1, v0  }
0x23: {  	v0 =	vshrl.u32 v0, $0x3;
	_ =	sdelay $0x3  }
0x24: {  	s13 =	simm.s32 $0x4100  }
0x25: {  	[tilespmem:s13], [sflag:$0x1] =	stream.indirect_vreg.gather [hbm:s3], $0x80, v0, vm0, $0x38;
	[tilespmem:$0x8100] =	vst v63  }
0x26: {  	s14 =	simm.s32 $0x4500;
	s31 =	simm.s32 $0x10  }
0x27: {  	[tilespmem:s14], [sflag:$0x1] =	stream.indirect_vreg.gather [hbm:s3], $0x80, v0, vm1, $0x38;
	[tilespmem:$0x8100] =	vst v63  }
0x28: {  	s14 =	simm.s32 $0x80;
	v0 =	vld.msk [tilespmem:s31+$0x80 ss:$0x1], $0xffff  }
.LBB2_5:
0x29: {  	p0 =	sne.s32 s14, $0x1C0;
	_ =	sdelay $0x4  }
0x2a: {  	v1 =	vshll.u32 v0, $0x5  }
0x2b: {  	vm2 =	veq.s32 v0, $0x80000000;
	v0 =	vshll.u32 v0, $0x12;
	v1 =	vand.u32 $0x3FF80, v1  }
0x2c: {  	v0 =	vand.u32 $0xC0000, v0;
	v1 =	vsel vm2, $0xFFFFFF80, v1  }
0x2d: {  	v0 =	vsel vm2, $0xFFFC0000, v0;
	v2 =	vand.u32 $0xFFFFFC00, v1  }
0x2e: {  	v1 =	vand.u32 $0x380, v1;
	v0 =	vadd.s32 v0, v2  }
0x2f: {  	v0 =	vor.u32 v1, v0  }
0x30: {  	v0 =	vshrl.u32 v0, $0x3;
	_ =	sdelay $0x3  }
.Ltmp4:
0x31: {  	s13 =	sadd.s32 $0x800, s13;
	(pc) =	sbr.rel @p0 .LBB2_5-.Ltmp4, $4  }
0x32: {  	[tilespmem:s13], [sflag:$0x1] =	stream.indirect_vreg.gather [hbm:s3], $0x80, v0, vm0, $0x38;
	[tilespmem:$0x8100] =	vst v63  }
0x33: {  	s15 =	sshra.s32 s14, $0x2;
	s16 =	sadd.s32 $0x400, s13  }
0x34: {  	[tilespmem:s16], [sflag:$0x1] =	stream.indirect_vreg.gather [hbm:s3], $0x80, v0, vm1, $0x38;
	[tilespmem:$0x8100] =	vst v63  }
0x35: {  	s14 =	sadd.s32 $0x40, s14;
	v0 =	vld.msk [tilespmem:s15+$0x80 ss:$0x1], $0xffff  }
0x36: {  	_ =	sdelay $0x3  }
0x37: {  	v1 =	vshll.u32 v0, $0x5  }
0x38: {  	vm2 =	veq.s32 v0, $0x80000000;
	v63 =	vshll.u32 v0, $0x12;
	v1 =	vand.u32 $0x3FF80, v1  }
0x39: {  	v0 =	vand.u32 $0xC0000, v63;
	v1 =	vsel vm2, $0xFFFFFF80, v1  }
0x3a: {  	v0 =	vsel vm2, $0xFFFC0000, v0;
	v2 =	vand.u32 $0xFFFFFC00, v1  }
0x3b: {  	v1 =	vand.u32 $0x380, v1;
	v0 =	vadd.s32 v0, v2  }
0x3c: {  	v0 =	vor.u32 v1, v0  }
0x3d: {  	v0 =	vshrl.u32 v0, $0x3;
	_ =	sdelay $0x3  }
0x3e: {  	s13 =	sadd.s32 $0x800, s13  }
0x3f: {  	[tilespmem:s13], [sflag:$0x1] =	stream.indirect_vreg.gather [hbm:s3], $0x80, v0, vm0, $0x38;
	[tilespmem:$0x8100] =	vst v63  }
0x40: {  	s13 =	sadd.s32 $0x400, s13  }
0x41: {  	[tilespmem:s13], [sflag:$0x1] =	stream.indirect_vreg.gather [hbm:s3], $0x80, v0, vm1, $0x38;
	[tilespmem:$0x8100] =	vst v63  }
0x42: {  	s12 =	sshll.u32 s12, $0x4;
	s14 =	simm.s32 $0x80;
	_ =	swait.ge [sflag:s4], $0x4000  }
0x43: {  	s15 =	simm.s32 $0x4500;
	s12 =	sadd.s32 s12, s7;
	[sflag:s4] =	ssyncset.done $0x0  }
0x44: {  	s16 =	sadd.s32 $0x0, s12;
	s13 =	simm.s32 $0x4100;
	[sflag:s4] =	ssyncadd.s32 $0xFFFFC000  }
.LBB2_7:
0x45: {  	[hbm:s16] =	stream.linear.scatter [tilespmem:s13], [sflag:$0x3], $0x400, $0x38;
	[tilespmem:$0x8100] =	vst v63  }
0x46: {  	s16 =	smov.u32 s14;
	s13 =	smov.u32 s15;
	p0 =	sne.s32 s14, $0x780  }
.Ltmp5:
0x47: {  	s14 =	sadd.s32 $0x80, s14;
	(pc) =	sbr.rel @p0 .LBB2_7-.Ltmp5, $2  }
0x48: {  	_ =	sdelay $0x2  }
0x49: {  	s15 =	sadd.s32 $0x400, s15;
	s16 =	sadd.s32 s16, s12  }
.Ltmp6:
0x4a: {  	(pc) =	sbr.rel .LBB2_9-.Ltmp6, $2  }
0x4b: {  	_ =	sdelay $0x2  }
0x4c: {  	[hbm:s16] =	stream.linear.scatter [tilespmem:s13], [sflag:$0x3], $0x400, $0x38;
	[tilespmem:$0x8100] =	vst v63  }
.LBB2_2:
.Ltmp7:
0x4d: {  	(pc) =	sbr.rel .LBB2_10-.Ltmp7, $4  }
0x4e: {  	_ = 	snop  }
0x4f: {  	s12 =	sshrl.u32 s11, $0x3  }
0x50: {  	s13 =	sand.u32 $0x7, s11;
	s12 =	sadd.s32 s2, s12  }
0x51: {  	[tilespmem:s9], [sflag:$0x2] =	stream.linear.gather [hbm4b:s12+s13], $0x80, $0x38;
	[tilespmem:$0x8100] =	vst v63  }
.LBB2_11:
0x52: {  	s2 =	simm.s32 $0x3  }
0x53: {  	_ =	swait.ge [sflag:s2], $0x4000  }
0x54: {  	[sflag:s2] =	ssyncset.done $0x0  }
0x55: {  	[sflag:s2] =	ssyncadd.s32 $0xFFFFC000  }
0x56: {  	_ =	sfence.sel $0x180000  }
0x57: {  	s3 =	simm.s32 $0x2;
	[bflag:$0x0] =	sbarrier.arrive $0xFFFF  }
0x58: {  	[sflag:s3] =	ssyncpa.u1 $0x1  }
0x59: {  	s31 =	simm.s32 $0x1;
	[sflag:s2] =	ssyncpa.u1 $0x1  }
0x5a: {  	[sflag:s31] =	ssyncpa.u1 $0x1  }
0x5b: {  	p0 =	sne.s32 s1, $0x0;
	_ =	strace $0x9000004A  }
0x5c: {  	s0 =	sadd.s32 @!p0 $0x100000, s0;
	[bflag:$0x2] =	sbarrier.arrive $0xFFFF  }
0x5d: {  	[sflag:s0] =	ssyncadd.tile.s32 @!p0 $0x1;
	_ =	shalt  }
.Lfunc_end2:
_tile_overlayer_lowered:
.L_overlay_start_2:
0x5e: {  	(tag) =	ssettag $0x2  }
0x5f: {  	s0 =	rddreg [dreg:$0x0];
	s2 =	stileid.u32  }
0x60: {  	s1 =	rddreg [dreg:$0x1];
	p0 =	sne.s32 s2, $0x0  }
0x61: {  	s3 =	rddreg [dreg:$0x2];
	[bflag:$0x3] =	sbarrier.arrive $0xFFFF;
	s2 =	simm.s32 @!p0 $0x1C01  }
0x62: {  	[timem:s3], [sflag:s2] =	dma.local @!p0 [hbm:s0], s1  }
0x63: {  	s0 =	simm.s32 @!p0 $0x1  }
0x64: {  	_ =	swait.ge @!p0 [sflag:s0], s1  }
0x65: {  	s1 =	ssub.s32 @!p0 $0x0, s1;
	[sflag:s0] =	ssyncset.done @!p0 $0x0  }
0x66: {  	[sflag:s0] =	ssyncadd.s32 @!p0 s1  }
0x67: {  	[bflag:$0x3] =	sbarrier.arrive $0xFFFF  }
0x68: {  	_ =	shalt  }

// kernel: gather_offload_async_start.3
scs
__scs_entry_jumppad:
0x0: {  	(pc) =	sbr.rel $0x88, $3  }
0x1: {  	(tag) =	ssettag $0x0;
	lr =	simm.s32 $0x1  }
0x2: {  	[smem:$0x3F02] =	sst lr;
	_ =	strace $0xD0000000  }
0x3: {  	_ = 	snop  }
0x4: {  	_ = 	snop  }
0x5: {  	_ = 	snop  }
0x6: {  	_ = 	snop  }
0x7: {  	_ = 	snop  }
__scs_overlays_trampoline_lowered:
0x8: {  	[smem:$0x3F11] =	sst s0  }
0x9: {  	[smem:$0x3F12] =	sst s1  }
0xa: {  	[smem:$0x3F13] =	sst s2  }
0xb: {  	[smem:$0x3F14] =	sst s3  }
0xc: {  	[smem:$0x3F15] =	sst s4  }
0xd: {  	[smem:$0x3F16] =	sst s5  }
0xe: {  	[smem:$0x3F17] =	sst s6  }
0xf: {  	[smem:$0x3F18] =	sst s7  }
0x10: {  	[smem:$0x3F19] =	sst s8  }
0x11: {  	[smem:$0x3F1A] =	sst s9;
	s0 =	simm.s32 @!p0 $0x0  }
0x12: {  	s1 =	sld [smem:$0x3F00];
	s0 =	simm.s32 @p0 $0x1  }
0x13: {  	[smem:$0x3F1B] =	sst s0;
	s0 =	simm.s32 @!p1 $0x0  }
0x14: {  	s2 =	sld [smem:$0x3EFF];
	s0 =	simm.s32 @p1 $0x1  }
0x15: {  	[smem:$0x3F1C] =	sst s0;
	s0 =	simm.s32 @!p2 $0x0  }
0x16: {  	s3 =	sld [smem:$0x3FDB];
	s0 =	simm.s32 @p2 $0x1  }
0x17: {  	s4 =	simm.s32 $0x1BF5;
	[smem:$0x3F1E] =	sst s0  }
0x18: {  	s0 =	sld [smem:$0x3F01];
	_ =	swait.ge [sflag:s4], $0x0  }
0x19: {  	s7 =	sld [smem:$0x3F02]  }
0x1a: {  	s8 =	sadd.s32 $0xFFFFE003, lr  }
0x1b: {  	s9 =	sadd.s32 $0xFFFFFEF7, lr;
	s5 =	simm.s32 $0xFFFFFFFF;
	p2 =	slt.u32 s8, $0xFFFFF086  }
0x1c: {  	p1 =	slt.u32 s9, $0xF7A;
	s5 =	simm.s32 @!p2 $0x0  }
0x1d: {  	s5 =	simm.s32 @p1 $0x1;
	p0 =	seq.s32 s7, s2  }
0x1e: {  	s7 =	smul.u32 @!p0 $0xF7A, s2;
	p2 =	seq.s32 @!p0 s5, $0x0  }
0x1f: {  	s9 =	smul.u32 $0xF7A, s1;
	s8 =	simm.s32 @!p0 $0x1BF5;
	p2 =	por !p2, p0  }
0x20: {  	[sflag:s8] =	ssyncset.s32 @!p0 $0xFFFFF086;
	s6 =	sadd.s32 @!p0 s3, s7;
	s7 =	simm.s32 @!p0 $0x108  }
0x21: {  	s3 =	sadd.s32 s3, s9;
	s6 =	sadd.s32 @!p0 $0x88, s6;
	s7 =	simm.s32 @p2 $0x1082  }
0x22: {  	[simem:s7], [sflag:s8] =	dma.local @!p0 [hbm:s6], $0xF7A  }
0x23: {  	s9 =	sor.u32 $0xD0000000, s2;
	s6 =	simm.s32 $0x108;
	_ =	swait.ge @!p0 [sflag:s8], $0x0  }
0x24: {  	s3 =	sadd.s32 $0x88, s3;
	s6 =	simm.s32 @!p1 $0x1082;
	[sflag:s4] =	ssyncset.s32 $0xFFFFF086  }
0x25: {  	[simem:s6], [sflag:s4] =	dma.local [hbm:s3], $0xF7A  }
0x26: {  	[smem:$0x3F02] =	sst s1;
	(tag) =	ssettag s2;
	_ =	strace s9  }
0x27: {  	s1 =	sld [smem:$0x3F12]  }
0x28: {  	s2 =	sld [smem:$0x3F13]  }
0x29: {  	s4 =	sld [smem:$0x3F15]  }
0x2a: {  	p0 =	seq.s32 s5, $0x0;
	s5 =	sld [smem:$0x3F16]  }
0x2b: {  	s6 =	sld [smem:$0x3F17]  }
0x2c: {  	s7 =	sld [smem:$0x3F18]  }
0x2d: {  	s3 =	simm.s32 $0x108;
	s8 =	sld [smem:$0x3F19]  }
0x2e: {  	s3 =	simm.s32 @!p0 $0x1082;
	s9 =	sld [smem:$0x3F1A]  }
0x2f: {  	lr =	sadd.s32 s0, s3;
	s0 =	sld [smem:$0x3F11]  }
0x30: {  	s3 =	sld [smem:$0x3F14]  }
0x31: {  	[smem:$0x3F1D] =	sst s10  }
0x32: {  	s10 =	sld [smem:$0x3F1B];
	_ =	sdelay $0x3  }
0x33: {  	p0 =	seq.s32 s10, $0x1;
	s10 =	sld [smem:$0x3F1D];
	_ =	sdelay $0x3  }
0x34: {  	[smem:$0x3F1D] =	sst s10  }
0x35: {  	s10 =	sld [smem:$0x3F1C];
	_ =	sdelay $0x3  }
0x36: {  	p1 =	seq.s32 s10, $0x1;
	s10 =	sld [smem:$0x3F1D];
	_ =	sdelay $0x3  }
0x37: {  	[smem:$0x3F1D] =	sst s10  }
0x38: {  	s10 =	sld [smem:$0x3F1E]  }
0x39: {  	_ = 	snop;
	(pc) =	sbr.ind lr, $3  }
0x3a: {  	_ = 	snop  }
0x3b: {  	_ = 	snop  }
0x3c: {  	p2 =	seq.s32 s10, $0x1;
	s10 =	sld [smem:$0x3F1D]  }
0x3d: {  	_ =	shalt  }
0x3e: {  	_ =	shalt  }
0x3f: {  	_ =	shalt  }
0x40: {  	_ =	shalt  }
0x41: {  	_ =	shalt  }
0x42: {  	_ =	shalt  }
0x43: {  	_ =	shalt  }
0x44: {  	_ =	shalt  }
0x45: {  	_ =	shalt  }
0x46: {  	_ =	shalt  }
0x47: {  	_ =	shalt  }
0x48: {  	_ =	shalt  }
0x49: {  	_ =	shalt  }
0x4a: {  	_ =	shalt  }
0x4b: {  	_ =	shalt  }
0x4c: {  	_ =	shalt  }
0x4d: {  	_ =	shalt  }
0x4e: {  	_ =	shalt  }
0x4f: {  	_ =	shalt  }
0x50: {  	_ =	shalt  }
0x51: {  	_ =	shalt  }
0x52: {  	_ =	shalt  }
0x53: {  	_ =	shalt  }
0x54: {  	_ =	shalt  }
0x55: {  	_ =	shalt  }
0x56: {  	_ =	shalt  }
0x57: {  	_ =	shalt  }
0x58: {  	_ =	shalt  }
0x59: {  	_ =	shalt  }
0x5a: {  	_ =	shalt  }
0x5b: {  	_ =	shalt  }
0x5c: {  	_ =	shalt  }
0x5d: {  	_ =	shalt  }
0x5e: {  	_ =	shalt  }
0x5f: {  	_ =	shalt  }
0x60: {  	_ =	shalt  }
0x61: {  	_ =	shalt  }
0x62: {  	_ =	shalt  }
0x63: {  	_ =	shalt  }
0x64: {  	_ =	shalt  }
0x65: {  	_ =	shalt  }
0x66: {  	_ =	shalt  }
0x67: {  	_ =	shalt  }
0x68: {  	_ =	shalt  }
0x69: {  	_ =	shalt  }
0x6a: {  	_ =	shalt  }
0x6b: {  	_ =	shalt  }
0x6c: {  	_ =	shalt  }
0x6d: {  	_ =	shalt  }
0x6e: {  	_ =	shalt  }
0x6f: {  	_ =	shalt  }
0x70: {  	_ =	shalt  }
0x71: {  	_ =	shalt  }
0x72: {  	_ =	shalt  }
0x73: {  	_ =	shalt  }
0x74: {  	_ =	shalt  }
0x75: {  	_ =	shalt  }
0x76: {  	_ =	shalt  }
0x77: {  	_ =	shalt  }
0x78: {  	_ =	shalt  }
0x79: {  	_ =	shalt  }
0x7a: {  	_ =	shalt  }
0x7b: {  	_ =	shalt  }
0x7c: {  	_ =	shalt  }
0x7d: {  	_ =	shalt  }
0x7e: {  	_ =	shalt  }
0x7f: {  	_ =	shalt  }
0x80: {  	_ =	shalt  }
0x81: {  	_ =	shalt  }
0x82: {  	_ =	shalt  }
0x83: {  	_ =	shalt  }
0x84: {  	_ =	shalt  }
0x85: {  	_ =	shalt  }
0x86: {  	_ =	shalt  }
0x87: {  	_ =	shalt  }
.Lfunc_end0:
.L_simem_size_0:
called_computation.4_lowered:
.L_overlay_start_0:
0x88: {  	s2 =	sld [smem:$0x3FD9]  }
0x89: {  	s3 =	sld [smem:$0x3FFE];
	_ =	sdelay $0x1  }
0x8a: {  	s1 =	srdreg.scid  }
0x8b: {  	s0 =	sand.u32 $0x1, s1  }
0x8c: {  	s14 =	sshll.u32 s0, $0xA;
	s2 =	sadd.s32 s3, s2  }
0x8d: {  	s2 =	sadd.s32 s2, s14  }
0x8e: {  	[smem:$0x3F29] =	sst s2  }
0x8f: {  	_ = 	snop  }
0x90: {  	s2 =	sld [smem:$0x3FD0];
	_ =	sdelay $0x2  }
0x91: {  	s15 =	simm.s32 $0xB;
	s4 =	simm.s32 $0x10  }
0x92: {  	[smem:s4], [sflag:s15] =	dma.local [hbm:s2], $0x1  }
0x93: {  	_ =	swait.eq [sflag:s15], $0x1  }
0x94: {  	[sflag:s15] =	ssyncset.done $0x0  }
0x95: {  	s16 =	sld [smem:$0x13];
	[sflag:s15] =	ssyncadd.s32 $0xFFFFFFFF  }
0x96: {  	s17 =	sld [smem:$0x15];
	(tm) =	ssettm $0x1  }
0x97: {  	s18 =	sld [smem:$0x3FFB];
	_ =	sdelay $0x3  }
0x98: {  	_ =	strace s18  }
0x99: {  	s4 =	sld [smem:$0x3FFC];
	_ =	sdelay $0x3  }
0x9a: {  	_ =	strace s4  }
0x9b: {  	s4 =	sld [smem:$0x3FFD];
	_ =	sdelay $0x3  }
0x9c: {  	_ =	strace s4  }
0x9d: {  	_ =	strace $0x8FFFFFFF  }
0x9e: {  	s19 =	sld [smem:$0x3FDB];
	_ =	sdelay $0x1  }
0x9f: {  	s5 =	simm.s32 $_scs_section_size  }
0xa0: {  	s6 =	simm.s32 $_size__tile_overlayer_lowered;
	s7 =	simm.s32 $_tile_overlayer_lowered  }
0xa1: {  	s22 =	simm.s32 $0x1BFF;
	s21 =	sshll.u32 s7, $0x1;
	s4 =	sadd.s32 s5, s19  }
0xa2: {  	s8 =	simm.s32 $0x0;
	s20 =	sshll.u32 s6, $0x1;
	s6 =	sadd.s32 s21, s4  }
0xa3: {  	[timem:s8], [sflag:s22] =	dma.local [hbm:s6], s20  }
0xa4: {  	_ =	swait.ge [sflag:s22], s20  }
0xa5: {  	s5 =	ssub.s32 $0x0, s20;
	[sflag:s22] =	ssyncset.done $0x0  }
0xa6: {  	[sflag:s22] =	ssyncadd.s32 s5;
	_ =	sdelay $0x1  }
0xa7: {  	s23 =	simm.s32 $0x1B8B  }
0xa8: {  	_ =	swait.ge [sflag:s23], $0x1  }
0xa9: {  	[sflag:s23] =	ssyncset.done $0x0  }
0xaa: {  	s25 =	simm.s32 $0x1B8E;
	s24 =	sld [smem:$0x3FFE];
	[sflag:s23] =	ssyncadd.s32 $0xFFFFFFFF  }
0xab: {  	s26 =	simm.s32 $execute0_lowered;
	[smem:$0x3FD2] =	sst s25  }
0xac: {  	s6 =	sshll.u32 s26, $0x1;
	_ =	strace $0x80000055;
	[dreg:$0x1] =	wrdreg $0xFFFFFFFF  }
0xad: {  	s28 =	simm.s32 $_size_execute0_lowered;
	s4 =	sadd.s32 s4, s6;
	[dreg:$0x0] =	wrdreg $0x0  }
0xae: {  	s6 =	sshll.u32 s28, $0x1;
	[dreg:$0x2] =	wrdreg s4  }
0xaf: {  	[dreg:$0x3] =	wrdreg s6  }
0xb0: {  	[dreg:$0x4] =	wrdreg $0xC0  }
0xb1: {  	_ =	task [dreg:s8], $0x5FFFF  }
0xb2: {  	[dreg:$0x1] =	wrdreg $0xFFFFFFFF  }
0xb3: {  	[dreg:$0x0] =	wrdreg $0x60  }
0xb4: {  	[dreg:$0x2] =	wrdreg s24  }
0xb5: {  	[dreg:$0x3] =	wrdreg s16  }
0xb6: {  	[dreg:$0x4] =	wrdreg s17  }
0xb7: {  	[dreg:$0x5] =	wrdreg $0x9  }
0xb8: {  	_ =	task.clear_ibuf [dreg:s8], $0x6FFFF;
	_ =	strace $0x90000055  }
0xb9: {  	s29 =	simm.s32 $0x9;
	_ =	strace $0x80000057  }
0xba: {  	_ =	swait.ge [sflag:s29], $0x1  }
0xbb: {  	[sflag:s29] =	ssyncadd.s32 $0xFFFFFFFF  }
0xbc: {  	_ =	strace $0x90000057  }
0xbd: {  	_ =	sfence  }
0xbe: {  	s30 =	sld [smem:$0x0];
	_ =	sdelay $0x2  }
0xbf: {  	s31 =	sshll.u32 s1, $0xD;
	s1 =	sshrl.u32 s1, $0x2  }
0xc0: {  	s3 =	sand.u32 $0x4000, s31;
	s1 =	sadd.s32 s1, s30  }
0xc1: {  	s0 =	sor.u32 s3, s0;
	s1 =	sshll.u32 s1, $0x11  }
0xc2: {  	s0 =	sor.u32 s1, s0  }
0xc3: {  	s0 =	sadd.s32 $0x8F2B, s0  }
0xc4: {  	[sflag:s0] =	ssyncadd.remote.s32 $0x1  }
0xc5: {  	_ =	sfence.sel $0xFFFF  }
0xc6: {  	[dreg:$0x0] =	wrdreg $0xFFFFFFFF;
	(pc) =	sbr.abs _section_cstart, $3  }
0xc7: {  	[dreg:$0x1] =	wrdreg $0xFFFFFFFF  }
0xc8: {  	_ =	task.clear_ibuf [dreg:s8], $0x2FFFF;
	_ =	strace $0x9FFFFFFF  }
0xc9: {  	(tm) =	ssettm $0x7FFFFFFF  }
tec
execute0_lowered:
.L_overlay_start_1:
0x0: {  	(tag) =	ssettag $0x1  }
0x1: {  	s7 =	rddreg [dreg:$0x0]  }
0x2: {  	s2 =	rddreg [dreg:$0x1]  }
0x3: {  	s3 =	rddreg [dreg:$0x2]  }
0x4: {  	s0 =	rddreg [dreg:$0x3];
	s1 =	srdreg.scid;
	_ =	strace $0x80000056  }
0x5: {  	s4 =	simm.s32 $0x1;
	s9 =	simm.s32 $0x3;
	s5 =	sshll.u32 s1, $0x4  }
.Ltmp0:
0x6: {  	s1 =	stileid.u32;
	s5 =	sand.u32 $0x10, s5;
	(pc) =	sbr.rel .LBB2_1-.Ltmp0, $4  }
0x7: {  	s12 =	simm.s32 $0x0;
	s10 =	simm.s32 $0x0;
	s6 =	sor.u32 s1, s5  }
0x8: {  	[sflag:s4] =	ssyncpa.u1 $0x0;
	s5 =	simm.s32 $0x2;
	s6 =	sshll.u32 s6, $0x6  }
0x9: {  	s7 =	sadd.s32 $0x8600, s7;
	[sflag:s5] =	ssyncpa.u1 $0x0;
	s8 =	sadd.s32 $0x40, s6  }
0xa: {  	vm0 =	vmmov $0xff;
	vm1 =	vcmask $0x3F20;
	[sflag:s9] =	ssyncpa.u1 $0x0;
	s9 =	simm.s32 $0x40;
	s11 =	smov.u32 s6  }
.LBB2_9:
0xb: {  	p0 =	seq.s32 s10, $0x2  }
.Ltmp1:
0xc: {  	_ = 	snop;
	(pc) =	sbr.rel @p0 .LBB2_11-.Ltmp1, $1  }
0xd: {  	_ =	sdelay $0x3  }
.LBB2_10:
0xe: {  	s12 =	sadd.s32 $0x40, s11  }
0xf: {  	s13 =	smov.u32 s6;
	p0 =	slt.s32 s12, s8  }
0x10: {  	s13 =	smov.u32 @p0 s12  }
0x11: {  	s10 =	sadd.s32 $0x1, s10;
	s12 =	smov.u32 s11;
	s11 =	smov.u32 s13  }
.LBB2_1:
0x12: {  	p0 =	sne.s32 s10, $0x0  }
.Ltmp2:
0x13: {  	_ = 	snop;
	(pc) =	sbr.rel @!p0 .LBB2_2-.Ltmp2, $1  }
0x14: {  	_ =	sdelay $0x3  }
0x15: {  	s13 =	sand.u32 $0x1, s10  }
0x16: {  	p0 =	seq.s32 s13, $0x0  }
.Ltmp3:
0x17: {  	_ = 	snop;
	(pc) =	sbr.rel @p0 .LBB2_9-.Ltmp3, $1  }
0x18: {  	_ =	sdelay $0x3  }
0x19: {  	_ =	swait.ge [sflag:s5], $0x40  }
0x1a: {  	[sflag:s5] =	ssyncset.done $0x0  }
0x1b: {  	s13 =	simm.s32 $0x0;
	[sflag:s5] =	ssyncadd.s32 $0xFFFFFFC0  }
0x1c: {  	v0 =	vld.msk [tilespmem:s13+$0x40 ss:$0x1], $0xffff;
	_ =	sdelay $0x4  }
0x1d: {  	v1 =	vshll.u32 v0, $0x5  }
0x1e: {  	vm2 =	veq.s32 v0, $0x80000000;
	v0 =	vshll.u32 v0, $0x11;
	v1 =	vand.u32 $0x1FF80, v1  }
0x1f: {  	v0 =	vand.u32 $0x60000, v0;
	v1 =	vsel vm2, $0xFFFFFF80, v1  }
0x20: {  	v0 =	vsel vm2, $0xFFFE0000, v0;
	v2 =	vand.u32 $0xFFFFFC00, v1  }
0x21: {  	v1 =	vand.u32 $0x380, v1;
	v0 =	vadd.s32 v0, v2  }
0x22: {  	v0 =	vor.u32 v1, v0  }
0x23: {  	v0 =	vshrl.u32 v0, $0x3;
	_ =	sdelay $0x3  }
0x24: {  	s13 =	simm.s32 $0x2080  }
0x25: {  	[tilespmem:s13], [sflag:$0x1] =	stream.indirect_vreg.gather [hbm:s7], $0x80, v0, vm0, $0x38;
	[tilespmem:$0x4080] =	vst v63  }
0x26: {  	s14 =	simm.s32 $0x2480;
	s31 =	simm.s32 $0x10  }
0x27: {  	[tilespmem:s14], [sflag:$0x1] =	stream.indirect_vreg.gather [hbm:s7], $0x80, v0, vm1, $0x38;
	[tilespmem:$0x4080] =	vst v63  }
0x28: {  	s14 =	simm.s32 $0x80;
	v0 =	vld.msk [tilespmem:s31+$0x40 ss:$0x1], $0xffff  }
.LBB2_5:
0x29: {  	p0 =	sne.s32 s14, $0xC0;
	_ =	sdelay $0x4  }
0x2a: {  	v1 =	vshll.u32 v0, $0x5  }
0x2b: {  	vm2 =	veq.s32 v0, $0x80000000;
	v0 =	vshll.u32 v0, $0x11;
	v1 =	vand.u32 $0x1FF80, v1  }
0x2c: {  	v0 =	vand.u32 $0x60000, v0;
	v1 =	vsel vm2, $0xFFFFFF80, v1  }
0x2d: {  	v0 =	vsel vm2, $0xFFFE0000, v0;
	v2 =	vand.u32 $0xFFFFFC00, v1  }
0x2e: {  	v1 =	vand.u32 $0x380, v1;
	v0 =	vadd.s32 v0, v2  }
0x2f: {  	v0 =	vor.u32 v1, v0  }
0x30: {  	v0 =	vshrl.u32 v0, $0x3;
	_ =	sdelay $0x3  }
.Ltmp4:
0x31: {  	s13 =	sadd.s32 $0x800, s13;
	(pc) =	sbr.rel @p0 .LBB2_5-.Ltmp4, $4  }
0x32: {  	[tilespmem:s13], [sflag:$0x1] =	stream.indirect_vreg.gather [hbm:s7], $0x80, v0, vm0, $0x38;
	[tilespmem:$0x4080] =	vst v63  }
0x33: {  	s15 =	sshra.s32 s14, $0x2;
	s16 =	sadd.s32 $0x400, s13  }
0x34: {  	[tilespmem:s16], [sflag:$0x1] =	stream.indirect_vreg.gather [hbm:s7], $0x80, v0, vm1, $0x38;
	[tilespmem:$0x4080] =	vst v63  }
0x35: {  	s14 =	sadd.s32 $0x40, s14;
	v0 =	vld.msk [tilespmem:s15+$0x40 ss:$0x1], $0xffff  }
0x36: {  	_ =	sdelay $0x3  }
0x37: {  	v1 =	vshll.u32 v0, $0x5  }
0x38: {  	vm2 =	veq.s32 v0, $0x80000000;
	v63 =	vshll.u32 v0, $0x11;
	v1 =	vand.u32 $0x1FF80, v1  }
0x39: {  	v0 =	vand.u32 $0x60000, v63;
	v1 =	vsel vm2, $0xFFFFFF80, v1  }
0x3a: {  	v0 =	vsel vm2, $0xFFFE0000, v0;
	v2 =	vand.u32 $0xFFFFFC00, v1  }
0x3b: {  	v1 =	vand.u32 $0x380, v1;
	v0 =	vadd.s32 v0, v2  }
0x3c: {  	v0 =	vor.u32 v1, v0  }
0x3d: {  	v0 =	vshrl.u32 v0, $0x3;
	_ =	sdelay $0x3  }
0x3e: {  	s13 =	sadd.s32 $0x800, s13  }
0x3f: {  	[tilespmem:s13], [sflag:$0x1] =	stream.indirect_vreg.gather [hbm:s7], $0x80, v0, vm0, $0x38;
	[tilespmem:$0x4080] =	vst v63  }
0x40: {  	s13 =	sadd.s32 $0x400, s13  }
0x41: {  	[tilespmem:s13], [sflag:$0x1] =	stream.indirect_vreg.gather [hbm:s7], $0x80, v0, vm1, $0x38;
	[tilespmem:$0x4080] =	vst v63  }
0x42: {  	s12 =	sshll.u32 s12, $0x4;
	s14 =	simm.s32 $0x80;
	_ =	swait.ge [sflag:s4], $0x2000  }
0x43: {  	s15 =	simm.s32 $0x2480;
	s12 =	sadd.s32 s12, s3;
	[sflag:s4] =	ssyncset.done $0x0  }
0x44: {  	s16 =	sadd.s32 $0x0, s12;
	s13 =	simm.s32 $0x2080;
	[sflag:s4] =	ssyncadd.s32 $0xFFFFE000  }
.LBB2_7:
0x45: {  	[hbm:s16] =	stream.linear.scatter [tilespmem:s13], [sflag:$0x3], $0x400, $0x38;
	[tilespmem:$0x4080] =	vst v63  }
0x46: {  	s16 =	smov.u32 s14;
	s13 =	smov.u32 s15;
	p0 =	sne.s32 s14, $0x380  }
.Ltmp5:
0x47: {  	s14 =	sadd.s32 $0x80, s14;
	(pc) =	sbr.rel @p0 .LBB2_7-.Ltmp5, $2  }
0x48: {  	_ =	sdelay $0x2  }
0x49: {  	s15 =	sadd.s32 $0x400, s15;
	s16 =	sadd.s32 s16, s12  }
.Ltmp6:
0x4a: {  	(pc) =	sbr.rel .LBB2_9-.Ltmp6, $2  }
0x4b: {  	_ =	sdelay $0x2  }
0x4c: {  	[hbm:s16] =	stream.linear.scatter [tilespmem:s13], [sflag:$0x3], $0x400, $0x38;
	[tilespmem:$0x4080] =	vst v63  }
.LBB2_2:
.Ltmp7:
0x4d: {  	(pc) =	sbr.rel .LBB2_10-.Ltmp7, $4  }
0x4e: {  	_ = 	snop  }
0x4f: {  	s12 =	sshrl.u32 s11, $0x3  }
0x50: {  	s13 =	sand.u32 $0x7, s11;
	s12 =	sadd.s32 s2, s12  }
0x51: {  	[tilespmem:s9], [sflag:$0x2] =	stream.linear.gather [hbm4b:s12+s13], $0x40, $0x38;
	[tilespmem:$0x4080] =	vst v63  }
.LBB2_11:
0x52: {  	s2 =	simm.s32 $0x3  }
0x53: {  	_ =	swait.ge [sflag:s2], $0x2000  }
0x54: {  	[sflag:s2] =	ssyncset.done $0x0  }
0x55: {  	[sflag:s2] =	ssyncadd.s32 $0xFFFFE000  }
0x56: {  	_ =	sfence.sel $0x180000  }
0x57: {  	s3 =	simm.s32 $0x2;
	[bflag:$0x0] =	sbarrier.arrive $0xFFFF  }
0x58: {  	[sflag:s3] =	ssyncpa.u1 $0x1  }
0x59: {  	s31 =	simm.s32 $0x1;
	[sflag:s2] =	ssyncpa.u1 $0x1  }
0x5a: {  	[sflag:s31] =	ssyncpa.u1 $0x1  }
0x5b: {  	p0 =	sne.s32 s1, $0x0;
	_ =	strace $0x90000056  }
0x5c: {  	s0 =	sadd.s32 @!p0 $0x100000, s0;
	[bflag:$0x2] =	sbarrier.arrive $0xFFFF  }
0x5d: {  	[sflag:s0] =	ssyncadd.tile.s32 @!p0 $0x1;
	_ =	shalt  }
.Lfunc_end2:
_tile_overlayer_lowered:
.L_overlay_start_2:
0x5e: {  	(tag) =	ssettag $0x2  }
0x5f: {  	s0 =	rddreg [dreg:$0x0];
	s2 =	stileid.u32  }
0x60: {  	s1 =	rddreg [dreg:$0x1];
	p0 =	sne.s32 s2, $0x0  }
0x61: {  	s3 =	rddreg [dreg:$0x2];
	[bflag:$0x3] =	sbarrier.arrive $0xFFFF;
	s2 =	simm.s32 @!p0 $0x1C01  }
0x62: {  	[timem:s3], [sflag:s2] =	dma.local @!p0 [hbm:s0], s1  }
0x63: {  	s0 =	simm.s32 @!p0 $0x1  }
0x64: {  	_ =	swait.ge @!p0 [sflag:s0], s1  }
0x65: {  	s1 =	ssub.s32 @!p0 $0x0, s1;
	[sflag:s0] =	ssyncset.done @!p0 $0x0  }
0x66: {  	[sflag:s0] =	ssyncadd.s32 @!p0 s1  }
0x67: {  	[bflag:$0x3] =	sbarrier.arrive $0xFFFF  }
0x68: {  	_ =	shalt  }

// kernel: gather_offload_async_start
scs
__scs_entry_jumppad:
0x0: {  	(pc) =	sbr.rel $0x88, $3  }
0x1: {  	(tag) =	ssettag $0x0;
	lr =	simm.s32 $0x1  }
0x2: {  	[smem:$0x3F02] =	sst lr;
	_ =	strace $0xD0000000  }
0x3: {  	_ = 	snop  }
0x4: {  	_ = 	snop  }
0x5: {  	_ = 	snop  }
0x6: {  	_ = 	snop  }
0x7: {  	_ = 	snop  }
__scs_overlays_trampoline_lowered:
0x8: {  	[smem:$0x3F11] =	sst s0  }
0x9: {  	[smem:$0x3F12] =	sst s1  }
0xa: {  	[smem:$0x3F13] =	sst s2  }
0xb: {  	[smem:$0x3F14] =	sst s3  }
0xc: {  	[smem:$0x3F15] =	sst s4  }
0xd: {  	[smem:$0x3F16] =	sst s5  }
0xe: {  	[smem:$0x3F17] =	sst s6  }
0xf: {  	[smem:$0x3F18] =	sst s7  }
0x10: {  	[smem:$0x3F19] =	sst s8  }
0x11: {  	[smem:$0x3F1A] =	sst s9;
	s0 =	simm.s32 @!p0 $0x0  }
0x12: {  	s1 =	sld [smem:$0x3F00];
	s0 =	simm.s32 @p0 $0x1  }
0x13: {  	[smem:$0x3F1B] =	sst s0;
	s0 =	simm.s32 @!p1 $0x0  }
0x14: {  	s2 =	sld [smem:$0x3EFF];
	s0 =	simm.s32 @p1 $0x1  }
0x15: {  	[smem:$0x3F1C] =	sst s0;
	s0 =	simm.s32 @!p2 $0x0  }
0x16: {  	s3 =	sld [smem:$0x3FDB];
	s0 =	simm.s32 @p2 $0x1  }
0x17: {  	s4 =	simm.s32 $0x1BF5;
	[smem:$0x3F1E] =	sst s0  }
0x18: {  	s0 =	sld [smem:$0x3F01];
	_ =	swait.ge [sflag:s4], $0x0  }
0x19: {  	s7 =	sld [smem:$0x3F02]  }
0x1a: {  	s8 =	sadd.s32 $0xFFFFE003, lr  }
0x1b: {  	s9 =	sadd.s32 $0xFFFFFEF7, lr;
	s5 =	simm.s32 $0xFFFFFFFF;
	p2 =	slt.u32 s8, $0xFFFFF086  }
0x1c: {  	p1 =	slt.u32 s9, $0xF7A;
	s5 =	simm.s32 @!p2 $0x0  }
0x1d: {  	s5 =	simm.s32 @p1 $0x1;
	p0 =	seq.s32 s7, s2  }
0x1e: {  	s7 =	smul.u32 @!p0 $0xF7A, s2;
	p2 =	seq.s32 @!p0 s5, $0x0  }
0x1f: {  	s9 =	smul.u32 $0xF7A, s1;
	s8 =	simm.s32 @!p0 $0x1BF5;
	p2 =	por !p2, p0  }
0x20: {  	[sflag:s8] =	ssyncset.s32 @!p0 $0xFFFFF086;
	s6 =	sadd.s32 @!p0 s3, s7;
	s7 =	simm.s32 @!p0 $0x108  }
0x21: {  	s3 =	sadd.s32 s3, s9;
	s6 =	sadd.s32 @!p0 $0x88, s6;
	s7 =	simm.s32 @p2 $0x1082  }
0x22: {  	[simem:s7], [sflag:s8] =	dma.local @!p0 [hbm:s6], $0xF7A  }
0x23: {  	s9 =	sor.u32 $0xD0000000, s2;
	s6 =	simm.s32 $0x108;
	_ =	swait.ge @!p0 [sflag:s8], $0x0  }
0x24: {  	s3 =	sadd.s32 $0x88, s3;
	s6 =	simm.s32 @!p1 $0x1082;
	[sflag:s4] =	ssyncset.s32 $0xFFFFF086  }
0x25: {  	[simem:s6], [sflag:s4] =	dma.local [hbm:s3], $0xF7A  }
0x26: {  	[smem:$0x3F02] =	sst s1;
	(tag) =	ssettag s2;
	_ =	strace s9  }
0x27: {  	s1 =	sld [smem:$0x3F12]  }
0x28: {  	s2 =	sld [smem:$0x3F13]  }
0x29: {  	s4 =	sld [smem:$0x3F15]  }
0x2a: {  	p0 =	seq.s32 s5, $0x0;
	s5 =	sld [smem:$0x3F16]  }
0x2b: {  	s6 =	sld [smem:$0x3F17]  }
0x2c: {  	s7 =	sld [smem:$0x3F18]  }
0x2d: {  	s3 =	simm.s32 $0x108;
	s8 =	sld [smem:$0x3F19]  }
0x2e: {  	s3 =	simm.s32 @!p0 $0x1082;
	s9 =	sld [smem:$0x3F1A]  }
0x2f: {  	lr =	sadd.s32 s0, s3;
	s0 =	sld [smem:$0x3F11]  }
0x30: {  	s3 =	sld [smem:$0x3F14]  }
0x31: {  	[smem:$0x3F1D] =	sst s10  }
0x32: {  	s10 =	sld [smem:$0x3F1B];
	_ =	sdelay $0x3  }
0x33: {  	p0 =	seq.s32 s10, $0x1;
	s10 =	sld [smem:$0x3F1D];
	_ =	sdelay $0x3  }
0x34: {  	[smem:$0x3F1D] =	sst s10  }
0x35: {  	s10 =	sld [smem:$0x3F1C];
	_ =	sdelay $0x3  }
0x36: {  	p1 =	seq.s32 s10, $0x1;
	s10 =	sld [smem:$0x3F1D];
	_ =	sdelay $0x3  }
0x37: {  	[smem:$0x3F1D] =	sst s10  }
0x38: {  	s10 =	sld [smem:$0x3F1E]  }
0x39: {  	_ = 	snop;
	(pc) =	sbr.ind lr, $3  }
0x3a: {  	_ = 	snop  }
0x3b: {  	_ = 	snop  }
0x3c: {  	p2 =	seq.s32 s10, $0x1;
	s10 =	sld [smem:$0x3F1D]  }
0x3d: {  	_ =	shalt  }
0x3e: {  	_ =	shalt  }
0x3f: {  	_ =	shalt  }
0x40: {  	_ =	shalt  }
0x41: {  	_ =	shalt  }
0x42: {  	_ =	shalt  }
0x43: {  	_ =	shalt  }
0x44: {  	_ =	shalt  }
0x45: {  	_ =	shalt  }
0x46: {  	_ =	shalt  }
0x47: {  	_ =	shalt  }
0x48: {  	_ =	shalt  }
0x49: {  	_ =	shalt  }
0x4a: {  	_ =	shalt  }
0x4b: {  	_ =	shalt  }
0x4c: {  	_ =	shalt  }
0x4d: {  	_ =	shalt  }
0x4e: {  	_ =	shalt  }
0x4f: {  	_ =	shalt  }
0x50: {  	_ =	shalt  }
0x51: {  	_ =	shalt  }
0x52: {  	_ =	shalt  }
0x53: {  	_ =	shalt  }
0x54: {  	_ =	shalt  }
0x55: {  	_ =	shalt  }
0x56: {  	_ =	shalt  }
0x57: {  	_ =	shalt  }
0x58: {  	_ =	shalt  }
0x59: {  	_ =	shalt  }
0x5a: {  	_ =	shalt  }
0x5b: {  	_ =	shalt  }
0x5c: {  	_ =	shalt  }
0x5d: {  	_ =	shalt  }
0x5e: {  	_ =	shalt  }
0x5f: {  	_ =	shalt  }
0x60: {  	_ =	shalt  }
0x61: {  	_ =	shalt  }
0x62: {  	_ =	shalt  }
0x63: {  	_ =	shalt  }
0x64: {  	_ =	shalt  }
0x65: {  	_ =	shalt  }
0x66: {  	_ =	shalt  }
0x67: {  	_ =	shalt  }
0x68: {  	_ =	shalt  }
0x69: {  	_ =	shalt  }
0x6a: {  	_ =	shalt  }
0x6b: {  	_ =	shalt  }
0x6c: {  	_ =	shalt  }
0x6d: {  	_ =	shalt  }
0x6e: {  	_ =	shalt  }
0x6f: {  	_ =	shalt  }
0x70: {  	_ =	shalt  }
0x71: {  	_ =	shalt  }
0x72: {  	_ =	shalt  }
0x73: {  	_ =	shalt  }
0x74: {  	_ =	shalt  }
0x75: {  	_ =	shalt  }
0x76: {  	_ =	shalt  }
0x77: {  	_ =	shalt  }
0x78: {  	_ =	shalt  }
0x79: {  	_ =	shalt  }
0x7a: {  	_ =	shalt  }
0x7b: {  	_ =	shalt  }
0x7c: {  	_ =	shalt  }
0x7d: {  	_ =	shalt  }
0x7e: {  	_ =	shalt  }
0x7f: {  	_ =	shalt  }
0x80: {  	_ =	shalt  }
0x81: {  	_ =	shalt  }
0x82: {  	_ =	shalt  }
0x83: {  	_ =	shalt  }
0x84: {  	_ =	shalt  }
0x85: {  	_ =	shalt  }
0x86: {  	_ =	shalt  }
0x87: {  	_ =	shalt  }
.Lfunc_end0:
.L_simem_size_0:
called_computation.1_lowered:
.L_overlay_start_0:
0x88: {  	s2 =	sld [smem:$0x3FD9]  }
0x89: {  	s3 =	sld [smem:$0x3FFE];
	_ =	sdelay $0x1  }
0x8a: {  	s1 =	srdreg.scid  }
0x8b: {  	s0 =	sand.u32 $0x1, s1  }
0x8c: {  	s14 =	sshll.u32 s0, $0xA;
	s2 =	sadd.s32 s3, s2  }
0x8d: {  	s2 =	sadd.s32 s2, s14  }
0x8e: {  	[smem:$0x3F29] =	sst s2  }
0x8f: {  	_ = 	snop  }
0x90: {  	s2 =	sld [smem:$0x3FD0];
	_ =	sdelay $0x2  }
0x91: {  	s15 =	simm.s32 $0xB;
	s4 =	simm.s32 $0x10  }
0x92: {  	[smem:s4], [sflag:s15] =	dma.local [hbm:s2], $0x1  }
0x93: {  	_ =	swait.eq [sflag:s15], $0x1  }
0x94: {  	[sflag:s15] =	ssyncset.done $0x0  }
0x95: {  	[sflag:s15] =	ssyncadd.s32 $0xFFFFFFFF  }
0x96: {  	s16 =	sld [smem:$0x12];
	(tm) =	ssettm $0x1  }
0x97: {  	s17 =	sld [smem:$0x3FFB];
	_ =	sdelay $0x3  }
0x98: {  	_ =	strace s17  }
0x99: {  	s3 =	sld [smem:$0x3FFC];
	_ =	sdelay $0x3  }
0x9a: {  	_ =	strace s3  }
0x9b: {  	s3 =	sld [smem:$0x3FFD];
	_ =	sdelay $0x3  }
0x9c: {  	_ =	strace s3  }
0x9d: {  	_ =	strace $0x8FFFFFFF  }
0x9e: {  	s18 =	sld [smem:$0x3FDB];
	_ =	sdelay $0x1  }
0x9f: {  	s19 =	simm.s32 $_scs_section_size  }
0xa0: {  	s5 =	simm.s32 $_size__tile_overlayer_lowered;
	s6 =	simm.s32 $_tile_overlayer_lowered  }
0xa1: {  	s22 =	simm.s32 $0x1BFF;
	s21 =	sshll.u32 s6, $0x1;
	s3 =	sadd.s32 s19, s18  }
0xa2: {  	s7 =	simm.s32 $0x0;
	s20 =	sshll.u32 s5, $0x1;
	s5 =	sadd.s32 s21, s3  }
0xa3: {  	[timem:s7], [sflag:s22] =	dma.local [hbm:s5], s20  }
0xa4: {  	_ =	swait.ge [sflag:s22], s20  }
0xa5: {  	s4 =	ssub.s32 $0x0, s20;
	[sflag:s22] =	ssyncset.done $0x0  }
0xa6: {  	[sflag:s22] =	ssyncadd.s32 s4;
	_ =	sdelay $0x1  }
0xa7: {  	s23 =	simm.s32 $0x1B8B  }
0xa8: {  	_ =	swait.ge [sflag:s23], $0x1  }
0xa9: {  	[sflag:s23] =	ssyncset.done $0x0  }
0xaa: {  	s25 =	simm.s32 $0x1B8E;
	s24 =	sld [smem:$0x3FFE];
	[sflag:s23] =	ssyncadd.s32 $0xFFFFFFFF  }
0xab: {  	s26 =	simm.s32 $execute0_lowered;
	[smem:$0x3FD2] =	sst s25  }
0xac: {  	s5 =	sshll.u32 s26, $0x1;
	_ =	strace $0x80000046;
	[dreg:$0x1] =	wrdreg $0xFFFFFFFF  }
0xad: {  	s28 =	simm.s32 $_size_execute0_lowered;
	s3 =	sadd.s32 s3, s5;
	[dreg:$0x0] =	wrdreg $0x0  }
0xae: {  	s5 =	sshll.u32 s28, $0x1;
	[dreg:$0x2] =	wrdreg s3  }
0xaf: {  	[dreg:$0x3] =	wrdreg s5  }
0xb0: {  	[dreg:$0x4] =	wrdreg $0xC0  }
0xb1: {  	_ =	task [dreg:s7], $0x5FFFF  }
0xb2: {  	[dreg:$0x1] =	wrdreg $0xFFFFFFFF  }
0xb3: {  	[dreg:$0x0] =	wrdreg $0x60  }
0xb4: {  	[dreg:$0x2] =	wrdreg s24  }
0xb5: {  	[dreg:$0x3] =	wrdreg s16  }
0xb6: {  	[dreg:$0x4] =	wrdreg $0x9  }
0xb7: {  	_ =	task.clear_ibuf [dreg:s7], $0x5FFFF;
	_ =	strace $0x90000046  }
0xb8: {  	s29 =	simm.s32 $0x9;
	_ =	strace $0x80000048  }
0xb9: {  	_ =	swait.ge [sflag:s29], $0x1  }
0xba: {  	[sflag:s29] =	ssyncadd.s32 $0xFFFFFFFF  }
0xbb: {  	_ =	strace $0x90000048  }
0xbc: {  	_ =	sfence  }
0xbd: {  	s30 =	sld [smem:$0x0];
	_ =	sdelay $0x2  }
0xbe: {  	s31 =	sshll.u32 s1, $0xD;
	s1 =	sshrl.u32 s1, $0x2  }
0xbf: {  	s3 =	sand.u32 $0x4000, s31;
	s1 =	sadd.s32 s1, s30  }
0xc0: {  	s0 =	sor.u32 s3, s0;
	s1 =	sshll.u32 s1, $0x11  }
0xc1: {  	s0 =	sor.u32 s1, s0  }
0xc2: {  	s0 =	sadd.s32 $0x8F2B, s0  }
0xc3: {  	[sflag:s0] =	ssyncadd.remote.s32 $0x1  }
0xc4: {  	_ =	sfence.sel $0xFFFF  }
0xc5: {  	[dreg:$0x0] =	wrdreg $0xFFFFFFFF;
	(pc) =	sbr.abs _section_cstart, $3  }
0xc6: {  	[dreg:$0x1] =	wrdreg $0xFFFFFFFF  }
0xc7: {  	_ =	task.clear_ibuf [dreg:s7], $0x2FFFF;
	_ =	strace $0x9FFFFFFF  }
0xc8: {  	(tm) =	ssettm $0x7FFFFFFF  }
0xc9: {  	_ =	shalt  }
tec
execute0_lowered:
.L_overlay_start_1:
0x0: {  	(tag) =	ssettag $0x1  }
0x1: {  	s7 =	rddreg [dreg:$0x0]  }
0x2: {  	s2 =	rddreg [dreg:$0x1]  }
0x3: {  	s0 =	rddreg [dreg:$0x2]  }
0x4: {  	s1 =	srdreg.scid;
	_ =	strace $0x80000047;
	s4 =	simm.s32 $0x1  }
0x5: {  	s9 =	simm.s32 $0x3;
	s12 =	simm.s32 $0x0;
	s5 =	sshll.u32 s1, $0x4  }
.Ltmp0:
0x6: {  	s1 =	stileid.u32;
	s5 =	sand.u32 $0x10, s5;
	(pc) =	sbr.rel .LBB2_1-.Ltmp0, $4  }
0x7: {  	s10 =	simm.s32 $0x0;
	s3 =	sadd.s32 $0x5E00, s7;
	s6 =	sor.u32 s1, s5  }
0x8: {  	[sflag:s4] =	ssyncpa.u1 $0x0;
	s5 =	simm.s32 $0x2;
	s6 =	sshll.u32 s6, $0x7  }
0x9: {  	s7 =	sadd.s32 $0x26400, s7;
	[sflag:s5] =	ssyncpa.u1 $0x0;
	s8 =	sadd.s32 $0x80, s6  }
0xa: {  	vm0 =	vmmov $0xff;
	vm1 =	vcmask $0x3F20;
	[sflag:s9] =	ssyncpa.u1 $0x0;
	s9 =	simm.s32 $0x80;
	s11 =	smov.u32 s6  }
.LBB2_9:
0xb: {  	p0 =	seq.s32 s10, $0x2  }
.Ltmp1:
0xc: {  	_ = 	snop;
	(pc) =	sbr.rel @p0 .LBB2_11-.Ltmp1, $1  }
0xd: {  	_ =	sdelay $0x3  }
.LBB2_10:
0xe: {  	s12 =	sadd.s32 $0x80, s11  }
0xf: {  	s13 =	smov.u32 s6;
	p0 =	slt.s32 s12, s8  }
0x10: {  	s13 =	smov.u32 @p0 s12  }
0x11: {  	s10 =	sadd.s32 $0x1, s10;
	s12 =	smov.u32 s11;
	s11 =	smov.u32 s13  }
.LBB2_1:
0x12: {  	p0 =	sne.s32 s10, $0x0  }
.Ltmp2:
0x13: {  	_ = 	snop;
	(pc) =	sbr.rel @!p0 .LBB2_2-.Ltmp2, $1  }
0x14: {  	_ =	sdelay $0x3  }
0x15: {  	s13 =	sand.u32 $0x1, s10  }
0x16: {  	p0 =	seq.s32 s13, $0x0  }
.Ltmp3:
0x17: {  	_ = 	snop;
	(pc) =	sbr.rel @p0 .LBB2_9-.Ltmp3, $1  }
0x18: {  	_ =	sdelay $0x3  }
0x19: {  	_ =	swait.ge [sflag:s5], $0x80  }
0x1a: {  	[sflag:s5] =	ssyncset.done $0x0  }
0x1b: {  	s13 =	simm.s32 $0x0;
	[sflag:s5] =	ssyncadd.s32 $0xFFFFFF80  }
0x1c: {  	v0 =	vld.msk [tilespmem:s13+$0x80 ss:$0x1], $0xffff;
	_ =	sdelay $0x4  }
0x1d: {  	v1 =	vshll.u32 v0, $0x5  }
0x1e: {  	vm2 =	veq.s32 v0, $0x80000000;
	v0 =	vshll.u32 v0, $0x12;
	v1 =	vand.u32 $0x3FF80, v1  }
0x1f: {  	v0 =	vand.u32 $0xC0000, v0;
	v1 =	vsel vm2, $0xFFFFFF80, v1  }
0x20: {  	v0 =	vsel vm2, $0xFFFC0000, v0;
	v2 =	vand.u32 $0xFFFFFC00, v1  }
0x21: {  	v1 =	vand.u32 $0x380, v1;
	v0 =	vadd.s32 v0, v2  }
0x22: {  	v0 =	vor.u32 v1, v0  }
0x23: {  	v0 =	vshrl.u32 v0, $0x3;
	_ =	sdelay $0x3  }
0x24: {  	s13 =	simm.s32 $0x4100  }
0x25: {  	[tilespmem:s13], [sflag:$0x1] =	stream.indirect_vreg.gather [hbm:s3], $0x80, v0, vm0, $0x38;
	[tilespmem:$0x8100] =	vst v63  }
0x26: {  	s14 =	simm.s32 $0x4500;
	s31 =	simm.s32 $0x10  }
0x27: {  	[tilespmem:s14], [sflag:$0x1] =	stream.indirect_vreg.gather [hbm:s3], $0x80, v0, vm1, $0x38;
	[tilespmem:$0x8100] =	vst v63  }
0x28: {  	s14 =	simm.s32 $0x80;
	v0 =	vld.msk [tilespmem:s31+$0x80 ss:$0x1], $0xffff  }
.LBB2_5:
0x29: {  	p0 =	sne.s32 s14, $0x1C0;
	_ =	sdelay $0x4  }
0x2a: {  	v1 =	vshll.u32 v0, $0x5  }
0x2b: {  	vm2 =	veq.s32 v0, $0x80000000;
	v0 =	vshll.u32 v0, $0x12;
	v1 =	vand.u32 $0x3FF80, v1  }
0x2c: {  	v0 =	vand.u32 $0xC0000, v0;
	v1 =	vsel vm2, $0xFFFFFF80, v1  }
0x2d: {  	v0 =	vsel vm2, $0xFFFC0000, v0;
	v2 =	vand.u32 $0xFFFFFC00, v1  }
0x2e: {  	v1 =	vand.u32 $0x380, v1;
	v0 =	vadd.s32 v0, v2  }
0x2f: {  	v0 =	vor.u32 v1, v0  }
0x30: {  	v0 =	vshrl.u32 v0, $0x3;
	_ =	sdelay $0x3  }
.Ltmp4:
0x31: {  	s13 =	sadd.s32 $0x800, s13;
	(pc) =	sbr.rel @p0 .LBB2_5-.Ltmp4, $4  }
0x32: {  	[tilespmem:s13], [sflag:$0x1] =	stream.indirect_vreg.gather [hbm:s3], $0x80, v0, vm0, $0x38;
	[tilespmem:$0x8100] =	vst v63  }
0x33: {  	s15 =	sshra.s32 s14, $0x2;
	s16 =	sadd.s32 $0x400, s13  }
0x34: {  	[tilespmem:s16], [sflag:$0x1] =	stream.indirect_vreg.gather [hbm:s3], $0x80, v0, vm1, $0x38;
	[tilespmem:$0x8100] =	vst v63  }
0x35: {  	s14 =	sadd.s32 $0x40, s14;
	v0 =	vld.msk [tilespmem:s15+$0x80 ss:$0x1], $0xffff  }
0x36: {  	_ =	sdelay $0x3  }
0x37: {  	v1 =	vshll.u32 v0, $0x5  }
0x38: {  	vm2 =	veq.s32 v0, $0x80000000;
	v63 =	vshll.u32 v0, $0x12;
	v1 =	vand.u32 $0x3FF80, v1  }
0x39: {  	v0 =	vand.u32 $0xC0000, v63;
	v1 =	vsel vm2, $0xFFFFFF80, v1  }
0x3a: {  	v0 =	vsel vm2, $0xFFFC0000, v0;
	v2 =	vand.u32 $0xFFFFFC00, v1  }
0x3b: {  	v1 =	vand.u32 $0x380, v1;
	v0 =	vadd.s32 v0, v2  }
0x3c: {  	v0 =	vor.u32 v1, v0  }
0x3d: {  	v0 =	vshrl.u32 v0, $0x3;
	_ =	sdelay $0x3  }
0x3e: {  	s13 =	sadd.s32 $0x800, s13  }
0x3f: {  	[tilespmem:s13], [sflag:$0x1] =	stream.indirect_vreg.gather [hbm:s3], $0x80, v0, vm0, $0x38;
	[tilespmem:$0x8100] =	vst v63  }
0x40: {  	s13 =	sadd.s32 $0x400, s13  }
0x41: {  	[tilespmem:s13], [sflag:$0x1] =	stream.indirect_vreg.gather [hbm:s3], $0x80, v0, vm1, $0x38;
	[tilespmem:$0x8100] =	vst v63  }
0x42: {  	s12 =	sshll.u32 s12, $0x4;
	s14 =	simm.s32 $0x80;
	_ =	swait.ge [sflag:s4], $0x4000  }
0x43: {  	s15 =	simm.s32 $0x4500;
	s12 =	sadd.s32 s12, s7;
	[sflag:s4] =	ssyncset.done $0x0  }
0x44: {  	s16 =	sadd.s32 $0x0, s12;
	s13 =	simm.s32 $0x4100;
	[sflag:s4] =	ssyncadd.s32 $0xFFFFC000  }
.LBB2_7:
0x45: {  	[hbm:s16] =	stream.linear.scatter [tilespmem:s13], [sflag:$0x3], $0x400, $0x38;
	[tilespmem:$0x8100] =	vst v63  }
0x46: {  	s16 =	smov.u32 s14;
	s13 =	smov.u32 s15;
	p0 =	sne.s32 s14, $0x780  }
.Ltmp5:
0x47: {  	s14 =	sadd.s32 $0x80, s14;
	(pc) =	sbr.rel @p0 .LBB2_7-.Ltmp5, $2  }
0x48: {  	_ =	sdelay $0x2  }
0x49: {  	s15 =	sadd.s32 $0x400, s15;
	s16 =	sadd.s32 s16, s12  }
.Ltmp6:
0x4a: {  	(pc) =	sbr.rel .LBB2_9-.Ltmp6, $2  }
0x4b: {  	_ =	sdelay $0x2  }
0x4c: {  	[hbm:s16] =	stream.linear.scatter [tilespmem:s13], [sflag:$0x3], $0x400, $0x38;
	[tilespmem:$0x8100] =	vst v63  }
.LBB2_2:
.Ltmp7:
0x4d: {  	(pc) =	sbr.rel .LBB2_10-.Ltmp7, $4  }
0x4e: {  	_ = 	snop  }
0x4f: {  	s12 =	sshrl.u32 s11, $0x3  }
0x50: {  	s13 =	sand.u32 $0x7, s11;
	s12 =	sadd.s32 s2, s12  }
0x51: {  	[tilespmem:s9], [sflag:$0x2] =	stream.linear.gather [hbm4b:s12+s13], $0x80, $0x38;
	[tilespmem:$0x8100] =	vst v63  }
.LBB2_11:
0x52: {  	s2 =	simm.s32 $0x3  }
0x53: {  	_ =	swait.ge [sflag:s2], $0x4000  }
0x54: {  	[sflag:s2] =	ssyncset.done $0x0  }
0x55: {  	[sflag:s2] =	ssyncadd.s32 $0xFFFFC000  }
0x56: {  	_ =	sfence.sel $0x180000  }
0x57: {  	s3 =	simm.s32 $0x2;
	[bflag:$0x0] =	sbarrier.arrive $0xFFFF  }
0x58: {  	[sflag:s3] =	ssyncpa.u1 $0x1  }
0x59: {  	s31 =	simm.s32 $0x1;
	[sflag:s2] =	ssyncpa.u1 $0x1  }
0x5a: {  	[sflag:s31] =	ssyncpa.u1 $0x1  }
0x5b: {  	p0 =	sne.s32 s1, $0x0;
	_ =	strace $0x90000047  }
0x5c: {  	s0 =	sadd.s32 @!p0 $0x100000, s0;
	[bflag:$0x2] =	sbarrier.arrive $0xFFFF  }
0x5d: {  	[sflag:s0] =	ssyncadd.tile.s32 @!p0 $0x1;
	_ =	shalt  }
.Lfunc_end2:
_tile_overlayer_lowered:
.L_overlay_start_2:
0x5e: {  	(tag) =	ssettag $0x2  }
0x5f: {  	s0 =	rddreg [dreg:$0x0];
	s2 =	stileid.u32  }
0x60: {  	s1 =	rddreg [dreg:$0x1];
	p0 =	sne.s32 s2, $0x0  }
0x61: {  	s3 =	rddreg [dreg:$0x2];
	[bflag:$0x3] =	sbarrier.arrive $0xFFFF;
	s2 =	simm.s32 @!p0 $0x1C01  }
0x62: {  	[timem:s3], [sflag:s2] =	dma.local @!p0 [hbm:s0], s1  }
0x63: {  	s0 =	simm.s32 @!p0 $0x1  }
0x64: {  	_ =	swait.ge @!p0 [sflag:s0], s1  }
0x65: {  	s1 =	ssub.s32 @!p0 $0x0, s1;
	[sflag:s0] =	ssyncset.done @!p0 $0x0  }
0x66: {  	[sflag:s0] =	ssyncadd.s32 @!p0 s1  }
0x67: {  	[bflag:$0x3] =	sbarrier.arrive $0xFFFF  }
0x68: {  	_ =	shalt  }

// kernel: kernel.14.cloned.1.call-start
scs
__scs_entry_jumppad:
0x0: {  	(pc) =	sbr.rel $0x88, $3  }
0x1: {  	(tag) =	ssettag $0x0;
	lr =	simm.s32 $0x1  }
0x2: {  	[smem:$0x3F02] =	sst lr;
	_ =	strace $0xD0000000  }
0x3: {  	_ = 	snop  }
0x4: {  	_ = 	snop  }
0x5: {  	_ = 	snop  }
0x6: {  	_ = 	snop  }
0x7: {  	_ = 	snop  }
__scs_overlays_trampoline_lowered:
0x8: {  	[smem:$0x3F11] =	sst s0  }
0x9: {  	[smem:$0x3F12] =	sst s1  }
0xa: {  	[smem:$0x3F13] =	sst s2  }
0xb: {  	[smem:$0x3F14] =	sst s3  }
0xc: {  	[smem:$0x3F15] =	sst s4  }
0xd: {  	[smem:$0x3F16] =	sst s5  }
0xe: {  	[smem:$0x3F17] =	sst s6  }
0xf: {  	[smem:$0x3F18] =	sst s7  }
0x10: {  	[smem:$0x3F19] =	sst s8  }
0x11: {  	[smem:$0x3F1A] =	sst s9;
	s0 =	simm.s32 @!p0 $0x0  }
0x12: {  	s1 =	sld [smem:$0x3F00];
	s0 =	simm.s32 @p0 $0x1  }
0x13: {  	[smem:$0x3F1B] =	sst s0;
	s0 =	simm.s32 @!p1 $0x0  }
0x14: {  	s2 =	sld [smem:$0x3EFF];
	s0 =	simm.s32 @p1 $0x1  }
0x15: {  	[smem:$0x3F1C] =	sst s0;
	s0 =	simm.s32 @!p2 $0x0  }
0x16: {  	s3 =	sld [smem:$0x3FDB];
	s0 =	simm.s32 @p2 $0x1  }
0x17: {  	s4 =	simm.s32 $0x1BF5;
	[smem:$0x3F1E] =	sst s0  }
0x18: {  	s0 =	sld [smem:$0x3F01];
	_ =	swait.ge [sflag:s4], $0x0  }
0x19: {  	s7 =	sld [smem:$0x3F02]  }
0x1a: {  	s8 =	sadd.s32 $0xFFFFE003, lr  }
0x1b: {  	s9 =	sadd.s32 $0xFFFFFEF7, lr;
	s5 =	simm.s32 $0xFFFFFFFF;
	p2 =	slt.u32 s8, $0xFFFFF086  }
0x1c: {  	p1 =	slt.u32 s9, $0xF7A;
	s5 =	simm.s32 @!p2 $0x0  }
0x1d: {  	s5 =	simm.s32 @p1 $0x1;
	p0 =	seq.s32 s7, s2  }
0x1e: {  	s7 =	smul.u32 @!p0 $0xF7A, s2;
	p2 =	seq.s32 @!p0 s5, $0x0  }
0x1f: {  	s9 =	smul.u32 $0xF7A, s1;
	s8 =	simm.s32 @!p0 $0x1BF5;
	p2 =	por !p2, p0  }
0x20: {  	[sflag:s8] =	ssyncset.s32 @!p0 $0xFFFFF086;
	s6 =	sadd.s32 @!p0 s3, s7;
	s7 =	simm.s32 @!p0 $0x108  }
0x21: {  	s3 =	sadd.s32 s3, s9;
	s6 =	sadd.s32 @!p0 $0x88, s6;
	s7 =	simm.s32 @p2 $0x1082  }
0x22: {  	[simem:s7], [sflag:s8] =	dma.local @!p0 [hbm:s6], $0xF7A  }
0x23: {  	s9 =	sor.u32 $0xD0000000, s2;
	s6 =	simm.s32 $0x108;
	_ =	swait.ge @!p0 [sflag:s8], $0x0  }
0x24: {  	s3 =	sadd.s32 $0x88, s3;
	s6 =	simm.s32 @!p1 $0x1082;
	[sflag:s4] =	ssyncset.s32 $0xFFFFF086  }
0x25: {  	[simem:s6], [sflag:s4] =	dma.local [hbm:s3], $0xF7A  }
0x26: {  	[smem:$0x3F02] =	sst s1;
	(tag) =	ssettag s2;
	_ =	strace s9  }
0x27: {  	s1 =	sld [smem:$0x3F12]  }
0x28: {  	s2 =	sld [smem:$0x3F13]  }
0x29: {  	s4 =	sld [smem:$0x3F15]  }
0x2a: {  	p0 =	seq.s32 s5, $0x0;
	s5 =	sld [smem:$0x3F16]  }
0x2b: {  	s6 =	sld [smem:$0x3F17]  }
0x2c: {  	s7 =	sld [smem:$0x3F18]  }
0x2d: {  	s3 =	simm.s32 $0x108;
	s8 =	sld [smem:$0x3F19]  }
0x2e: {  	s3 =	simm.s32 @!p0 $0x1082;
	s9 =	sld [smem:$0x3F1A]  }
0x2f: {  	lr =	sadd.s32 s0, s3;
	s0 =	sld [smem:$0x3F11]  }
0x30: {  	s3 =	sld [smem:$0x3F14]  }
0x31: {  	[smem:$0x3F1D] =	sst s10  }
0x32: {  	s10 =	sld [smem:$0x3F1B];
	_ =	sdelay $0x3  }
0x33: {  	p0 =	seq.s32 s10, $0x1;
	s10 =	sld [smem:$0x3F1D];
	_ =	sdelay $0x3  }
0x34: {  	[smem:$0x3F1D] =	sst s10  }
0x35: {  	s10 =	sld [smem:$0x3F1C];
	_ =	sdelay $0x3  }
0x36: {  	p1 =	seq.s32 s10, $0x1;
	s10 =	sld [smem:$0x3F1D];
	_ =	sdelay $0x3  }
0x37: {  	[smem:$0x3F1D] =	sst s10  }
0x38: {  	s10 =	sld [smem:$0x3F1E]  }
0x39: {  	_ = 	snop;
	(pc) =	sbr.ind lr, $3  }
0x3a: {  	_ = 	snop  }
0x3b: {  	_ = 	snop  }
0x3c: {  	p2 =	seq.s32 s10, $0x1;
	s10 =	sld [smem:$0x3F1D]  }
0x3d: {  	_ =	shalt  }
0x3e: {  	_ =	shalt  }
0x3f: {  	_ =	shalt  }
0x40: {  	_ =	shalt  }
0x41: {  	_ =	shalt  }
0x42: {  	_ =	shalt  }
0x43: {  	_ =	shalt  }
0x44: {  	_ =	shalt  }
0x45: {  	_ =	shalt  }
0x46: {  	_ =	shalt  }
0x47: {  	_ =	shalt  }
0x48: {  	_ =	shalt  }
0x49: {  	_ =	shalt  }
0x4a: {  	_ =	shalt  }
0x4b: {  	_ =	shalt  }
0x4c: {  	_ =	shalt  }
0x4d: {  	_ =	shalt  }
0x4e: {  	_ =	shalt  }
0x4f: {  	_ =	shalt  }
0x50: {  	_ =	shalt  }
0x51: {  	_ =	shalt  }
0x52: {  	_ =	shalt  }
0x53: {  	_ =	shalt  }
0x54: {  	_ =	shalt  }
0x55: {  	_ =	shalt  }
0x56: {  	_ =	shalt  }
0x57: {  	_ =	shalt  }
0x58: {  	_ =	shalt  }
0x59: {  	_ =	shalt  }
0x5a: {  	_ =	shalt  }
0x5b: {  	_ =	shalt  }
0x5c: {  	_ =	shalt  }
0x5d: {  	_ =	shalt  }
0x5e: {  	_ =	shalt  }
0x5f: {  	_ =	shalt  }
0x60: {  	_ =	shalt  }
0x61: {  	_ =	shalt  }
0x62: {  	_ =	shalt  }
0x63: {  	_ =	shalt  }
0x64: {  	_ =	shalt  }
0x65: {  	_ =	shalt  }
0x66: {  	_ =	shalt  }
0x67: {  	_ =	shalt  }
0x68: {  	_ =	shalt  }
0x69: {  	_ =	shalt  }
0x6a: {  	_ =	shalt  }
0x6b: {  	_ =	shalt  }
0x6c: {  	_ =	shalt  }
0x6d: {  	_ =	shalt  }
0x6e: {  	_ =	shalt  }
0x6f: {  	_ =	shalt  }
0x70: {  	_ =	shalt  }
0x71: {  	_ =	shalt  }
0x72: {  	_ =	shalt  }
0x73: {  	_ =	shalt  }
0x74: {  	_ =	shalt  }
0x75: {  	_ =	shalt  }
0x76: {  	_ =	shalt  }
0x77: {  	_ =	shalt  }
0x78: {  	_ =	shalt  }
0x79: {  	_ =	shalt  }
0x7a: {  	_ =	shalt  }
0x7b: {  	_ =	shalt  }
0x7c: {  	_ =	shalt  }
0x7d: {  	_ =	shalt  }
0x7e: {  	_ =	shalt  }
0x7f: {  	_ =	shalt  }
0x80: {  	_ =	shalt  }
0x81: {  	_ =	shalt  }
0x82: {  	_ =	shalt  }
0x83: {  	_ =	shalt  }
0x84: {  	_ =	shalt  }
0x85: {  	_ =	shalt  }
0x86: {  	_ =	shalt  }
0x87: {  	_ =	shalt  }
.Lfunc_end0:
.L_simem_size_0:
called_computation.5_lowered:
.L_overlay_start_0:
0x88: {  	s2 =	sld [smem:$0x3FD9]  }
0x89: {  	s3 =	sld [smem:$0x3FFE];
	_ =	sdelay $0x1  }
0x8a: {  	s1 =	srdreg.scid  }
0x8b: {  	s0 =	sand.u32 $0x1, s1  }
0x8c: {  	s15 =	sshll.u32 s0, $0xA;
	s2 =	sadd.s32 s3, s2  }
0x8d: {  	s2 =	sadd.s32 s2, s15  }
0x8e: {  	[smem:$0x3F29] =	sst s2  }
0x8f: {  	_ = 	snop  }
0x90: {  	s2 =	sld [smem:$0x3FD0];
	_ =	sdelay $0x3  }
0x91: {  	s16 =	simm.s32 $0xB;
	s4 =	simm.s32 $0x10;
	s2 =	sadd.s32 $0x1, s2  }
0x92: {  	[smem:s4], [sflag:s16] =	dma.local [hbm:s2], $0x1  }
0x93: {  	_ =	swait.eq [sflag:s16], $0x1  }
0x94: {  	[sflag:s16] =	ssyncset.done $0x0  }
0x95: {  	[sflag:s16] =	ssyncadd.s32 $0xFFFFFFFF  }
0x96: {  	s17 =	sld [smem:$0x10];
	(tm) =	ssettm $0x1  }
0x97: {  	s18 =	sld [smem:$0x3FFB];
	_ =	sdelay $0x3  }
0x98: {  	_ =	strace s18  }
0x99: {  	s2 =	sld [smem:$0x3FFC];
	_ =	sdelay $0x3  }
0x9a: {  	_ =	strace s2  }
0x9b: {  	s2 =	sld [smem:$0x3FFD];
	_ =	sdelay $0x3  }
0x9c: {  	_ =	strace s2  }
0x9d: {  	_ =	strace $0x8FFFFFFF  }
0x9e: {  	s19 =	sld [smem:$0x3FDB];
	_ =	sdelay $0x1  }
0x9f: {  	s20 =	simm.s32 $_scs_section_size  }
0xa0: {  	s5 =	simm.s32 $_size__tile_overlayer_lowered;
	s6 =	simm.s32 $_tile_overlayer_lowered  }
0xa1: {  	s7 =	simm.s32 $0x1BFF;
	s21 =	sshll.u32 s6, $0x1;
	s4 =	sadd.s32 s20, s19  }
0xa2: {  	s22 =	simm.s32 $0x0;
	s5 =	sshll.u32 s5, $0x1;
	s6 =	sadd.s32 s21, s4  }
0xa3: {  	[timem:s22], [sflag:s7] =	dma.local [hbm:s6], s5  }
0xa4: {  	_ =	swait.ge [sflag:s7], s5  }
0xa5: {  	s5 =	ssub.s32 $0x0, s5;
	[sflag:s7] =	ssyncset.done $0x0  }
0xa6: {  	[sflag:s7] =	ssyncadd.s32 s5;
	_ =	sdelay $0x1  }
0xa7: {  	s23 =	simm.s32 $0x1B8B  }
0xa8: {  	_ =	swait.ge [sflag:s23], $0x1  }
0xa9: {  	[sflag:s23] =	ssyncset.done $0x0  }
0xaa: {  	[sflag:s23] =	ssyncadd.s32 $0xFFFFFFFF  }
0xab: {  	s5 =	sld [smem:$0x0]  }
0xac: {  	s6 =	sand.u32 $0xFFFFFFFE, s1  }
0xad: {  	p0 =	sne.s32 s1, s6  }
0xae: {  	s6 =	sshll.u32 @p0 s6, $0xE  }
0xaf: {  	s6 =	sadd.s32 @p0 $0x11B8D, s6;
	s7 =	sshll.u32 @p0 s5, $0x11  }
0xb0: {  	s6 =	sor.u32 @p0 s7, s6  }
0xb1: {  	[sflag:s6] =	ssyncadd.remote.s32 @p0 $0x1;
	_ =	sdelay $0x1  }
0xb2: {  	s6 =	simm.s32 @p0 $0x1B8D  }
0xb3: {  	_ =	swait.eq @p0 [sflag:s6], $0x1  }
0xb4: {  	[sflag:s6] =	ssyncadd.s32 @p0 $0xFFFFFFFF  }
0xb5: {  	s7 =	sshll.u32 @!p0 s1, $0xE  }
0xb6: {  	s7 =	sor.u32 @!p0 $0x4000, s7;
	s6 =	simm.s32 @!p0 $0x1B8D  }
0xb7: {  	s5 =	sshll.u32 @!p0 s5, $0x11;
	s7 =	sadd.s32 @!p0 $0x11B8D, s7;
	_ =	swait.eq @!p0 [sflag:s6], $0x1  }
0xb8: {  	s5 =	sor.u32 @!p0 s5, s7;
	[sflag:s6] =	ssyncadd.s32 @!p0 $0xFFFFFFFF  }
0xb9: {  	s25 =	simm.s32 $0x1B8E;
	s24 =	sld [smem:$0x3FFE];
	[sflag:s5] =	ssyncadd.remote.s32 @!p0 $0x1  }
0xba: {  	s26 =	simm.s32 $execute0_lowered;
	[smem:$0x3FD2] =	sst s25  }
0xbb: {  	s6 =	sshll.u32 s26, $0x1;
	_ =	strace $0x8000004C;
	[dreg:$0x1] =	wrdreg $0xFFFFFFFF  }
0xbc: {  	s28 =	simm.s32 $_size_execute0_lowered;
	s4 =	sadd.s32 s4, s6;
	[dreg:$0x0] =	wrdreg $0x0  }
0xbd: {  	s6 =	sshll.u32 s28, $0x1;
	[dreg:$0x2] =	wrdreg s4  }
0xbe: {  	[dreg:$0x3] =	wrdreg s6  }
0xbf: {  	[dreg:$0x4] =	wrdreg $0xC0  }
0xc0: {  	_ =	task [dreg:s22], $0x5FFFF  }
0xc1: {  	[dreg:$0x1] =	wrdreg $0xFFFFFFFF  }
0xc2: {  	[dreg:$0x0] =	wrdreg $0x60  }
0xc3: {  	[dreg:$0x2] =	wrdreg s24  }
0xc4: {  	[dreg:$0x3] =	wrdreg s17  }
0xc5: {  	[dreg:$0x4] =	wrdreg $0xA  }
0xc6: {  	_ =	task.clear_ibuf [dreg:s22], $0x5FFFF;
	_ =	strace $0x9000004C  }
0xc7: {  	s29 =	simm.s32 $0xA;
	_ =	strace $0x8000004E  }
0xc8: {  	_ =	swait.ge [sflag:s29], $0x1  }
0xc9: {  	[sflag:s29] =	ssyncadd.s32 $0xFFFFFFFF  }
0xca: {  	_ =	strace $0x9000004E  }
0xcb: {  	_ =	sfence  }
0xcc: {  	s30 =	sld [smem:$0x0];
	_ =	sdelay $0x2  }
0xcd: {  	s31 =	sshll.u32 s1, $0xD;
	s1 =	sshrl.u32 s1, $0x2  }
0xce: {  	s4 =	sand.u32 $0x4000, s31;
	s1 =	sadd.s32 s1, s30  }
0xcf: {  	s0 =	sor.u32 s4, s0;
	s1 =	sshll.u32 s1, $0x11  }
0xd0: {  	s0 =	sor.u32 s1, s0  }
0xd1: {  	s0 =	sadd.s32 $0x8F2B, s0  }
0xd2: {  	[sflag:s0] =	ssyncadd.remote.s32 $0x1  }
0xd3: {  	_ =	sfence.sel $0xFFFF  }
0xd4: {  	[dreg:$0x0] =	wrdreg $0xFFFFFFFF;
	(pc) =	sbr.abs _section_cstart, $3  }
0xd5: {  	[dreg:$0x1] =	wrdreg $0xFFFFFFFF  }
0xd6: {  	_ =	task.clear_ibuf [dreg:s22], $0x2FFFF;
	_ =	strace $0x9FFFFFFF  }
0xd7: {  	(tm) =	ssettm $0x7FFFFFFF  }
tec
execute0_lowered:
.L_overlay_start_1:
0x0: {  	(tag) =	ssettag $0x1  }
0x1: {  	s1 =	srdreg.scid  }
0x2: {  	s8 =	rddreg [dreg:$0x0];
	s0 =	stileid.u32;
	s14 =	sand.u32 $0x1, s1  }
0x3: {  	s13 =	rddreg [dreg:$0x1];
	s3 =	sshll.u32 s0, $0xD;
	s4 =	sshll.u32 s14, $0xC  }
0x4: {  	s2 =	simm.s32 $0x0;
	s1 =	rddreg [dreg:$0x2];
	s15 =	sor.u32 s4, s3  }
0x5: {  	[smem:$0x7FF] =	sst s2;
	s3 =	sshrl.u32 s15, $0x3  }
0x6: {  	_ =	strace $0x8000004D;
	s4 =	sadd.s32 s13, s3;
	s3 =	simm.s32 $0x2  }
0x7: {  	[tilespmem:s2], [sflag:$0x2] =	stream.linear.gather [hbm4b:s4+s2], $0x400, $0x38;
	[tilespmem:$0xC400] =	vst v63  }
0x8: {  	_ =	swait.ge [sflag:s3], $0x400  }
0x9: {  	s6 =	simm.s32 $0x400;
	[sflag:s3] =	ssyncset.done $0x0  }
0xa: {  	s7 =	simm.s32 $0x1;
	s5 =	sadd.s32 $0x56400, s8;
	[sflag:s3] =	ssyncadd.s32 $0xFFFFFC00  }
0xb: {  	[tilespmem:s6], [sflag:$0x1] =	stream.indirect.gather [hbm4b:s5+s6], $0x30, s2, s6, $0xb8;
	[tilespmem:$0xC400] =	vst v63  }
0xc: {  	s9 =	smul.u32 $0x6, s15;
	_ =	swait.ge [sflag:s7], $0xC000  }
0xd: {  	s16 =	sadd.s32 $0x62400, s8;
	[sflag:s7] =	ssyncset.done $0x0  }
0xe: {  	s8 =	sadd.s32 s16, s9;
	[sflag:s7] =	ssyncadd.s32 $0xFFFF4000  }
0xf: {  	[hbm4b:s8+s2] =	stream.linear.scatter [tilespmem:s6], [sflag:$0x2], $0xC000, $0x38;
	[tilespmem:$0xC400] =	vst v63  }
0x10: {  	s10 =	sor.u32 $0x400, s15;
	_ =	swait.ge [sflag:s3], $0xC000  }
0x11: {  	s29 =	sshrl.u32 s10, $0x3;
	[sflag:s3] =	ssyncset.done $0x0  }
0x12: {  	s9 =	sadd.s32 s13, s29;
	[sflag:s3] =	ssyncadd.s32 $0xFFFF4000  }
0x13: {  	[tilespmem:s2], [sflag:$0x2] =	stream.linear.gather [hbm4b:s9+s2], $0x400, $0x38;
	[tilespmem:$0xC400] =	vst v63  }
0x14: {  	_ =	swait.ge [sflag:s3], $0x400  }
0x15: {  	[sflag:s3] =	ssyncset.done $0x0  }
0x16: {  	[sflag:s3] =	ssyncadd.s32 $0xFFFFFC00  }
0x17: {  	[tilespmem:s6], [sflag:$0x1] =	stream.indirect.gather [hbm4b:s5+s6], $0x30, s2, s6, $0xb8;
	[tilespmem:$0xC400] =	vst v63  }
0x18: {  	s10 =	smul.u32 $0x6, s10;
	_ =	swait.ge [sflag:s7], $0xC000  }
0x19: {  	[sflag:s7] =	ssyncset.done $0x0  }
0x1a: {  	s10 =	sadd.s32 s16, s10;
	[sflag:s7] =	ssyncadd.s32 $0xFFFF4000  }
0x1b: {  	[hbm4b:s10+s2] =	stream.linear.scatter [tilespmem:s6], [sflag:$0x2], $0xC000, $0x38;
	[tilespmem:$0xC400] =	vst v63  }
0x1c: {  	s12 =	sor.u32 $0x800, s15;
	_ =	swait.ge [sflag:s3], $0xC000  }
0x1d: {  	s11 =	sshrl.u32 s12, $0x3;
	[sflag:s3] =	ssyncset.done $0x0  }
0x1e: {  	s11 =	sadd.s32 s13, s11;
	[sflag:s3] =	ssyncadd.s32 $0xFFFF4000  }
0x1f: {  	[tilespmem:s2], [sflag:$0x2] =	stream.linear.gather [hbm4b:s11+s2], $0x400, $0x38;
	[tilespmem:$0xC400] =	vst v63  }
0x20: {  	_ =	swait.ge [sflag:s3], $0x400  }
0x21: {  	[sflag:s3] =	ssyncset.done $0x0  }
0x22: {  	[sflag:s3] =	ssyncadd.s32 $0xFFFFFC00  }
0x23: {  	[tilespmem:s6], [sflag:$0x1] =	stream.indirect.gather [hbm4b:s5+s6], $0x30, s2, s6, $0xb8;
	[tilespmem:$0xC400] =	vst v63  }
0x24: {  	s12 =	smul.u32 $0x6, s12;
	_ =	swait.ge [sflag:s7], $0xC000  }
0x25: {  	[sflag:s7] =	ssyncset.done $0x0  }
0x26: {  	s12 =	sadd.s32 s16, s12;
	[sflag:s7] =	ssyncadd.s32 $0xFFFF4000  }
0x27: {  	[hbm4b:s12+s2] =	stream.linear.scatter [tilespmem:s6], [sflag:$0x2], $0xC000, $0x38;
	[tilespmem:$0xC400] =	vst v63  }
0x28: {  	s15 =	sor.u32 $0xC00, s15;
	_ =	swait.ge [sflag:s3], $0xC000  }
0x29: {  	s17 =	sshrl.u32 s15, $0x3;
	[sflag:s3] =	ssyncset.done $0x0  }
0x2a: {  	s14 =	ssub.s32 $0x2, s14;
	s13 =	sadd.s32 s13, s17;
	[sflag:s3] =	ssyncadd.s32 $0xFFFF4000  }
0x2b: {  	[tilespmem:s2], [sflag:$0x2] =	stream.linear.gather [hbm4b:s13+s2], $0x400, $0x38;
	[tilespmem:$0xC400] =	vst v63  }
0x2c: {  	s30 =	sshrl.u32 s14, $0x1;
	_ =	swait.ge [sflag:s3], $0x400  }
0x2d: {  	s17 =	ssub.s32 s14, s30;
	[sflag:s3] =	ssyncset.done $0x0  }
0x2e: {  	s31 =	smax.u32 s17, $0x1;
	[sflag:s3] =	ssyncadd.s32 $0xFFFFFC00  }
0x2f: {  	[tilespmem:s6], [sflag:$0x1] =	stream.indirect.gather [hbm4b:s5+s6], $0x30, s2, s6, $0xb8;
	[tilespmem:$0xC400] =	vst v63  }
0x30: {  	s15 =	smul.u32 $0x6, s15;
	p0 =	sne.s32 s31, $0x1;
	_ =	swait.ge [sflag:s7], $0xC000  }
.Ltmp0:
0x31: {  	[sflag:s7] =	ssyncset.done $0x0;
	(pc) =	sbr.rel @!p0 .LBB2_2-.Ltmp0, $4  }
0x32: {  	s14 =	sadd.s32 s16, s15;
	[sflag:s7] =	ssyncadd.s32 $0xFFFF4000  }
0x33: {  	[hbm4b:s14+s2] =	stream.linear.scatter [tilespmem:s6], [sflag:$0x2], $0xC000, $0x38;
	[tilespmem:$0xC400] =	vst v63  }
0x34: {  	_ =	swait.ge [sflag:s3], $0xC000  }
0x35: {  	s15 =	sadd.s32 $0xFFFFFFFF, s31;
	[sflag:s3] =	ssyncset.done $0x0  }
.LBB2_1:
0x36: {  	p0 =	sne.s32 s15, $0x1;
	s15 =	sadd.s32 $0xFFFFFFFF, s15;
	[sflag:s3] =	ssyncadd.s32 $0xFFFF4000  }
0x37: {  	[tilespmem:s2], [sflag:$0x2] =	stream.linear.gather [hbm4b:s4+s2], $0x400, $0x38;
	[tilespmem:$0xC400] =	vst v63  }
0x38: {  	_ =	swait.ge [sflag:s3], $0x400  }
0x39: {  	[sflag:s3] =	ssyncset.done $0x0  }
0x3a: {  	[sflag:s3] =	ssyncadd.s32 $0xFFFFFC00  }
0x3b: {  	[tilespmem:s6], [sflag:$0x1] =	stream.indirect.gather [hbm4b:s5+s6], $0x30, s2, s6, $0xb8;
	[tilespmem:$0xC400] =	vst v63  }
0x3c: {  	_ =	swait.ge [sflag:s7], $0xC000  }
0x3d: {  	[sflag:s7] =	ssyncset.done $0x0  }
0x3e: {  	[sflag:s7] =	ssyncadd.s32 $0xFFFF4000  }
0x3f: {  	[hbm4b:s8+s2] =	stream.linear.scatter [tilespmem:s6], [sflag:$0x2], $0xC000, $0x38;
	[tilespmem:$0xC400] =	vst v63  }
0x40: {  	_ =	swait.ge [sflag:s3], $0xC000  }
0x41: {  	[sflag:s3] =	ssyncset.done $0x0  }
0x42: {  	[sflag:s3] =	ssyncadd.s32 $0xFFFF4000  }
0x43: {  	[tilespmem:s2], [sflag:$0x2] =	stream.linear.gather [hbm4b:s9+s2], $0x400, $0x38;
	[tilespmem:$0xC400] =	vst v63  }
0x44: {  	_ =	swait.ge [sflag:s3], $0x400  }
0x45: {  	[sflag:s3] =	ssyncset.done $0x0  }
0x46: {  	[sflag:s3] =	ssyncadd.s32 $0xFFFFFC00  }
0x47: {  	[tilespmem:s6], [sflag:$0x1] =	stream.indirect.gather [hbm4b:s5+s6], $0x30, s2, s6, $0xb8;
	[tilespmem:$0xC400] =	vst v63  }
0x48: {  	_ =	swait.ge [sflag:s7], $0xC000  }
0x49: {  	[sflag:s7] =	ssyncset.done $0x0  }
0x4a: {  	[sflag:s7] =	ssyncadd.s32 $0xFFFF4000  }
0x4b: {  	[hbm4b:s10+s2] =	stream.linear.scatter [tilespmem:s6], [sflag:$0x2], $0xC000, $0x38;
	[tilespmem:$0xC400] =	vst v63  }
0x4c: {  	_ =	swait.ge [sflag:s3], $0xC000  }
0x4d: {  	[sflag:s3] =	ssyncset.done $0x0  }
0x4e: {  	[sflag:s3] =	ssyncadd.s32 $0xFFFF4000  }
0x4f: {  	[tilespmem:s2], [sflag:$0x2] =	stream.linear.gather [hbm4b:s11+s2], $0x400, $0x38;
	[tilespmem:$0xC400] =	vst v63  }
0x50: {  	_ =	swait.ge [sflag:s3], $0x400  }
0x51: {  	[sflag:s3] =	ssyncset.done $0x0  }
0x52: {  	[sflag:s3] =	ssyncadd.s32 $0xFFFFFC00  }
0x53: {  	[tilespmem:s6], [sflag:$0x1] =	stream.indirect.gather [hbm4b:s5+s6], $0x30, s2, s6, $0xb8;
	[tilespmem:$0xC400] =	vst v63  }
0x54: {  	_ =	swait.ge [sflag:s7], $0xC000  }
0x55: {  	[sflag:s7] =	ssyncset.done $0x0  }
0x56: {  	[sflag:s7] =	ssyncadd.s32 $0xFFFF4000  }
0x57: {  	[hbm4b:s12+s2] =	stream.linear.scatter [tilespmem:s6], [sflag:$0x2], $0xC000, $0x38;
	[tilespmem:$0xC400] =	vst v63  }
0x58: {  	_ =	swait.ge [sflag:s3], $0xC000  }
0x59: {  	[sflag:s3] =	ssyncset.done $0x0  }
0x5a: {  	[sflag:s3] =	ssyncadd.s32 $0xFFFF4000  }
0x5b: {  	[tilespmem:s2], [sflag:$0x2] =	stream.linear.gather [hbm4b:s13+s2], $0x400, $0x38;
	[tilespmem:$0xC400] =	vst v63  }
0x5c: {  	_ =	swait.ge [sflag:s3], $0x400  }
0x5d: {  	[sflag:s3] =	ssyncset.done $0x0  }
0x5e: {  	[sflag:s3] =	ssyncadd.s32 $0xFFFFFC00  }
0x5f: {  	[tilespmem:s6], [sflag:$0x1] =	stream.indirect.gather [hbm4b:s5+s6], $0x30, s2, s6, $0xb8;
	[tilespmem:$0xC400] =	vst v63  }
0x60: {  	_ =	swait.ge [sflag:s7], $0xC000  }
.Ltmp1:
0x61: {  	[sflag:s7] =	ssyncset.done $0x0;
	(pc) =	sbr.rel @p0 .LBB2_1-.Ltmp1, $4  }
0x62: {  	[sflag:s7] =	ssyncadd.s32 $0xFFFF4000  }
0x63: {  	[hbm4b:s14+s2] =	stream.linear.scatter [tilespmem:s6], [sflag:$0x2], $0xC000, $0x38;
	[tilespmem:$0xC400] =	vst v63  }
0x64: {  	_ =	swait.ge [sflag:s3], $0xC000  }
0x65: {  	[sflag:s3] =	ssyncset.done $0x0  }
.LBB2_2:
0x66: {  	[sflag:s3] =	ssyncadd.s32 $0xFFFF4000  }
0x67: {  	_ =	sfence.sel $0x180000  }
0x68: {  	[bflag:$0x0] =	sbarrier.arrive $0xFFFF  }
0x69: {  	p0 =	sne.s32 s0, $0x0;
	_ =	strace $0x9000004D  }
0x6a: {  	s0 =	sadd.s32 @!p0 $0x100000, s1;
	[bflag:$0x2] =	sbarrier.arrive $0xFFFF  }
0x6b: {  	[sflag:s0] =	ssyncadd.tile.s32 @!p0 $0x1;
	_ =	shalt  }
.Lfunc_end2:
_tile_overlayer_lowered:
.L_overlay_start_2:
0x6c: {  	(tag) =	ssettag $0x2  }
0x6d: {  	s0 =	rddreg [dreg:$0x0];
	s2 =	stileid.u32  }
0x6e: {  	s1 =	rddreg [dreg:$0x1];
	p0 =	sne.s32 s2, $0x0  }
0x6f: {  	s3 =	rddreg [dreg:$0x2];
	[bflag:$0x3] =	sbarrier.arrive $0xFFFF;
	s2 =	simm.s32 @!p0 $0x1C02  }
0x70: {  	[timem:s3], [sflag:s2] =	dma.local @!p0 [hbm:s0], s1  }
0x71: {  	s0 =	simm.s32 @!p0 $0x2  }
0x72: {  	_ =	swait.ge @!p0 [sflag:s0], s1  }
0x73: {  	s1 =	ssub.s32 @!p0 $0x0, s1;
	[sflag:s0] =	ssyncset.done @!p0 $0x0  }
0x74: {  	[sflag:s0] =	ssyncadd.s32 @!p0 s1  }
0x75: {  	[bflag:$0x3] =	sbarrier.arrive $0xFFFF  }
0x76: {  	_ =	shalt  }

// kernel: kernel.17.cloned.1.call-start
scs
__scs_entry_jumppad:
0x0: {  	(pc) =	sbr.rel $0x88, $3  }
0x1: {  	(tag) =	ssettag $0x0;
	lr =	simm.s32 $0x1  }
0x2: {  	[smem:$0x3F02] =	sst lr;
	_ =	strace $0xD0000000  }
0x3: {  	_ = 	snop  }
0x4: {  	_ = 	snop  }
0x5: {  	_ = 	snop  }
0x6: {  	_ = 	snop  }
0x7: {  	_ = 	snop  }
__scs_overlays_trampoline_lowered:
0x8: {  	[smem:$0x3F11] =	sst s0  }
0x9: {  	[smem:$0x3F12] =	sst s1  }
0xa: {  	[smem:$0x3F13] =	sst s2  }
0xb: {  	[smem:$0x3F14] =	sst s3  }
0xc: {  	[smem:$0x3F15] =	sst s4  }
0xd: {  	[smem:$0x3F16] =	sst s5  }
0xe: {  	[smem:$0x3F17] =	sst s6  }
0xf: {  	[smem:$0x3F18] =	sst s7  }
0x10: {  	[smem:$0x3F19] =	sst s8  }
0x11: {  	[smem:$0x3F1A] =	sst s9;
	s0 =	simm.s32 @!p0 $0x0  }
0x12: {  	s1 =	sld [smem:$0x3F00];
	s0 =	simm.s32 @p0 $0x1  }
0x13: {  	[smem:$0x3F1B] =	sst s0;
	s0 =	simm.s32 @!p1 $0x0  }
0x14: {  	s2 =	sld [smem:$0x3EFF];
	s0 =	simm.s32 @p1 $0x1  }
0x15: {  	[smem:$0x3F1C] =	sst s0;
	s0 =	simm.s32 @!p2 $0x0  }
0x16: {  	s3 =	sld [smem:$0x3FDB];
	s0 =	simm.s32 @p2 $0x1  }
0x17: {  	s4 =	simm.s32 $0x1BF5;
	[smem:$0x3F1E] =	sst s0  }
0x18: {  	s0 =	sld [smem:$0x3F01];
	_ =	swait.ge [sflag:s4], $0x0  }
0x19: {  	s7 =	sld [smem:$0x3F02]  }
0x1a: {  	s8 =	sadd.s32 $0xFFFFE003, lr  }
0x1b: {  	s9 =	sadd.s32 $0xFFFFFEF7, lr;
	s5 =	simm.s32 $0xFFFFFFFF;
	p2 =	slt.u32 s8, $0xFFFFF086  }
0x1c: {  	p1 =	slt.u32 s9, $0xF7A;
	s5 =	simm.s32 @!p2 $0x0  }
0x1d: {  	s5 =	simm.s32 @p1 $0x1;
	p0 =	seq.s32 s7, s2  }
0x1e: {  	s7 =	smul.u32 @!p0 $0xF7A, s2;
	p2 =	seq.s32 @!p0 s5, $0x0  }
0x1f: {  	s9 =	smul.u32 $0xF7A, s1;
	s8 =	simm.s32 @!p0 $0x1BF5;
	p2 =	por !p2, p0  }
0x20: {  	[sflag:s8] =	ssyncset.s32 @!p0 $0xFFFFF086;
	s6 =	sadd.s32 @!p0 s3, s7;
	s7 =	simm.s32 @!p0 $0x108  }
0x21: {  	s3 =	sadd.s32 s3, s9;
	s6 =	sadd.s32 @!p0 $0x88, s6;
	s7 =	simm.s32 @p2 $0x1082  }
0x22: {  	[simem:s7], [sflag:s8] =	dma.local @!p0 [hbm:s6], $0xF7A  }
0x23: {  	s9 =	sor.u32 $0xD0000000, s2;
	s6 =	simm.s32 $0x108;
	_ =	swait.ge @!p0 [sflag:s8], $0x0  }
0x24: {  	s3 =	sadd.s32 $0x88, s3;
	s6 =	simm.s32 @!p1 $0x1082;
	[sflag:s4] =	ssyncset.s32 $0xFFFFF086  }
0x25: {  	[simem:s6], [sflag:s4] =	dma.local [hbm:s3], $0xF7A  }
0x26: {  	[smem:$0x3F02] =	sst s1;
	(tag) =	ssettag s2;
	_ =	strace s9  }
0x27: {  	s1 =	sld [smem:$0x3F12]  }
0x28: {  	s2 =	sld [smem:$0x3F13]  }
0x29: {  	s4 =	sld [smem:$0x3F15]  }
0x2a: {  	p0 =	seq.s32 s5, $0x0;
	s5 =	sld [smem:$0x3F16]  }
0x2b: {  	s6 =	sld [smem:$0x3F17]  }
0x2c: {  	s7 =	sld [smem:$0x3F18]  }
0x2d: {  	s3 =	simm.s32 $0x108;
	s8 =	sld [smem:$0x3F19]  }
0x2e: {  	s3 =	simm.s32 @!p0 $0x1082;
	s9 =	sld [smem:$0x3F1A]  }
0x2f: {  	lr =	sadd.s32 s0, s3;
	s0 =	sld [smem:$0x3F11]  }
0x30: {  	s3 =	sld [smem:$0x3F14]  }
0x31: {  	[smem:$0x3F1D] =	sst s10  }
0x32: {  	s10 =	sld [smem:$0x3F1B];
	_ =	sdelay $0x3  }
0x33: {  	p0 =	seq.s32 s10, $0x1;
	s10 =	sld [smem:$0x3F1D];
	_ =	sdelay $0x3  }
0x34: {  	[smem:$0x3F1D] =	sst s10  }
0x35: {  	s10 =	sld [smem:$0x3F1C];
	_ =	sdelay $0x3  }
0x36: {  	p1 =	seq.s32 s10, $0x1;
	s10 =	sld [smem:$0x3F1D];
	_ =	sdelay $0x3  }
0x37: {  	[smem:$0x3F1D] =	sst s10  }
0x38: {  	s10 =	sld [smem:$0x3F1E]  }
0x39: {  	_ = 	snop;
	(pc) =	sbr.ind lr, $3  }
0x3a: {  	_ = 	snop  }
0x3b: {  	_ = 	snop  }
0x3c: {  	p2 =	seq.s32 s10, $0x1;
	s10 =	sld [smem:$0x3F1D]  }
0x3d: {  	_ =	shalt  }
0x3e: {  	_ =	shalt  }
0x3f: {  	_ =	shalt  }
0x40: {  	_ =	shalt  }
0x41: {  	_ =	shalt  }
0x42: {  	_ =	shalt  }
0x43: {  	_ =	shalt  }
0x44: {  	_ =	shalt  }
0x45: {  	_ =	shalt  }
0x46: {  	_ =	shalt  }
0x47: {  	_ =	shalt  }
0x48: {  	_ =	shalt  }
0x49: {  	_ =	shalt  }
0x4a: {  	_ =	shalt  }
0x4b: {  	_ =	shalt  }
0x4c: {  	_ =	shalt  }
0x4d: {  	_ =	shalt  }
0x4e: {  	_ =	shalt  }
0x4f: {  	_ =	shalt  }
0x50: {  	_ =	shalt  }
0x51: {  	_ =	shalt  }
0x52: {  	_ =	shalt  }
0x53: {  	_ =	shalt  }
0x54: {  	_ =	shalt  }
0x55: {  	_ =	shalt  }
0x56: {  	_ =	shalt  }
0x57: {  	_ =	shalt  }
0x58: {  	_ =	shalt  }
0x59: {  	_ =	shalt  }
0x5a: {  	_ =	shalt  }
0x5b: {  	_ =	shalt  }
0x5c: {  	_ =	shalt  }
0x5d: {  	_ =	shalt  }
0x5e: {  	_ =	shalt  }
0x5f: {  	_ =	shalt  }
0x60: {  	_ =	shalt  }
0x61: {  	_ =	shalt  }
0x62: {  	_ =	shalt  }
0x63: {  	_ =	shalt  }
0x64: {  	_ =	shalt  }
0x65: {  	_ =	shalt  }
0x66: {  	_ =	shalt  }
0x67: {  	_ =	shalt  }
0x68: {  	_ =	shalt  }
0x69: {  	_ =	shalt  }
0x6a: {  	_ =	shalt  }
0x6b: {  	_ =	shalt  }
0x6c: {  	_ =	shalt  }
0x6d: {  	_ =	shalt  }
0x6e: {  	_ =	shalt  }
0x6f: {  	_ =	shalt  }
0x70: {  	_ =	shalt  }
0x71: {  	_ =	shalt  }
0x72: {  	_ =	shalt  }
0x73: {  	_ =	shalt  }
0x74: {  	_ =	shalt  }
0x75: {  	_ =	shalt  }
0x76: {  	_ =	shalt  }
0x77: {  	_ =	shalt  }
0x78: {  	_ =	shalt  }
0x79: {  	_ =	shalt  }
0x7a: {  	_ =	shalt  }
0x7b: {  	_ =	shalt  }
0x7c: {  	_ =	shalt  }
0x7d: {  	_ =	shalt  }
0x7e: {  	_ =	shalt  }
0x7f: {  	_ =	shalt  }
0x80: {  	_ =	shalt  }
0x81: {  	_ =	shalt  }
0x82: {  	_ =	shalt  }
0x83: {  	_ =	shalt  }
0x84: {  	_ =	shalt  }
0x85: {  	_ =	shalt  }
0x86: {  	_ =	shalt  }
0x87: {  	_ =	shalt  }
.Lfunc_end0:
.L_simem_size_0:
called_computation.6_lowered:
.L_overlay_start_0:
0x88: {  	s2 =	sld [smem:$0x3FD9]  }
0x89: {  	s3 =	sld [smem:$0x3FFE];
	_ =	sdelay $0x1  }
0x8a: {  	s1 =	srdreg.scid  }
0x8b: {  	s0 =	sand.u32 $0x1, s1  }
0x8c: {  	s17 =	sshll.u32 s0, $0xA;
	s2 =	sadd.s32 s3, s2  }
0x8d: {  	s2 =	sadd.s32 s2, s17  }
0x8e: {  	[smem:$0x3F29] =	sst s2  }
0x8f: {  	_ = 	snop  }
0x90: {  	(tm) =	ssettm $0x1  }
0x91: {  	s18 =	sld [smem:$0x3FFB];
	_ =	sdelay $0x3  }
0x92: {  	_ =	strace s18  }
0x93: {  	s2 =	sld [smem:$0x3FFC];
	_ =	sdelay $0x3  }
0x94: {  	_ =	strace s2  }
0x95: {  	s2 =	sld [smem:$0x3FFD];
	_ =	sdelay $0x3  }
0x96: {  	_ =	strace s2  }
0x97: {  	_ =	strace $0x8FFFFFFF  }
0x98: {  	s19 =	sld [smem:$0x3FDB];
	_ =	sdelay $0x1  }
0x99: {  	s20 =	simm.s32 $_scs_section_size  }
0x9a: {  	s4 =	simm.s32 $_size__tile_overlayer_lowered;
	s5 =	simm.s32 $_tile_overlayer_lowered  }
0x9b: {  	s6 =	simm.s32 $0x1BFF;
	s21 =	sshll.u32 s5, $0x1;
	s3 =	sadd.s32 s20, s19  }
0x9c: {  	s22 =	simm.s32 $0x0;
	s4 =	sshll.u32 s4, $0x1;
	s5 =	sadd.s32 s21, s3  }
0x9d: {  	[timem:s22], [sflag:s6] =	dma.local [hbm:s5], s4  }
0x9e: {  	_ =	swait.ge [sflag:s6], s4  }
0x9f: {  	s4 =	ssub.s32 $0x0, s4;
	[sflag:s6] =	ssyncset.done $0x0  }
0xa0: {  	[sflag:s6] =	ssyncadd.s32 s4;
	_ =	sdelay $0x1  }
0xa1: {  	s23 =	simm.s32 $0x1B8B  }
0xa2: {  	_ =	swait.ge [sflag:s23], $0x1  }
0xa3: {  	[sflag:s23] =	ssyncset.done $0x0  }
0xa4: {  	[sflag:s23] =	ssyncadd.s32 $0xFFFFFFFF  }
0xa5: {  	s4 =	sld [smem:$0x0]  }
0xa6: {  	s5 =	sand.u32 $0xFFFFFFFE, s1  }
0xa7: {  	p0 =	sne.s32 s1, s5  }
0xa8: {  	s5 =	sshll.u32 @p0 s5, $0xE  }
0xa9: {  	s5 =	sadd.s32 @p0 $0x11B8D, s5;
	s6 =	sshll.u32 @p0 s4, $0x11  }
0xaa: {  	s5 =	sor.u32 @p0 s6, s5  }
0xab: {  	[sflag:s5] =	ssyncadd.remote.s32 @p0 $0x1;
	_ =	sdelay $0x1  }
0xac: {  	s5 =	simm.s32 @p0 $0x1B8D  }
0xad: {  	_ =	swait.eq @p0 [sflag:s5], $0x1  }
0xae: {  	[sflag:s5] =	ssyncadd.s32 @p0 $0xFFFFFFFF  }
0xaf: {  	s6 =	sshll.u32 @!p0 s1, $0xE  }
0xb0: {  	s6 =	sor.u32 @!p0 $0x4000, s6;
	s5 =	simm.s32 @!p0 $0x1B8D  }
0xb1: {  	s4 =	sshll.u32 @!p0 s4, $0x11;
	s6 =	sadd.s32 @!p0 $0x11B8D, s6;
	_ =	swait.eq @!p0 [sflag:s5], $0x1  }
0xb2: {  	s4 =	sor.u32 @!p0 s4, s6;
	[sflag:s5] =	ssyncadd.s32 @!p0 $0xFFFFFFFF  }
0xb3: {  	s25 =	simm.s32 $0x1B8E;
	s24 =	sld [smem:$0x3FFE];
	[sflag:s4] =	ssyncadd.remote.s32 @!p0 $0x1  }
0xb4: {  	s26 =	simm.s32 $execute0_lowered;
	[smem:$0x3FD2] =	sst s25  }
0xb5: {  	s5 =	sshll.u32 s26, $0x1;
	_ =	strace $0x80000058;
	[dreg:$0x1] =	wrdreg $0xFFFFFFFF  }
0xb6: {  	s28 =	simm.s32 $_size_execute0_lowered;
	s3 =	sadd.s32 s3, s5;
	[dreg:$0x0] =	wrdreg $0x0  }
0xb7: {  	s5 =	sshll.u32 s28, $0x1;
	[dreg:$0x2] =	wrdreg s3  }
0xb8: {  	[dreg:$0x3] =	wrdreg s5  }
0xb9: {  	[dreg:$0x4] =	wrdreg $0xC0  }
0xba: {  	_ =	task [dreg:s22], $0x5FFFF  }
0xbb: {  	[dreg:$0x1] =	wrdreg $0xFFFFFFFF  }
0xbc: {  	[dreg:$0x0] =	wrdreg $0x60  }
0xbd: {  	[dreg:$0x2] =	wrdreg s24  }
0xbe: {  	[dreg:$0x3] =	wrdreg $0xA  }
0xbf: {  	_ =	task.clear_ibuf [dreg:s22], $0x4FFFF;
	_ =	strace $0x90000058  }
0xc0: {  	s29 =	simm.s32 $0xA;
	_ =	strace $0x8000005A  }
0xc1: {  	_ =	swait.ge [sflag:s29], $0x1  }
0xc2: {  	[sflag:s29] =	ssyncadd.s32 $0xFFFFFFFF  }
0xc3: {  	_ =	strace $0x9000005A  }
0xc4: {  	_ =	sfence  }
0xc5: {  	s30 =	sld [smem:$0x0];
	_ =	sdelay $0x2  }
0xc6: {  	s31 =	sshll.u32 s1, $0xD;
	s1 =	sshrl.u32 s1, $0x2  }
0xc7: {  	s4 =	sand.u32 $0x4000, s31;
	s1 =	sadd.s32 s1, s30  }
0xc8: {  	s0 =	sor.u32 s4, s0;
	s1 =	sshll.u32 s1, $0x11  }
0xc9: {  	s0 =	sor.u32 s1, s0  }
0xca: {  	s0 =	sadd.s32 $0x8F2B, s0  }
0xcb: {  	[sflag:s0] =	ssyncadd.remote.s32 $0x1  }
0xcc: {  	_ =	sfence.sel $0xFFFF  }
0xcd: {  	[dreg:$0x0] =	wrdreg $0xFFFFFFFF;
	(pc) =	sbr.abs _section_cstart, $3  }
0xce: {  	[dreg:$0x1] =	wrdreg $0xFFFFFFFF  }
0xcf: {  	_ =	task.clear_ibuf [dreg:s22], $0x2FFFF;
	_ =	strace $0x9FFFFFFF  }
0xd0: {  	(tm) =	ssettm $0x7FFFFFFF  }
0xd1: {  	_ =	shalt  }
tec
execute0_lowered:
.L_overlay_start_1:
0x0: {  	(tag) =	ssettag $0x1  }
0x1: {  	s1 =	srdreg.scid  }
0x2: {  	s0 =	stileid.u32;
	s10 =	sand.u32 $0x1, s1  }
0x3: {  	s8 =	rddreg [dreg:$0x0];
	s3 =	sshll.u32 s0, $0xC;
	s4 =	sshll.u32 s10, $0xB  }
0x4: {  	s2 =	simm.s32 $0x0;
	s1 =	rddreg [dreg:$0x1];
	s9 =	sor.u32 s4, s3  }
0x5: {  	[smem:$0x7FF] =	sst s2;
	s11 =	sadd.s32 $0x6200, s8;
	s3 =	sshrl.u32 s9, $0x3  }
0x6: {  	_ =	strace $0x80000059;
	s4 =	sadd.s32 s11, s3;
	s3 =	simm.s32 $0x2  }
0x7: {  	[tilespmem:s2], [sflag:$0x2] =	stream.linear.gather [hbm4b:s4+s2], $0x400, $0x38;
	[tilespmem:$0x14400] =	vst v63  }
0x8: {  	_ =	swait.ge [sflag:s3], $0x400  }
0x9: {  	s6 =	simm.s32 $0x400;
	[sflag:s3] =	ssyncset.done $0x0  }
0xa: {  	s7 =	simm.s32 $0x1;
	s5 =	sadd.s32 $0x18600, s8;
	[sflag:s3] =	ssyncadd.s32 $0xFFFFFC00  }
0xb: {  	[tilespmem:s6], [sflag:$0x1] =	stream.indirect.gather [hbm4b:s5+s6], $0x50, s2, s6, $0xb8;
	[tilespmem:$0x14400] =	vst v63  }
0xc: {  	s12 =	smul.u32 $0xA, s9;
	_ =	swait.ge [sflag:s7], $0x14000  }
0xd: {  	s13 =	sadd.s32 $0x26400, s8;
	[sflag:s7] =	ssyncset.done $0x0  }
0xe: {  	s8 =	sadd.s32 s13, s12;
	[sflag:s7] =	ssyncadd.s32 $0xFFFEC000  }
0xf: {  	[hbm4b:s8+s2] =	stream.linear.scatter [tilespmem:s6], [sflag:$0x2], $0x14000, $0x38;
	[tilespmem:$0x14400] =	vst v63  }
0x10: {  	s30 =	sor.u32 $0x400, s9;
	_ =	swait.ge [sflag:s3], $0x14000  }
0x11: {  	s9 =	sshrl.u32 s30, $0x3;
	[sflag:s3] =	ssyncset.done $0x0  }
0x12: {  	s10 =	ssub.s32 $0x2, s10;
	s9 =	sadd.s32 s11, s9;
	[sflag:s3] =	ssyncadd.s32 $0xFFFEC000  }
0x13: {  	[tilespmem:s2], [sflag:$0x2] =	stream.linear.gather [hbm4b:s9+s2], $0x400, $0x38;
	[tilespmem:$0x14400] =	vst v63  }
0x14: {  	s31 =	sshrl.u32 s10, $0x1;
	_ =	swait.ge [sflag:s3], $0x400  }
0x15: {  	s11 =	ssub.s32 s10, s31;
	[sflag:s3] =	ssyncset.done $0x0  }
0x16: {  	s11 =	smax.u32 s11, $0x1;
	[sflag:s3] =	ssyncadd.s32 $0xFFFFFC00  }
0x17: {  	[tilespmem:s6], [sflag:$0x1] =	stream.indirect.gather [hbm4b:s5+s6], $0x50, s2, s6, $0xb8;
	[tilespmem:$0x14400] =	vst v63  }
0x18: {  	s12 =	smul.u32 $0xA, s30;
	p0 =	sne.s32 s11, $0x1;
	_ =	swait.ge [sflag:s7], $0x14000  }
.Ltmp0:
0x19: {  	[sflag:s7] =	ssyncset.done $0x0;
	(pc) =	sbr.rel @!p0 .LBB2_2-.Ltmp0, $4  }
0x1a: {  	s10 =	sadd.s32 s13, s12;
	[sflag:s7] =	ssyncadd.s32 $0xFFFEC000  }
0x1b: {  	[hbm4b:s10+s2] =	stream.linear.scatter [tilespmem:s6], [sflag:$0x2], $0x14000, $0x38;
	[tilespmem:$0x14400] =	vst v63  }
0x1c: {  	_ =	swait.ge [sflag:s3], $0x14000  }
0x1d: {  	s11 =	sadd.s32 $0xFFFFFFFF, s11;
	[sflag:s3] =	ssyncset.done $0x0  }
.LBB2_1:
0x1e: {  	p0 =	sne.s32 s11, $0x1;
	s11 =	sadd.s32 $0xFFFFFFFF, s11;
	[sflag:s3] =	ssyncadd.s32 $0xFFFEC000  }
0x1f: {  	[tilespmem:s2], [sflag:$0x2] =	stream.linear.gather [hbm4b:s4+s2], $0x400, $0x38;
	[tilespmem:$0x14400] =	vst v63  }
0x20: {  	_ =	swait.ge [sflag:s3], $0x400  }
0x21: {  	[sflag:s3] =	ssyncset.done $0x0  }
0x22: {  	[sflag:s3] =	ssyncadd.s32 $0xFFFFFC00  }
0x23: {  	[tilespmem:s6], [sflag:$0x1] =	stream.indirect.gather [hbm4b:s5+s6], $0x50, s2, s6, $0xb8;
	[tilespmem:$0x14400] =	vst v63  }
0x24: {  	_ =	swait.ge [sflag:s7], $0x14000  }
0x25: {  	[sflag:s7] =	ssyncset.done $0x0  }
0x26: {  	[sflag:s7] =	ssyncadd.s32 $0xFFFEC000  }
0x27: {  	[hbm4b:s8+s2] =	stream.linear.scatter [tilespmem:s6], [sflag:$0x2], $0x14000, $0x38;
	[tilespmem:$0x14400] =	vst v63  }
0x28: {  	_ =	swait.ge [sflag:s3], $0x14000  }
0x29: {  	[sflag:s3] =	ssyncset.done $0x0  }
0x2a: {  	[sflag:s3] =	ssyncadd.s32 $0xFFFEC000  }
0x2b: {  	[tilespmem:s2], [sflag:$0x2] =	stream.linear.gather [hbm4b:s9+s2], $0x400, $0x38;
	[tilespmem:$0x14400] =	vst v63  }
0x2c: {  	_ =	swait.ge [sflag:s3], $0x400  }
0x2d: {  	[sflag:s3] =	ssyncset.done $0x0  }
0x2e: {  	[sflag:s3] =	ssyncadd.s32 $0xFFFFFC00  }
0x2f: {  	[tilespmem:s6], [sflag:$0x1] =	stream.indirect.gather [hbm4b:s5+s6], $0x50, s2, s6, $0xb8;
	[tilespmem:$0x14400] =	vst v63  }
0x30: {  	_ =	swait.ge [sflag:s7], $0x14000  }
.Ltmp1:
0x31: {  	[sflag:s7] =	ssyncset.done $0x0;
	(pc) =	sbr.rel @p0 .LBB2_1-.Ltmp1, $4  }
0x32: {  	[sflag:s7] =	ssyncadd.s32 $0xFFFEC000  }
0x33: {  	[hbm4b:s10+s2] =	stream.linear.scatter [tilespmem:s6], [sflag:$0x2], $0x14000, $0x38;
	[tilespmem:$0x14400] =	vst v63  }
0x34: {  	_ =	swait.ge [sflag:s3], $0x14000  }
0x35: {  	[sflag:s3] =	ssyncset.done $0x0  }
.LBB2_2:
0x36: {  	[sflag:s3] =	ssyncadd.s32 $0xFFFEC000  }
0x37: {  	_ =	sfence.sel $0x180000  }
0x38: {  	[bflag:$0x0] =	sbarrier.arrive $0xFFFF  }
0x39: {  	p0 =	sne.s32 s0, $0x0;
	_ =	strace $0x90000059  }
0x3a: {  	s0 =	sadd.s32 @!p0 $0x100000, s1;
	[bflag:$0x2] =	sbarrier.arrive $0xFFFF  }
0x3b: {  	[sflag:s0] =	ssyncadd.tile.s32 @!p0 $0x1;
	_ =	shalt  }
.Lfunc_end2:
_tile_overlayer_lowered:
.L_overlay_start_2:
0x3c: {  	(tag) =	ssettag $0x2  }
0x3d: {  	s0 =	rddreg [dreg:$0x0];
	s2 =	stileid.u32  }
0x3e: {  	s1 =	rddreg [dreg:$0x1];
	p0 =	sne.s32 s2, $0x0  }
0x3f: {  	s3 =	rddreg [dreg:$0x2];
	[bflag:$0x3] =	sbarrier.arrive $0xFFFF;
	s2 =	simm.s32 @!p0 $0x1C02  }
0x40: {  	[timem:s3], [sflag:s2] =	dma.local @!p0 [hbm:s0], s1  }
0x41: {  	s0 =	simm.s32 @!p0 $0x2  }
0x42: {  	_ =	swait.ge @!p0 [sflag:s0], s1  }
0x43: {  	s1 =	ssub.s32 @!p0 $0x0, s1;
	[sflag:s0] =	ssyncset.done @!p0 $0x0  }
0x44: {  	[sflag:s0] =	ssyncadd.s32 @!p0 s1  }
0x45: {  	[bflag:$0x3] =	sbarrier.arrive $0xFFFF  }
0x46: {  	_ =	shalt  }

// kernel: kernel.20.cloned.1.call-start
scs
__scs_entry_jumppad:
0x0: {  	(pc) =	sbr.rel $0x88, $3  }
0x1: {  	(tag) =	ssettag $0x0;
	lr =	simm.s32 $0x1  }
0x2: {  	[smem:$0x3F02] =	sst lr;
	_ =	strace $0xD0000000  }
0x3: {  	_ = 	snop  }
0x4: {  	_ = 	snop  }
0x5: {  	_ = 	snop  }
0x6: {  	_ = 	snop  }
0x7: {  	_ = 	snop  }
__scs_overlays_trampoline_lowered:
0x8: {  	[smem:$0x3F11] =	sst s0  }
0x9: {  	[smem:$0x3F12] =	sst s1  }
0xa: {  	[smem:$0x3F13] =	sst s2  }
0xb: {  	[smem:$0x3F14] =	sst s3  }
0xc: {  	[smem:$0x3F15] =	sst s4  }
0xd: {  	[smem:$0x3F16] =	sst s5  }
0xe: {  	[smem:$0x3F17] =	sst s6  }
0xf: {  	[smem:$0x3F18] =	sst s7  }
0x10: {  	[smem:$0x3F19] =	sst s8  }
0x11: {  	[smem:$0x3F1A] =	sst s9;
	s0 =	simm.s32 @!p0 $0x0  }
0x12: {  	s1 =	sld [smem:$0x3F00];
	s0 =	simm.s32 @p0 $0x1  }
0x13: {  	[smem:$0x3F1B] =	sst s0;
	s0 =	simm.s32 @!p1 $0x0  }
0x14: {  	s2 =	sld [smem:$0x3EFF];
	s0 =	simm.s32 @p1 $0x1  }
0x15: {  	[smem:$0x3F1C] =	sst s0;
	s0 =	simm.s32 @!p2 $0x0  }
0x16: {  	s3 =	sld [smem:$0x3FDB];
	s0 =	simm.s32 @p2 $0x1  }
0x17: {  	s4 =	simm.s32 $0x1BF5;
	[smem:$0x3F1E] =	sst s0  }
0x18: {  	s0 =	sld [smem:$0x3F01];
	_ =	swait.ge [sflag:s4], $0x0  }
0x19: {  	s7 =	sld [smem:$0x3F02]  }
0x1a: {  	s8 =	sadd.s32 $0xFFFFE003, lr  }
0x1b: {  	s9 =	sadd.s32 $0xFFFFFEF7, lr;
	s5 =	simm.s32 $0xFFFFFFFF;
	p2 =	slt.u32 s8, $0xFFFFF086  }
0x1c: {  	p1 =	slt.u32 s9, $0xF7A;
	s5 =	simm.s32 @!p2 $0x0  }
0x1d: {  	s5 =	simm.s32 @p1 $0x1;
	p0 =	seq.s32 s7, s2  }
0x1e: {  	s7 =	smul.u32 @!p0 $0xF7A, s2;
	p2 =	seq.s32 @!p0 s5, $0x0  }
0x1f: {  	s9 =	smul.u32 $0xF7A, s1;
	s8 =	simm.s32 @!p0 $0x1BF5;
	p2 =	por !p2, p0  }
0x20: {  	[sflag:s8] =	ssyncset.s32 @!p0 $0xFFFFF086;
	s6 =	sadd.s32 @!p0 s3, s7;
	s7 =	simm.s32 @!p0 $0x108  }
0x21: {  	s3 =	sadd.s32 s3, s9;
	s6 =	sadd.s32 @!p0 $0x88, s6;
	s7 =	simm.s32 @p2 $0x1082  }
0x22: {  	[simem:s7], [sflag:s8] =	dma.local @!p0 [hbm:s6], $0xF7A  }
0x23: {  	s9 =	sor.u32 $0xD0000000, s2;
	s6 =	simm.s32 $0x108;
	_ =	swait.ge @!p0 [sflag:s8], $0x0  }
0x24: {  	s3 =	sadd.s32 $0x88, s3;
	s6 =	simm.s32 @!p1 $0x1082;
	[sflag:s4] =	ssyncset.s32 $0xFFFFF086  }
0x25: {  	[simem:s6], [sflag:s4] =	dma.local [hbm:s3], $0xF7A  }
0x26: {  	[smem:$0x3F02] =	sst s1;
	(tag) =	ssettag s2;
	_ =	strace s9  }
0x27: {  	s1 =	sld [smem:$0x3F12]  }
0x28: {  	s2 =	sld [smem:$0x3F13]  }
0x29: {  	s4 =	sld [smem:$0x3F15]  }
0x2a: {  	p0 =	seq.s32 s5, $0x0;
	s5 =	sld [smem:$0x3F16]  }
0x2b: {  	s6 =	sld [smem:$0x3F17]  }
0x2c: {  	s7 =	sld [smem:$0x3F18]  }
0x2d: {  	s3 =	simm.s32 $0x108;
	s8 =	sld [smem:$0x3F19]  }
0x2e: {  	s3 =	simm.s32 @!p0 $0x1082;
	s9 =	sld [smem:$0x3F1A]  }
0x2f: {  	lr =	sadd.s32 s0, s3;
	s0 =	sld [smem:$0x3F11]  }
0x30: {  	s3 =	sld [smem:$0x3F14]  }
0x31: {  	[smem:$0x3F1D] =	sst s10  }
0x32: {  	s10 =	sld [smem:$0x3F1B];
	_ =	sdelay $0x3  }
0x33: {  	p0 =	seq.s32 s10, $0x1;
	s10 =	sld [smem:$0x3F1D];
	_ =	sdelay $0x3  }
0x34: {  	[smem:$0x3F1D] =	sst s10  }
0x35: {  	s10 =	sld [smem:$0x3F1C];
	_ =	sdelay $0x3  }
0x36: {  	p1 =	seq.s32 s10, $0x1;
	s10 =	sld [smem:$0x3F1D];
	_ =	sdelay $0x3  }
0x37: {  	[smem:$0x3F1D] =	sst s10  }
0x38: {  	s10 =	sld [smem:$0x3F1E]  }
0x39: {  	_ = 	snop;
	(pc) =	sbr.ind lr, $3  }
0x3a: {  	_ = 	snop  }
0x3b: {  	_ = 	snop  }
0x3c: {  	p2 =	seq.s32 s10, $0x1;
	s10 =	sld [smem:$0x3F1D]  }
0x3d: {  	_ =	shalt  }
0x3e: {  	_ =	shalt  }
0x3f: {  	_ =	shalt  }
0x40: {  	_ =	shalt  }
0x41: {  	_ =	shalt  }
0x42: {  	_ =	shalt  }
0x43: {  	_ =	shalt  }
0x44: {  	_ =	shalt  }
0x45: {  	_ =	shalt  }
0x46: {  	_ =	shalt  }
0x47: {  	_ =	shalt  }
0x48: {  	_ =	shalt  }
0x49: {  	_ =	shalt  }
0x4a: {  	_ =	shalt  }
0x4b: {  	_ =	shalt  }
0x4c: {  	_ =	shalt  }
0x4d: {  	_ =	shalt  }
0x4e: {  	_ =	shalt  }
0x4f: {  	_ =	shalt  }
0x50: {  	_ =	shalt  }
0x51: {  	_ =	shalt  }
0x52: {  	_ =	shalt  }
0x53: {  	_ =	shalt  }
0x54: {  	_ =	shalt  }
0x55: {  	_ =	shalt  }
0x56: {  	_ =	shalt  }
0x57: {  	_ =	shalt  }
0x58: {  	_ =	shalt  }
0x59: {  	_ =	shalt  }
0x5a: {  	_ =	shalt  }
0x5b: {  	_ =	shalt  }
0x5c: {  	_ =	shalt  }
0x5d: {  	_ =	shalt  }
0x5e: {  	_ =	shalt  }
0x5f: {  	_ =	shalt  }
0x60: {  	_ =	shalt  }
0x61: {  	_ =	shalt  }
0x62: {  	_ =	shalt  }
0x63: {  	_ =	shalt  }
0x64: {  	_ =	shalt  }
0x65: {  	_ =	shalt  }
0x66: {  	_ =	shalt  }
0x67: {  	_ =	shalt  }
0x68: {  	_ =	shalt  }
0x69: {  	_ =	shalt  }
0x6a: {  	_ =	shalt  }
0x6b: {  	_ =	shalt  }
0x6c: {  	_ =	shalt  }
0x6d: {  	_ =	shalt  }
0x6e: {  	_ =	shalt  }
0x6f: {  	_ =	shalt  }
0x70: {  	_ =	shalt  }
0x71: {  	_ =	shalt  }
0x72: {  	_ =	shalt  }
0x73: {  	_ =	shalt  }
0x74: {  	_ =	shalt  }
0x75: {  	_ =	shalt  }
0x76: {  	_ =	shalt  }
0x77: {  	_ =	shalt  }
0x78: {  	_ =	shalt  }
0x79: {  	_ =	shalt  }
0x7a: {  	_ =	shalt  }
0x7b: {  	_ =	shalt  }
0x7c: {  	_ =	shalt  }
0x7d: {  	_ =	shalt  }
0x7e: {  	_ =	shalt  }
0x7f: {  	_ =	shalt  }
0x80: {  	_ =	shalt  }
0x81: {  	_ =	shalt  }
0x82: {  	_ =	shalt  }
0x83: {  	_ =	shalt  }
0x84: {  	_ =	shalt  }
0x85: {  	_ =	shalt  }
0x86: {  	_ =	shalt  }
0x87: {  	_ =	shalt  }
.Lfunc_end0:
.L_simem_size_0:
called_computation.7_lowered:
.L_overlay_start_0:
0x88: {  	s2 =	sld [smem:$0x3FD9]  }
0x89: {  	s3 =	sld [smem:$0x3FFE];
	_ =	sdelay $0x1  }
0x8a: {  	s1 =	srdreg.scid  }
0x8b: {  	s0 =	sand.u32 $0x1, s1  }
0x8c: {  	s16 =	sshll.u32 s0, $0xA;
	s2 =	sadd.s32 s3, s2  }
0x8d: {  	s2 =	sadd.s32 s2, s16  }
0x8e: {  	[smem:$0x3F29] =	sst s2  }
0x8f: {  	_ = 	snop  }
0x90: {  	(tm) =	ssettm $0x1  }
0x91: {  	s17 =	sld [smem:$0x3FFB];
	_ =	sdelay $0x3  }
0x92: {  	_ =	strace s17  }
0x93: {  	s2 =	sld [smem:$0x3FFC];
	_ =	sdelay $0x3  }
0x94: {  	_ =	strace s2  }
0x95: {  	s2 =	sld [smem:$0x3FFD];
	_ =	sdelay $0x3  }
0x96: {  	_ =	strace s2  }
0x97: {  	_ =	strace $0x8FFFFFFF  }
0x98: {  	s18 =	sld [smem:$0x3FDB];
	_ =	sdelay $0x1  }
0x99: {  	s19 =	simm.s32 $_scs_section_size  }
0x9a: {  	s4 =	simm.s32 $_size__tile_overlayer_lowered;
	s5 =	simm.s32 $_tile_overlayer_lowered  }
0x9b: {  	s22 =	simm.s32 $0x1BFF;
	s21 =	sshll.u32 s5, $0x1;
	s2 =	sadd.s32 s19, s18  }
0x9c: {  	s6 =	simm.s32 $0x0;
	s20 =	sshll.u32 s4, $0x1;
	s4 =	sadd.s32 s21, s2  }
0x9d: {  	[timem:s6], [sflag:s22] =	dma.local [hbm:s4], s20  }
0x9e: {  	_ =	swait.ge [sflag:s22], s20  }
0x9f: {  	s3 =	ssub.s32 $0x0, s20;
	[sflag:s22] =	ssyncset.done $0x0  }
0xa0: {  	[sflag:s22] =	ssyncadd.s32 s3;
	_ =	sdelay $0x1  }
0xa1: {  	s23 =	simm.s32 $0x1B8B  }
0xa2: {  	_ =	swait.ge [sflag:s23], $0x1  }
0xa3: {  	[sflag:s23] =	ssyncset.done $0x0  }
0xa4: {  	s25 =	simm.s32 $0x1B8E;
	s24 =	sld [smem:$0x3FFE];
	[sflag:s23] =	ssyncadd.s32 $0xFFFFFFFF  }
0xa5: {  	s26 =	simm.s32 $execute0_lowered;
	[smem:$0x3FD2] =	sst s25  }
0xa6: {  	s4 =	sshll.u32 s26, $0x1;
	_ =	strace $0x8000005B;
	[dreg:$0x1] =	wrdreg $0xFFFFFFFF  }
0xa7: {  	s28 =	simm.s32 $_size_execute0_lowered;
	s2 =	sadd.s32 s2, s4;
	[dreg:$0x0] =	wrdreg $0x0  }
0xa8: {  	s4 =	sshll.u32 s28, $0x1;
	[dreg:$0x2] =	wrdreg s2  }
0xa9: {  	[dreg:$0x3] =	wrdreg s4  }
0xaa: {  	[dreg:$0x4] =	wrdreg $0xC0  }
0xab: {  	_ =	task [dreg:s6], $0x5FFFF  }
0xac: {  	[dreg:$0x1] =	wrdreg $0xFFFFFFFF  }
0xad: {  	[dreg:$0x0] =	wrdreg $0x60  }
0xae: {  	[dreg:$0x2] =	wrdreg s24  }
0xaf: {  	[dreg:$0x3] =	wrdreg $0x9  }
0xb0: {  	_ =	task.clear_ibuf [dreg:s6], $0x4FFFF;
	_ =	strace $0x9000005B  }
0xb1: {  	s29 =	simm.s32 $0x9;
	_ =	strace $0x8000005D  }
0xb2: {  	_ =	swait.ge [sflag:s29], $0x1  }
0xb3: {  	[sflag:s29] =	ssyncadd.s32 $0xFFFFFFFF  }
0xb4: {  	_ =	strace $0x9000005D  }
0xb5: {  	_ =	sfence  }
0xb6: {  	s30 =	sld [smem:$0x0];
	_ =	sdelay $0x2  }
0xb7: {  	s31 =	sshll.u32 s1, $0xD;
	s1 =	sshrl.u32 s1, $0x2  }
0xb8: {  	s3 =	sand.u32 $0x4000, s31;
	s1 =	sadd.s32 s1, s30  }
0xb9: {  	s0 =	sor.u32 s3, s0;
	s1 =	sshll.u32 s1, $0x11  }
0xba: {  	s0 =	sor.u32 s1, s0  }
0xbb: {  	s0 =	sadd.s32 $0x8F2B, s0  }
0xbc: {  	[sflag:s0] =	ssyncadd.remote.s32 $0x1  }
0xbd: {  	_ =	sfence.sel $0xFFFF  }
0xbe: {  	[dreg:$0x0] =	wrdreg $0xFFFFFFFF;
	(pc) =	sbr.abs _section_cstart, $3  }
0xbf: {  	[dreg:$0x1] =	wrdreg $0xFFFFFFFF  }
0xc0: {  	_ =	task.clear_ibuf [dreg:s6], $0x2FFFF;
	_ =	strace $0x9FFFFFFF  }
0xc1: {  	(tm) =	ssettm $0x7FFFFFFF  }
tec
execute0_lowered:
.L_overlay_start_1:
0x0: {  	(tag) =	ssettag $0x1  }
0x1: {  	s1 =	srdreg.scid  }
0x2: {  	s0 =	stileid.u32;
	s10 =	sand.u32 $0x1, s1  }
0x3: {  	s8 =	rddreg [dreg:$0x0];
	s3 =	sshll.u32 s0, $0xB;
	s4 =	sshll.u32 s10, $0xA  }
0x4: {  	s2 =	simm.s32 $0x0;
	s1 =	rddreg [dreg:$0x1];
	s9 =	sor.u32 s4, s3  }
0x5: {  	[smem:$0x7FF] =	sst s2;
	s11 =	sadd.s32 $0x22800, s8;
	s3 =	sshrl.u32 s9, $0x3  }
0x6: {  	_ =	strace $0x8000005C;
	s4 =	sadd.s32 s11, s3;
	s3 =	simm.s32 $0x2  }
0x7: {  	[tilespmem:s2], [sflag:$0x2] =	stream.linear.gather [hbm4b:s4+s2], $0x200, $0x38;
	[tilespmem:$0x12200] =	vst v63  }
0x8: {  	_ =	swait.ge [sflag:s3], $0x200  }
0x9: {  	s6 =	simm.s32 $0x200;
	[sflag:s3] =	ssyncset.done $0x0  }
0xa: {  	s7 =	simm.s32 $0x1;
	s5 =	sadd.s32 $0x26400, s8;
	[sflag:s3] =	ssyncadd.s32 $0xFFFFFE00  }
0xb: {  	[tilespmem:s6], [sflag:$0x1] =	stream.indirect.gather [hbm4b:s5+s6], $0x90, s2, s6, $0xb8;
	[tilespmem:$0x12200] =	vst v63  }
0xc: {  	s12 =	smul.u32 $0x12, s9;
	_ =	swait.ge [sflag:s7], $0x12000  }
0xd: {  	s13 =	sadd.s32 $0x2F400, s8;
	[sflag:s7] =	ssyncset.done $0x0  }
0xe: {  	s8 =	sadd.s32 s13, s12;
	[sflag:s7] =	ssyncadd.s32 $0xFFFEE000  }
0xf: {  	[hbm4b:s8+s2] =	stream.linear.scatter [tilespmem:s6], [sflag:$0x2], $0x12000, $0x38;
	[tilespmem:$0x12200] =	vst v63  }
0x10: {  	s30 =	sor.u32 $0x200, s9;
	_ =	swait.ge [sflag:s3], $0x12000  }
0x11: {  	s9 =	sshrl.u32 s30, $0x3;
	[sflag:s3] =	ssyncset.done $0x0  }
0x12: {  	s10 =	ssub.s32 $0x2, s10;
	s9 =	sadd.s32 s11, s9;
	[sflag:s3] =	ssyncadd.s32 $0xFFFEE000  }
0x13: {  	[tilespmem:s2], [sflag:$0x2] =	stream.linear.gather [hbm4b:s9+s2], $0x200, $0x38;
	[tilespmem:$0x12200] =	vst v63  }
0x14: {  	s31 =	sshrl.u32 s10, $0x1;
	_ =	swait.ge [sflag:s3], $0x200  }
0x15: {  	s11 =	ssub.s32 s10, s31;
	[sflag:s3] =	ssyncset.done $0x0  }
0x16: {  	s11 =	smax.u32 s11, $0x1;
	[sflag:s3] =	ssyncadd.s32 $0xFFFFFE00  }
0x17: {  	[tilespmem:s6], [sflag:$0x1] =	stream.indirect.gather [hbm4b:s5+s6], $0x90, s2, s6, $0xb8;
	[tilespmem:$0x12200] =	vst v63  }
0x18: {  	s12 =	smul.u32 $0x12, s30;
	p0 =	sne.s32 s11, $0x1;
	_ =	swait.ge [sflag:s7], $0x12000  }
.Ltmp0:
0x19: {  	[sflag:s7] =	ssyncset.done $0x0;
	(pc) =	sbr.rel @!p0 .LBB2_2-.Ltmp0, $4  }
0x1a: {  	s10 =	sadd.s32 s13, s12;
	[sflag:s7] =	ssyncadd.s32 $0xFFFEE000  }
0x1b: {  	[hbm4b:s10+s2] =	stream.linear.scatter [tilespmem:s6], [sflag:$0x2], $0x12000, $0x38;
	[tilespmem:$0x12200] =	vst v63  }
0x1c: {  	_ =	swait.ge [sflag:s3], $0x12000  }
0x1d: {  	s11 =	sadd.s32 $0xFFFFFFFF, s11;
	[sflag:s3] =	ssyncset.done $0x0  }
.LBB2_1:
0x1e: {  	p0 =	sne.s32 s11, $0x1;
	s11 =	sadd.s32 $0xFFFFFFFF, s11;
	[sflag:s3] =	ssyncadd.s32 $0xFFFEE000  }
0x1f: {  	[tilespmem:s2], [sflag:$0x2] =	stream.linear.gather [hbm4b:s4+s2], $0x200, $0x38;
	[tilespmem:$0x12200] =	vst v63  }
0x20: {  	_ =	swait.ge [sflag:s3], $0x200  }
0x21: {  	[sflag:s3] =	ssyncset.done $0x0  }
0x22: {  	[sflag:s3] =	ssyncadd.s32 $0xFFFFFE00  }
0x23: {  	[tilespmem:s6], [sflag:$0x1] =	stream.indirect.gather [hbm4b:s5+s6], $0x90, s2, s6, $0xb8;
	[tilespmem:$0x12200] =	vst v63  }
0x24: {  	_ =	swait.ge [sflag:s7], $0x12000  }
0x25: {  	[sflag:s7] =	ssyncset.done $0x0  }
0x26: {  	[sflag:s7] =	ssyncadd.s32 $0xFFFEE000  }
0x27: {  	[hbm4b:s8+s2] =	stream.linear.scatter [tilespmem:s6], [sflag:$0x2], $0x12000, $0x38;
	[tilespmem:$0x12200] =	vst v63  }
0x28: {  	_ =	swait.ge [sflag:s3], $0x12000  }
0x29: {  	[sflag:s3] =	ssyncset.done $0x0  }
0x2a: {  	[sflag:s3] =	ssyncadd.s32 $0xFFFEE000  }
0x2b: {  	[tilespmem:s2], [sflag:$0x2] =	stream.linear.gather [hbm4b:s9+s2], $0x200, $0x38;
	[tilespmem:$0x12200] =	vst v63  }
0x2c: {  	_ =	swait.ge [sflag:s3], $0x200  }
0x2d: {  	[sflag:s3] =	ssyncset.done $0x0  }
0x2e: {  	[sflag:s3] =	ssyncadd.s32 $0xFFFFFE00  }
0x2f: {  	[tilespmem:s6], [sflag:$0x1] =	stream.indirect.gather [hbm4b:s5+s6], $0x90, s2, s6, $0xb8;
	[tilespmem:$0x12200] =	vst v63  }
0x30: {  	_ =	swait.ge [sflag:s7], $0x12000  }
.Ltmp1:
0x31: {  	[sflag:s7] =	ssyncset.done $0x0;
	(pc) =	sbr.rel @p0 .LBB2_1-.Ltmp1, $4  }
0x32: {  	[sflag:s7] =	ssyncadd.s32 $0xFFFEE000  }
0x33: {  	[hbm4b:s10+s2] =	stream.linear.scatter [tilespmem:s6], [sflag:$0x2], $0x12000, $0x38;
	[tilespmem:$0x12200] =	vst v63  }
0x34: {  	_ =	swait.ge [sflag:s3], $0x12000  }
0x35: {  	[sflag:s3] =	ssyncset.done $0x0  }
.LBB2_2:
0x36: {  	[sflag:s3] =	ssyncadd.s32 $0xFFFEE000  }
0x37: {  	_ =	sfence.sel $0x180000  }
0x38: {  	[bflag:$0x0] =	sbarrier.arrive $0xFFFF  }
0x39: {  	p0 =	sne.s32 s0, $0x0;
	_ =	strace $0x9000005C  }
0x3a: {  	s0 =	sadd.s32 @!p0 $0x100000, s1;
	[bflag:$0x2] =	sbarrier.arrive $0xFFFF  }
0x3b: {  	[sflag:s0] =	ssyncadd.tile.s32 @!p0 $0x1;
	_ =	shalt  }
.Lfunc_end2:
_tile_overlayer_lowered:
.L_overlay_start_2:
0x3c: {  	(tag) =	ssettag $0x2  }
0x3d: {  	s0 =	rddreg [dreg:$0x0];
	s2 =	stileid.u32  }
0x3e: {  	s1 =	rddreg [dreg:$0x1];
	p0 =	sne.s32 s2, $0x0  }
0x3f: {  	s3 =	rddreg [dreg:$0x2];
	[bflag:$0x3] =	sbarrier.arrive $0xFFFF;
	s2 =	simm.s32 @!p0 $0x1C02  }
0x40: {  	[timem:s3], [sflag:s2] =	dma.local @!p0 [hbm:s0], s1  }
0x41: {  	s0 =	simm.s32 @!p0 $0x2  }
0x42: {  	_ =	swait.ge @!p0 [sflag:s0], s1  }
0x43: {  	s1 =	ssub.s32 @!p0 $0x0, s1;
	[sflag:s0] =	ssyncset.done @!p0 $0x0  }
0x44: {  	[sflag:s0] =	ssyncadd.s32 @!p0 s1  }
0x45: {  	[bflag:$0x3] =	sbarrier.arrive $0xFFFF  }
0x46: {  	_ =	shalt  }

// kernel: kernel.23.cloned.1.call-start
scs
__scs_entry_jumppad:
0x0: {  	(pc) =	sbr.rel $0x88, $3  }
0x1: {  	(tag) =	ssettag $0x0;
	lr =	simm.s32 $0x1  }
0x2: {  	[smem:$0x3F02] =	sst lr;
	_ =	strace $0xD0000000  }
0x3: {  	_ = 	snop  }
0x4: {  	_ = 	snop  }
0x5: {  	_ = 	snop  }
0x6: {  	_ = 	snop  }
0x7: {  	_ = 	snop  }
__scs_overlays_trampoline_lowered:
0x8: {  	[smem:$0x3F11] =	sst s0  }
0x9: {  	[smem:$0x3F12] =	sst s1  }
0xa: {  	[smem:$0x3F13] =	sst s2  }
0xb: {  	[smem:$0x3F14] =	sst s3  }
0xc: {  	[smem:$0x3F15] =	sst s4  }
0xd: {  	[smem:$0x3F16] =	sst s5  }
0xe: {  	[smem:$0x3F17] =	sst s6  }
0xf: {  	[smem:$0x3F18] =	sst s7  }
0x10: {  	[smem:$0x3F19] =	sst s8  }
0x11: {  	[smem:$0x3F1A] =	sst s9;
	s0 =	simm.s32 @!p0 $0x0  }
0x12: {  	s1 =	sld [smem:$0x3F00];
	s0 =	simm.s32 @p0 $0x1  }
0x13: {  	[smem:$0x3F1B] =	sst s0;
	s0 =	simm.s32 @!p1 $0x0  }
0x14: {  	s2 =	sld [smem:$0x3EFF];
	s0 =	simm.s32 @p1 $0x1  }
0x15: {  	[smem:$0x3F1C] =	sst s0;
	s0 =	simm.s32 @!p2 $0x0  }
0x16: {  	s3 =	sld [smem:$0x3FDB];
	s0 =	simm.s32 @p2 $0x1  }
0x17: {  	s4 =	simm.s32 $0x1BF5;
	[smem:$0x3F1E] =	sst s0  }
0x18: {  	s0 =	sld [smem:$0x3F01];
	_ =	swait.ge [sflag:s4], $0x0  }
0x19: {  	s7 =	sld [smem:$0x3F02]  }
0x1a: {  	s8 =	sadd.s32 $0xFFFFE003, lr  }
0x1b: {  	s9 =	sadd.s32 $0xFFFFFEF7, lr;
	s5 =	simm.s32 $0xFFFFFFFF;
	p2 =	slt.u32 s8, $0xFFFFF086  }
0x1c: {  	p1 =	slt.u32 s9, $0xF7A;
	s5 =	simm.s32 @!p2 $0x0  }
0x1d: {  	s5 =	simm.s32 @p1 $0x1;
	p0 =	seq.s32 s7, s2  }
0x1e: {  	s7 =	smul.u32 @!p0 $0xF7A, s2;
	p2 =	seq.s32 @!p0 s5, $0x0  }
0x1f: {  	s9 =	smul.u32 $0xF7A, s1;
	s8 =	simm.s32 @!p0 $0x1BF5;
	p2 =	por !p2, p0  }
0x20: {  	[sflag:s8] =	ssyncset.s32 @!p0 $0xFFFFF086;
	s6 =	sadd.s32 @!p0 s3, s7;
	s7 =	simm.s32 @!p0 $0x108  }
0x21: {  	s3 =	sadd.s32 s3, s9;
	s6 =	sadd.s32 @!p0 $0x88, s6;
	s7 =	simm.s32 @p2 $0x1082  }
0x22: {  	[simem:s7], [sflag:s8] =	dma.local @!p0 [hbm:s6], $0xF7A  }
0x23: {  	s9 =	sor.u32 $0xD0000000, s2;
	s6 =	simm.s32 $0x108;
	_ =	swait.ge @!p0 [sflag:s8], $0x0  }
0x24: {  	s3 =	sadd.s32 $0x88, s3;
	s6 =	simm.s32 @!p1 $0x1082;
	[sflag:s4] =	ssyncset.s32 $0xFFFFF086  }
0x25: {  	[simem:s6], [sflag:s4] =	dma.local [hbm:s3], $0xF7A  }
0x26: {  	[smem:$0x3F02] =	sst s1;
	(tag) =	ssettag s2;
	_ =	strace s9  }
0x27: {  	s1 =	sld [smem:$0x3F12]  }
0x28: {  	s2 =	sld [smem:$0x3F13]  }
0x29: {  	s4 =	sld [smem:$0x3F15]  }
0x2a: {  	p0 =	seq.s32 s5, $0x0;
	s5 =	sld [smem:$0x3F16]  }
0x2b: {  	s6 =	sld [smem:$0x3F17]  }
0x2c: {  	s7 =	sld [smem:$0x3F18]  }
0x2d: {  	s3 =	simm.s32 $0x108;
	s8 =	sld [smem:$0x3F19]  }
0x2e: {  	s3 =	simm.s32 @!p0 $0x1082;
	s9 =	sld [smem:$0x3F1A]  }
0x2f: {  	lr =	sadd.s32 s0, s3;
	s0 =	sld [smem:$0x3F11]  }
0x30: {  	s3 =	sld [smem:$0x3F14]  }
0x31: {  	[smem:$0x3F1D] =	sst s10  }
0x32: {  	s10 =	sld [smem:$0x3F1B];
	_ =	sdelay $0x3  }
0x33: {  	p0 =	seq.s32 s10, $0x1;
	s10 =	sld [smem:$0x3F1D];
	_ =	sdelay $0x3  }
0x34: {  	[smem:$0x3F1D] =	sst s10  }
0x35: {  	s10 =	sld [smem:$0x3F1C];
	_ =	sdelay $0x3  }
0x36: {  	p1 =	seq.s32 s10, $0x1;
	s10 =	sld [smem:$0x3F1D];
	_ =	sdelay $0x3  }
0x37: {  	[smem:$0x3F1D] =	sst s10  }
0x38: {  	s10 =	sld [smem:$0x3F1E]  }
0x39: {  	_ = 	snop;
	(pc) =	sbr.ind lr, $3  }
0x3a: {  	_ = 	snop  }
0x3b: {  	_ = 	snop  }
0x3c: {  	p2 =	seq.s32 s10, $0x1;
	s10 =	sld [smem:$0x3F1D]  }
0x3d: {  	_ =	shalt  }
0x3e: {  	_ =	shalt  }
0x3f: {  	_ =	shalt  }
0x40: {  	_ =	shalt  }
0x41: {  	_ =	shalt  }
0x42: {  	_ =	shalt  }
0x43: {  	_ =	shalt  }
0x44: {  	_ =	shalt  }
0x45: {  	_ =	shalt  }
0x46: {  	_ =	shalt  }
0x47: {  	_ =	shalt  }
0x48: {  	_ =	shalt  }
0x49: {  	_ =	shalt  }
0x4a: {  	_ =	shalt  }
0x4b: {  	_ =	shalt  }
0x4c: {  	_ =	shalt  }
0x4d: {  	_ =	shalt  }
0x4e: {  	_ =	shalt  }
0x4f: {  	_ =	shalt  }
0x50: {  	_ =	shalt  }
0x51: {  	_ =	shalt  }
0x52: {  	_ =	shalt  }
0x53: {  	_ =	shalt  }
0x54: {  	_ =	shalt  }
0x55: {  	_ =	shalt  }
0x56: {  	_ =	shalt  }
0x57: {  	_ =	shalt  }
0x58: {  	_ =	shalt  }
0x59: {  	_ =	shalt  }
0x5a: {  	_ =	shalt  }
0x5b: {  	_ =	shalt  }
0x5c: {  	_ =	shalt  }
0x5d: {  	_ =	shalt  }
0x5e: {  	_ =	shalt  }
0x5f: {  	_ =	shalt  }
0x60: {  	_ =	shalt  }
0x61: {  	_ =	shalt  }
0x62: {  	_ =	shalt  }
0x63: {  	_ =	shalt  }
0x64: {  	_ =	shalt  }
0x65: {  	_ =	shalt  }
0x66: {  	_ =	shalt  }
0x67: {  	_ =	shalt  }
0x68: {  	_ =	shalt  }
0x69: {  	_ =	shalt  }
0x6a: {  	_ =	shalt  }
0x6b: {  	_ =	shalt  }
0x6c: {  	_ =	shalt  }
0x6d: {  	_ =	shalt  }
0x6e: {  	_ =	shalt  }
0x6f: {  	_ =	shalt  }
0x70: {  	_ =	shalt  }
0x71: {  	_ =	shalt  }
0x72: {  	_ =	shalt  }
0x73: {  	_ =	shalt  }
0x74: {  	_ =	shalt  }
0x75: {  	_ =	shalt  }
0x76: {  	_ =	shalt  }
0x77: {  	_ =	shalt  }
0x78: {  	_ =	shalt  }
0x79: {  	_ =	shalt  }
0x7a: {  	_ =	shalt  }
0x7b: {  	_ =	shalt  }
0x7c: {  	_ =	shalt  }
0x7d: {  	_ =	shalt  }
0x7e: {  	_ =	shalt  }
0x7f: {  	_ =	shalt  }
0x80: {  	_ =	shalt  }
0x81: {  	_ =	shalt  }
0x82: {  	_ =	shalt  }
0x83: {  	_ =	shalt  }
0x84: {  	_ =	shalt  }
0x85: {  	_ =	shalt  }
0x86: {  	_ =	shalt  }
0x87: {  	_ =	shalt  }
.Lfunc_end0:
.L_simem_size_0:
called_computation.8_lowered:
.L_overlay_start_0:
0x88: {  	s2 =	sld [smem:$0x3FD9]  }
0x89: {  	s3 =	sld [smem:$0x3FFE];
	_ =	sdelay $0x1  }
0x8a: {  	s1 =	srdreg.scid  }
0x8b: {  	s0 =	sand.u32 $0x1, s1  }
0x8c: {  	s16 =	sshll.u32 s0, $0xA;
	s2 =	sadd.s32 s3, s2  }
0x8d: {  	s2 =	sadd.s32 s2, s16  }
0x8e: {  	[smem:$0x3F29] =	sst s2  }
0x8f: {  	_ = 	snop  }
0x90: {  	(tm) =	ssettm $0x1  }
0x91: {  	s17 =	sld [smem:$0x3FFB];
	_ =	sdelay $0x3  }
0x92: {  	_ =	strace s17  }
0x93: {  	s2 =	sld [smem:$0x3FFC];
	_ =	sdelay $0x3  }
0x94: {  	_ =	strace s2  }
0x95: {  	s2 =	sld [smem:$0x3FFD];
	_ =	sdelay $0x3  }
0x96: {  	_ =	strace s2  }
0x97: {  	_ =	strace $0x8FFFFFFF  }
0x98: {  	s18 =	sld [smem:$0x3FDB];
	_ =	sdelay $0x1  }
0x99: {  	s19 =	simm.s32 $_scs_section_size  }
0x9a: {  	s4 =	simm.s32 $_size__tile_overlayer_lowered;
	s5 =	simm.s32 $_tile_overlayer_lowered  }
0x9b: {  	s22 =	simm.s32 $0x1BFF;
	s21 =	sshll.u32 s5, $0x1;
	s2 =	sadd.s32 s19, s18  }
0x9c: {  	s6 =	simm.s32 $0x0;
	s20 =	sshll.u32 s4, $0x1;
	s4 =	sadd.s32 s21, s2  }
0x9d: {  	[timem:s6], [sflag:s22] =	dma.local [hbm:s4], s20  }
0x9e: {  	_ =	swait.ge [sflag:s22], s20  }
0x9f: {  	s3 =	ssub.s32 $0x0, s20;
	[sflag:s22] =	ssyncset.done $0x0  }
0xa0: {  	[sflag:s22] =	ssyncadd.s32 s3;
	_ =	sdelay $0x1  }
0xa1: {  	s23 =	simm.s32 $0x1B8B  }
0xa2: {  	_ =	swait.ge [sflag:s23], $0x1  }
0xa3: {  	[sflag:s23] =	ssyncset.done $0x0  }
0xa4: {  	s25 =	simm.s32 $0x1B8E;
	s24 =	sld [smem:$0x3FFE];
	[sflag:s23] =	ssyncadd.s32 $0xFFFFFFFF  }
0xa5: {  	s26 =	simm.s32 $execute0_lowered;
	[smem:$0x3FD2] =	sst s25  }
0xa6: {  	s4 =	sshll.u32 s26, $0x1;
	_ =	strace $0x8000005E;
	[dreg:$0x1] =	wrdreg $0xFFFFFFFF  }
0xa7: {  	s28 =	simm.s32 $_size_execute0_lowered;
	s2 =	sadd.s32 s2, s4;
	[dreg:$0x0] =	wrdreg $0x0  }
0xa8: {  	s4 =	sshll.u32 s28, $0x1;
	[dreg:$0x2] =	wrdreg s2  }
0xa9: {  	[dreg:$0x3] =	wrdreg s4  }
0xaa: {  	[dreg:$0x4] =	wrdreg $0xC0  }
0xab: {  	_ =	task [dreg:s6], $0x5FFFF  }
0xac: {  	[dreg:$0x1] =	wrdreg $0xFFFFFFFF  }
0xad: {  	[dreg:$0x0] =	wrdreg $0x60  }
0xae: {  	[dreg:$0x2] =	wrdreg s24  }
0xaf: {  	[dreg:$0x3] =	wrdreg $0x9  }
0xb0: {  	_ =	task.clear_ibuf [dreg:s6], $0x4FFFF;
	_ =	strace $0x9000005E  }
0xb1: {  	s29 =	simm.s32 $0x9;
	_ =	strace $0x80000060  }
0xb2: {  	_ =	swait.ge [sflag:s29], $0x1  }
0xb3: {  	[sflag:s29] =	ssyncadd.s32 $0xFFFFFFFF  }
0xb4: {  	_ =	strace $0x90000060  }
0xb5: {  	_ =	sfence  }
0xb6: {  	s30 =	sld [smem:$0x0];
	_ =	sdelay $0x2  }
0xb7: {  	s31 =	sshll.u32 s1, $0xD;
	s1 =	sshrl.u32 s1, $0x2  }
0xb8: {  	s3 =	sand.u32 $0x4000, s31;
	s1 =	sadd.s32 s1, s30  }
0xb9: {  	s0 =	sor.u32 s3, s0;
	s1 =	sshll.u32 s1, $0x11  }
0xba: {  	s0 =	sor.u32 s1, s0  }
0xbb: {  	s0 =	sadd.s32 $0x8F2B, s0  }
0xbc: {  	[sflag:s0] =	ssyncadd.remote.s32 $0x1  }
0xbd: {  	_ =	sfence.sel $0xFFFF  }
0xbe: {  	[dreg:$0x0] =	wrdreg $0xFFFFFFFF;
	(pc) =	sbr.abs _section_cstart, $3  }
0xbf: {  	[dreg:$0x1] =	wrdreg $0xFFFFFFFF  }
0xc0: {  	_ =	task.clear_ibuf [dreg:s6], $0x2FFFF;
	_ =	strace $0x9FFFFFFF  }
0xc1: {  	(tm) =	ssettm $0x7FFFFFFF  }
tec
execute0_lowered:
.L_overlay_start_1:
0x0: {  	(tag) =	ssettag $0x1  }
0x1: {  	s1 =	srdreg.scid  }
0x2: {  	s0 =	stileid.u32;
	s10 =	sand.u32 $0x1, s1  }
0x3: {  	s8 =	rddreg [dreg:$0x0];
	s3 =	sshll.u32 s0, $0xA;
	s4 =	sshll.u32 s10, $0x9  }
0x4: {  	s2 =	simm.s32 $0x0;
	s1 =	rddreg [dreg:$0x1];
	s9 =	sor.u32 s4, s3  }
0x5: {  	[smem:$0x7FF] =	sst s2;
	s11 =	sadd.s32 $0x6C00, s8;
	s3 =	sshrl.u32 s9, $0x3  }
0x6: {  	_ =	strace $0x8000005F;
	s4 =	sadd.s32 s11, s3;
	s3 =	simm.s32 $0x2  }
0x7: {  	[tilespmem:s2], [sflag:$0x2] =	stream.linear.gather [hbm4b:s4+s2], $0x100, $0x38;
	[tilespmem:$0x11100] =	vst v63  }
0x8: {  	_ =	swait.ge [sflag:s3], $0x100  }
0x9: {  	s6 =	simm.s32 $0x100;
	[sflag:s3] =	ssyncset.done $0x0  }
0xa: {  	s7 =	simm.s32 $0x1;
	s5 =	sadd.s32 $0x26400, s8;
	[sflag:s3] =	ssyncadd.s32 $0xFFFFFF00  }
0xb: {  	[tilespmem:s6], [sflag:$0x1] =	stream.indirect.gather [hbm4b:s5+s6], $0x110, s2, s6, $0xb8;
	[tilespmem:$0x11100] =	vst v63  }
0xc: {  	s12 =	smul.u32 $0x22, s9;
	_ =	swait.ge [sflag:s7], $0x11000  }
0xd: {  	s13 =	sadd.s32 $0x2EC00, s8;
	[sflag:s7] =	ssyncset.done $0x0  }
0xe: {  	s8 =	sadd.s32 s13, s12;
	[sflag:s7] =	ssyncadd.s32 $0xFFFEF000  }
0xf: {  	[hbm4b:s8+s2] =	stream.linear.scatter [tilespmem:s6], [sflag:$0x2], $0x11000, $0x38;
	[tilespmem:$0x11100] =	vst v63  }
0x10: {  	s30 =	sor.u32 $0x100, s9;
	_ =	swait.ge [sflag:s3], $0x11000  }
0x11: {  	s9 =	sshrl.u32 s30, $0x3;
	[sflag:s3] =	ssyncset.done $0x0  }
0x12: {  	s10 =	ssub.s32 $0x2, s10;
	s9 =	sadd.s32 s11, s9;
	[sflag:s3] =	ssyncadd.s32 $0xFFFEF000  }
0x13: {  	[tilespmem:s2], [sflag:$0x2] =	stream.linear.gather [hbm4b:s9+s2], $0x100, $0x38;
	[tilespmem:$0x11100] =	vst v63  }
0x14: {  	s31 =	sshrl.u32 s10, $0x1;
	_ =	swait.ge [sflag:s3], $0x100  }
0x15: {  	s11 =	ssub.s32 s10, s31;
	[sflag:s3] =	ssyncset.done $0x0  }
0x16: {  	s11 =	smax.u32 s11, $0x1;
	[sflag:s3] =	ssyncadd.s32 $0xFFFFFF00  }
0x17: {  	[tilespmem:s6], [sflag:$0x1] =	stream.indirect.gather [hbm4b:s5+s6], $0x110, s2, s6, $0xb8;
	[tilespmem:$0x11100] =	vst v63  }
0x18: {  	s12 =	smul.u32 $0x22, s30;
	p0 =	sne.s32 s11, $0x1;
	_ =	swait.ge [sflag:s7], $0x11000  }
.Ltmp0:
0x19: {  	[sflag:s7] =	ssyncset.done $0x0;
	(pc) =	sbr.rel @!p0 .LBB2_2-.Ltmp0, $4  }
0x1a: {  	s10 =	sadd.s32 s13, s12;
	[sflag:s7] =	ssyncadd.s32 $0xFFFEF000  }
0x1b: {  	[hbm4b:s10+s2] =	stream.linear.scatter [tilespmem:s6], [sflag:$0x2], $0x11000, $0x38;
	[tilespmem:$0x11100] =	vst v63  }
0x1c: {  	_ =	swait.ge [sflag:s3], $0x11000  }
0x1d: {  	s11 =	sadd.s32 $0xFFFFFFFF, s11;
	[sflag:s3] =	ssyncset.done $0x0  }
.LBB2_1:
0x1e: {  	p0 =	sne.s32 s11, $0x1;
	s11 =	sadd.s32 $0xFFFFFFFF, s11;
	[sflag:s3] =	ssyncadd.s32 $0xFFFEF000  }
0x1f: {  	[tilespmem:s2], [sflag:$0x2] =	stream.linear.gather [hbm4b:s4+s2], $0x100, $0x38;
	[tilespmem:$0x11100] =	vst v63  }
0x20: {  	_ =	swait.ge [sflag:s3], $0x100  }
0x21: {  	[sflag:s3] =	ssyncset.done $0x0  }
0x22: {  	[sflag:s3] =	ssyncadd.s32 $0xFFFFFF00  }
0x23: {  	[tilespmem:s6], [sflag:$0x1] =	stream.indirect.gather [hbm4b:s5+s6], $0x110, s2, s6, $0xb8;
	[tilespmem:$0x11100] =	vst v63  }
0x24: {  	_ =	swait.ge [sflag:s7], $0x11000  }
0x25: {  	[sflag:s7] =	ssyncset.done $0x0  }
0x26: {  	[sflag:s7] =	ssyncadd.s32 $0xFFFEF000  }
0x27: {  	[hbm4b:s8+s2] =	stream.linear.scatter [tilespmem:s6], [sflag:$0x2], $0x11000, $0x38;
	[tilespmem:$0x11100] =	vst v63  }
0x28: {  	_ =	swait.ge [sflag:s3], $0x11000  }
0x29: {  	[sflag:s3] =	ssyncset.done $0x0  }
0x2a: {  	[sflag:s3] =	ssyncadd.s32 $0xFFFEF000  }
0x2b: {  	[tilespmem:s2], [sflag:$0x2] =	stream.linear.gather [hbm4b:s9+s2], $0x100, $0x38;
	[tilespmem:$0x11100] =	vst v63  }
0x2c: {  	_ =	swait.ge [sflag:s3], $0x100  }
0x2d: {  	[sflag:s3] =	ssyncset.done $0x0  }
0x2e: {  	[sflag:s3] =	ssyncadd.s32 $0xFFFFFF00  }
0x2f: {  	[tilespmem:s6], [sflag:$0x1] =	stream.indirect.gather [hbm4b:s5+s6], $0x110, s2, s6, $0xb8;
	[tilespmem:$0x11100] =	vst v63  }
0x30: {  	_ =	swait.ge [sflag:s7], $0x11000  }
.Ltmp1:
0x31: {  	[sflag:s7] =	ssyncset.done $0x0;
	(pc) =	sbr.rel @p0 .LBB2_1-.Ltmp1, $4  }
0x32: {  	[sflag:s7] =	ssyncadd.s32 $0xFFFEF000  }
0x33: {  	[hbm4b:s10+s2] =	stream.linear.scatter [tilespmem:s6], [sflag:$0x2], $0x11000, $0x38;
	[tilespmem:$0x11100] =	vst v63  }
0x34: {  	_ =	swait.ge [sflag:s3], $0x11000  }
0x35: {  	[sflag:s3] =	ssyncset.done $0x0  }
.LBB2_2:
0x36: {  	[sflag:s3] =	ssyncadd.s32 $0xFFFEF000  }
0x37: {  	_ =	sfence.sel $0x180000  }
0x38: {  	[bflag:$0x0] =	sbarrier.arrive $0xFFFF  }
0x39: {  	p0 =	sne.s32 s0, $0x0;
	_ =	strace $0x9000005F  }
0x3a: {  	s0 =	sadd.s32 @!p0 $0x100000, s1;
	[bflag:$0x2] =	sbarrier.arrive $0xFFFF  }
0x3b: {  	[sflag:s0] =	ssyncadd.tile.s32 @!p0 $0x1;
	_ =	shalt  }
.Lfunc_end2:
_tile_overlayer_lowered:
.L_overlay_start_2:
0x3c: {  	(tag) =	ssettag $0x2  }
0x3d: {  	s0 =	rddreg [dreg:$0x0];
	s2 =	stileid.u32  }
0x3e: {  	s1 =	rddreg [dreg:$0x1];
	p0 =	sne.s32 s2, $0x0  }
0x3f: {  	s3 =	rddreg [dreg:$0x2];
	[bflag:$0x3] =	sbarrier.arrive $0xFFFF;
	s2 =	simm.s32 @!p0 $0x1C02  }
0x40: {  	[timem:s3], [sflag:s2] =	dma.local @!p0 [hbm:s0], s1  }
0x41: {  	s0 =	simm.s32 @!p0 $0x2  }
0x42: {  	_ =	swait.ge @!p0 [sflag:s0], s1  }
0x43: {  	s1 =	ssub.s32 @!p0 $0x0, s1;
	[sflag:s0] =	ssyncset.done @!p0 $0x0  }
0x44: {  	[sflag:s0] =	ssyncadd.s32 @!p0 s1  }
0x45: {  	[bflag:$0x3] =	sbarrier.arrive $0xFFFF  }
0x46: {  	_ =	shalt  }

// kernel: sparse-core-data-format-call.cloned.1.call-start
scs
called_computation_lowered:
.L_overlay_start_0:
0x0: {  	s2 =	sld [smem:$0x3FD9]  }
0x1: {  	s3 =	sld [smem:$0x3FFE];
	_ =	sdelay $0x1  }
0x2: {  	s1 =	srdreg.scid  }
0x3: {  	s0 =	sand.u32 $0x1, s1  }
0x4: {  	s18 =	sshll.u32 s0, $0xA;
	s2 =	sadd.s32 s3, s2  }
0x5: {  	s2 =	sadd.s32 s2, s18  }
0x6: {  	[smem:$0x3F29] =	sst s2  }
0x7: {  	_ = 	snop  }
0x8: {  	(tm) =	ssettm $0x1  }
0x9: {  	s19 =	sld [smem:$0x3FFB];
	_ =	sdelay $0x3  }
0xa: {  	_ =	strace s19  }
0xb: {  	s2 =	sld [smem:$0x3FFC];
	_ =	sdelay $0x3  }
0xc: {  	_ =	strace s2  }
0xd: {  	s2 =	sld [smem:$0x3FFD];
	_ =	sdelay $0x3  }
0xe: {  	_ =	strace s2  }
0xf: {  	_ =	strace $0x8FFFFFFF  }
0x10: {  	s20 =	sld [smem:$0x3FDB];
	_ =	sdelay $0x1  }
0x11: {  	s21 =	simm.s32 $_scs_section_size  }
0x12: {  	s4 =	simm.s32 $_size__tile_overlayer_lowered;
	s5 =	simm.s32 $_tile_overlayer_lowered  }
0x13: {  	s6 =	simm.s32 $0x1BFF;
	s22 =	sshll.u32 s5, $0x1;
	s3 =	sadd.s32 s21, s20  }
0x14: {  	s23 =	simm.s32 $0x0;
	s4 =	sshll.u32 s4, $0x1;
	s5 =	sadd.s32 s22, s3  }
0x15: {  	[timem:s23], [sflag:s6] =	dma.local [hbm:s5], s4  }
0x16: {  	_ =	swait.ge [sflag:s6], s4  }
0x17: {  	s4 =	ssub.s32 $0x0, s4;
	[sflag:s6] =	ssyncset.done $0x0  }
0x18: {  	[sflag:s6] =	ssyncadd.s32 s4;
	_ =	sdelay $0x1  }
0x19: {  	s24 =	simm.s32 $0x1B8B  }
0x1a: {  	_ =	swait.ge [sflag:s24], $0x1  }
0x1b: {  	[sflag:s24] =	ssyncset.done $0x0  }
0x1c: {  	[sflag:s24] =	ssyncadd.s32 $0xFFFFFFFF  }
0x1d: {  	s4 =	sld [smem:$0x0]  }
0x1e: {  	s5 =	sand.u32 $0xFFFFFFFE, s1  }
0x1f: {  	p0 =	sne.s32 s1, s5  }
0x20: {  	s5 =	sshll.u32 @p0 s5, $0xE  }
0x21: {  	s5 =	sadd.s32 @p0 $0x11B8D, s5;
	s6 =	sshll.u32 @p0 s4, $0x11  }
0x22: {  	s5 =	sor.u32 @p0 s6, s5  }
0x23: {  	[sflag:s5] =	ssyncadd.remote.s32 @p0 $0x1;
	_ =	sdelay $0x1  }
0x24: {  	s5 =	simm.s32 @p0 $0x1B8D  }
0x25: {  	_ =	swait.eq @p0 [sflag:s5], $0x1  }
0x26: {  	[sflag:s5] =	ssyncadd.s32 @p0 $0xFFFFFFFF  }
0x27: {  	s6 =	sshll.u32 @!p0 s1, $0xE  }
0x28: {  	s6 =	sor.u32 @!p0 $0x4000, s6;
	s5 =	simm.s32 @!p0 $0x1B8D  }
0x29: {  	s4 =	sshll.u32 @!p0 s4, $0x11;
	s6 =	sadd.s32 @!p0 $0x11B8D, s6;
	_ =	swait.eq @!p0 [sflag:s5], $0x1  }
0x2a: {  	s4 =	sor.u32 @!p0 s4, s6;
	[sflag:s5] =	ssyncadd.s32 @!p0 $0xFFFFFFFF  }
0x2b: {  	s26 =	simm.s32 $0x1B8E;
	s25 =	sld [smem:$0x3FFE];
	[sflag:s4] =	ssyncadd.remote.s32 @!p0 $0x1  }
0x2c: {  	s27 =	simm.s32 $execute0_lowered;
	[smem:$0x3FD2] =	sst s26  }
0x2d: {  	s5 =	sshll.u32 s27, $0x1;
	_ =	strace $0x80000052;
	[dreg:$0x1] =	wrdreg $0xFFFFFFFF  }
0x2e: {  	s28 =	simm.s32 $_size_execute0_lowered;
	s3 =	sadd.s32 s3, s5;
	[dreg:$0x0] =	wrdreg $0x0  }
0x2f: {  	s5 =	sshll.u32 s28, $0x1;
	[dreg:$0x2] =	wrdreg s3  }
0x30: {  	[dreg:$0x3] =	wrdreg s5  }
0x31: {  	[dreg:$0x4] =	wrdreg $0xC0  }
0x32: {  	_ =	task [dreg:s23], $0x5FFFF  }
0x33: {  	[dreg:$0x1] =	wrdreg $0xFFFFFFFF  }
0x34: {  	[dreg:$0x0] =	wrdreg $0x60  }
0x35: {  	[dreg:$0x2] =	wrdreg s25  }
0x36: {  	[dreg:$0x3] =	wrdreg $0x9  }
0x37: {  	_ =	task.clear_ibuf [dreg:s23], $0x4FFFF;
	_ =	strace $0x90000052  }
0x38: {  	s29 =	simm.s32 $0x9;
	_ =	strace $0x80000054  }
0x39: {  	_ =	swait.ge [sflag:s29], $0x1  }
0x3a: {  	[sflag:s29] =	ssyncadd.s32 $0xFFFFFFFF  }
0x3b: {  	_ =	strace $0x90000054  }
0x3c: {  	_ =	sfence  }
0x3d: {  	s30 =	sld [smem:$0x0];
	_ =	sdelay $0x2  }
0x3e: {  	s31 =	sshll.u32 s1, $0xD;
	s1 =	sshrl.u32 s1, $0x2  }
0x3f: {  	s4 =	sand.u32 $0x4000, s31;
	s1 =	sadd.s32 s1, s30  }
0x40: {  	s0 =	sor.u32 s4, s0;
	s1 =	sshll.u32 s1, $0x11  }
0x41: {  	s0 =	sor.u32 s1, s0  }
0x42: {  	s0 =	sadd.s32 $0x8F2B, s0  }
0x43: {  	[sflag:s0] =	ssyncadd.remote.s32 $0x1  }
0x44: {  	_ =	sfence.sel $0xFFFF  }
0x45: {  	[dreg:$0x0] =	wrdreg $0xFFFFFFFF;
	(pc) =	sbr.abs _section_cstart, $3  }
0x46: {  	[dreg:$0x1] =	wrdreg $0xFFFFFFFF  }
0x47: {  	_ =	task.clear_ibuf [dreg:s23], $0x2FFFF;
	_ =	strace $0x9FFFFFFF  }
0x48: {  	(tm) =	ssettm $0x7FFFFFFF  }
0x49: {  	_ =	shalt  }
tec
execute0_lowered:
.L_overlay_start_1:
0x0: {  	(tag) =	ssettag $0x1  }
0x1: {  	s0 =	stileid.u32  }
0x2: {  	s1 =	srdreg.scid;
	s4 =	rddreg [dreg:$0x0];
	s8 =	simm.s32 $0x1  }
0x3: {  	s9 =	simm.s32 $0x2;
	s16 =	simm.s32 $0x0;
	s14 =	simm.s32 $0x0  }
0x4: {  	s15 =	simm.s32 $0x0;
	s2 =	sshll.u32 s0, $0x6;
	s3 =	sshll.u32 s1, $0xA  }
0x5: {  	s11 =	simm.s32 $0x0;
	s13 =	simm.s32 $0x0;
	s2 =	sor.u32 s2, s3  }
0x6: {  	s1 =	rddreg [dreg:$0x1];
	_ =	strace $0x80000053;
	s2 =	sand.u32 $0x700, s2  }
0x7: {  	s5 =	sand.u32 $0x3, s0;
	s3 =	sadd.s32 $0x1B6400, s4;
	s7 =	ssub.s32 $0x8000, s2  }
.Ltmp0:
0x8: {  	s4 =	sadd.s32 $0x2B6400, s4;
	s6 =	sand.u32 $0x700, s7;
	(pc) =	sbr.rel .LBB1_1-.Ltmp0, $4  }
0x9: {  	s12 =	smov.u32 s5;
	s10 =	smov.u32 s2;
	p0 =	sne.s32 s6, $0x0  }
0xa: {  	s7 =	sshrl.u32 s7, $0xB;
	s6 =	simm.s32 $0x1;
	s8 =	simm.s32 @!p0 $0x0  }
0xb: {  	[sflag:s6] =	ssyncpa.u1 $0x0;
	p0 =	por $0x0, $0x0;
	s7 =	sadd.s32 s8, s7  }
0xc: {  	[sflag:s9] =	ssyncpa.u1 $0x0;
	s9 =	simm.s32 $0x80;
	s8 =	sadd.s32 $0x1, s7  }
.LBB1_4:
0xd: {  	_ = 	snop  }
0xe: {  	[tilespmem:s21+$0x1860 ss:$0x41] =	vst.msk $0xffff, v8  }
0xf: {  	[tilespmem:s21+$0x1C70 ss:$0x41] =	vst.msk $0xffff, v7  }
0x10: {  	[tilespmem:s21+$0x2490 ss:$0x41] =	vst.msk $0xffff, v1  }
0x11: {  	s24 =	sor.u32 s27, s26;
	v47 =	vld.idx.msk [tilespmem:v0+s19+$0x470 ss:$0x1], $0xffff;
	[tilespmem:s21+$0x28A0 ss:$0x41] =	vst.msk $0xffff, v2  }
0x12: {  	[tilespmem:s21+$0x2CB0 ss:$0x41] =	vst.msk $0xffff, v3;
	v57 =	vld.idx.msk [tilespmem:v0+s24+$0x410 ss:$0x1], $0xffff  }
0x13: {  	[tilespmem:s21+$0x30C0 ss:$0x41] =	vst.msk $0xffff, v4;
	v58 =	vld.idx.msk [tilespmem:v0+s24+$0x420 ss:$0x1], $0xffff  }
0x14: {  	[tilespmem:s21+$0x34D0 ss:$0x41] =	vst.msk $0xffff, v5;
	v59 =	vld.idx.msk [tilespmem:v0+s24+$0x430 ss:$0x1], $0xffff  }
0x15: {  	s27 =	sshra.s32 s22, $0x2;
	[tilespmem:s21+$0x38E0 ss:$0x41] =	vst.msk $0xffff, v6;
	v60 =	vld.idx.msk [tilespmem:v0+s24+$0x440 ss:$0x1], $0xffff  }
0x16: {  	s25 =	sand.u32 $0x3B00, s24;
	s19 =	sadd.s32 s27, s20;
	v61 =	vld.idx.msk [tilespmem:v0+s24+$0x450 ss:$0x1], $0xffff;
	[tilespmem:s21+$0x3CF0 ss:$0x41] =	vst.msk $0xffff, v47  }
0x17: {  	s23 =	sand.u32 $0x80, s23;
	v62 =	vld.idx.msk [tilespmem:v0+s24+$0x460 ss:$0x1], $0xffff;
	s18 =	sadd.s32 s25, s18;
	[tilespmem:s19+$0x2490 ss:$0x41] =	vst.msk $0xffff, v57  }
0x18: {  	v63 =	vld.idx.msk [tilespmem:v0+s24+$0x470 ss:$0x1], $0xffff;
	s18 =	sadd.s32 s23, s18;
	[tilespmem:s19+$0x28A0 ss:$0x41] =	vst.msk $0xffff, v58  }
0x19: {  	v48 =	vld [tilespmem:s18+$0x400];
	[tilespmem:s19+$0x2CB0 ss:$0x41] =	vst.msk $0xffff, v59  }
0x1a: {  	v49 =	vld [tilespmem:s18+$0x0];
	[tilespmem:s19+$0x30C0 ss:$0x41] =	vst.msk $0xffff, v60  }
0x1b: {  	v50 =	vld [tilespmem:s18+$0x10];
	[tilespmem:s19+$0x34D0 ss:$0x41] =	vst.msk $0xffff, v61  }
0x1c: {  	v51 =	vld [tilespmem:s18+$0x20];
	[tilespmem:s19+$0x38E0 ss:$0x41] =	vst.msk $0xffff, v62  }
0x1d: {  	v52 =	vld [tilespmem:s18+$0x30];
	[tilespmem:s19+$0x3CF0 ss:$0x41] =	vst.msk $0xffff, v63  }
0x1e: {  	v53 =	vld [tilespmem:s18+$0x40];
	[tilespmem:s19+$0x2080 ss:$0x41] =	vst.msk $0xffff, v48  }
0x1f: {  	v54 =	vld [tilespmem:s18+$0x50];
	[tilespmem:s19+$0x0 ss:$0x41] =	vst.msk $0xffff, v49  }
0x20: {  	s16 =	sshll.u32 s16, $0x7;
	s28 =	sshll.u32 s14, $0x3;
	v55 =	vld [tilespmem:s18+$0x60];
	[tilespmem:s19+$0x410 ss:$0x41] =	vst.msk $0xffff, v50  }
0x21: {  	s29 =	sand.u32 $0x3FFC00, s16;
	v56 =	vld [tilespmem:s18+$0x70];
	s18 =	sand.u32 $0x3FFC00, s28;
	[tilespmem:s19+$0x820 ss:$0x41] =	vst.msk $0xffff, v51  }
0x22: {  	s15 =	sshll.u32 s15, $0x13;
	s16 =	sand.u32 $0x380, s16;
	s18 =	sadd.s32 s18, s29;
	[tilespmem:s19+$0xC30 ss:$0x41] =	vst.msk $0xffff, v52  }
0x23: {  	s30 =	sshrl.u32 s14, $0x3;
	s31 =	sand.u32 $0x7, s14;
	s16 =	sor.u32 s16, s18;
	[tilespmem:s19+$0x1040 ss:$0x41] =	vst.msk $0xffff, v53  }
0x24: {  	s15 =	sadd.s32 s4, s15;
	s18 =	sand.u32 $0xF, s30;
	s16 =	sshrl.u32 s16, $0x3;
	[tilespmem:s19+$0x1450 ss:$0x41] =	vst.msk $0xffff, v54  }
0x25: {  	s14 =	sshll.u32 s31, $0x12;
	s15 =	sadd.s32 s18, s15;
	s16 =	sand.u32 $0x7FFF0, s16;
	[tilespmem:s19+$0x1860 ss:$0x41] =	vst.msk $0xffff, v55  }
0x26: {  	s14 =	sor.u32 $0x40, s14;
	[tilespmem:s19+$0x1C70 ss:$0x41] =	vst.msk $0xffff, v56;
	s15 =	sadd.s32 s16, s15  }
0x27: {  	[hbm4b:s15+s14] =	stream.strided.scatter [tilespmem:s17], [sflag:$0x2], $0x4000, s9, s14, $0x18;
	[tilespmem:$0x10200] =	vst v63  }
.LBB1_5:
0x28: {  	s17 =	sadd.s32 $0x800, s10  }
0x29: {  	s14 =	sadd.s32 $0x40, s11;
	s18 =	smov.u32 s11;
	p2 =	sgt.s32 s17, $0x7FFF  }
0x2a: {  	s18 =	smov.u32 @p2 s14  }
0x2b: {  	s20 =	smov.u32 s12;
	s14 =	sadd.s32 $0x4, s12;
	p3 =	sgt.s32 s18, $0x3F  }
0x2c: {  	s20 =	smov.u32 @p3 s14  }
0x2d: {  	s17 =	smov.u32 @p2 s2;
	p2 =	sgt.s32 s20, $0x3  }
0x2e: {  	p1 =	slt.u32 s13, $0x2;
	s20 =	smov.u32 @p2 s5;
	p2 =	sne.s32 s13, s8  }
.Ltmp1:
0x2f: {  	s19 =	simm.s32 @!p1 $0x2;
	(pc) =	sbr.rel @!p2 .LBB1_6-.Ltmp1, $4  }
0x30: {  	s16 =	smov.u32 s10;
	s15 =	smov.u32 s12;
	_ =	swait.ge @!p1 [sflag:s19], $0x4000  }
0x31: {  	p0 =	por !p0, !p0;
	[sflag:s19] =	ssyncset.done @!p1 $0x0;
	s10 =	smov.u32 s17  }
0x32: {  	s18 =	simm.s32 @p3 $0x0;
	s14 =	smov.u32 s11;
	[sflag:s19] =	ssyncadd.s32 @!p1 $0xFFFFC000  }
0x33: {  	s11 =	smov.u32 s18;
	s13 =	sadd.s32 $0x1, s13;
	s12 =	smov.u32 s20  }
.LBB1_1:
0x34: {  	p1 =	sge.u32 s13, s7;
	s31 =	sadd.s32 $0xFFFFFFFF, s13  }
0x35: {  	s17 =	sxor.u32 @!p1 $0xFFFFFFFF, s13;
	s18 =	sand.u32 @!p1 $0x78, s10;
	s19 =	sshll.u32 @!p1 s11, $0xF  }
0x36: {  	s20 =	sshll.u32 @!p1 s11, $0x7;
	s21 =	sshll.u32 @!p1 s10, $0x3;
	s17 =	sshll.u32 @!p1 s17, $0xE  }
0x37: {  	s19 =	sand.u32 @!p1 $0x1C0000, s19;
	s20 =	sand.u32 @!p1 $0x380, s20;
	s17 =	sand.u32 @!p1 $0x4000, s17  }
0x38: {  	s19 =	sadd.s32 @!p1 s19, s21;
	s21 =	sand.u32 @!p1 $0x7C00, s21;
	s18 =	sor.u32 @!p1 s20, s18  }
0x39: {  	s20 =	sshll.u32 @!p1 s12, $0x12;
	s18 =	sor.u32 @!p1 s21, s18;
	s19 =	sshrl.u32 @!p1 s19, $0x3  }
0x3a: {  	s20 =	sadd.s32 @!p1 s3, s20;
	s21 =	sand.u32 @!p1 $0x7, s10;
	s19 =	sand.u32 @!p1 $0x3F000, s19  }
0x3b: {  	s18 =	sshrl.u32 @!p1 s18, $0x3;
	s19 =	sadd.s32 @!p1 s19, s20;
	s20 =	sshll.u32 @!p1 s21, $0x12  }
0x3c: {  	s18 =	sadd.s32 @!p1 s18, s19;
	s19 =	sor.u32 @!p1 $0x800, s20;
	s20 =	simm.s32 @!p1 $0x40000  }
0x3d: {  	[tilespmem:s17], [sflag:$0x1] =	stream.strided.gather @!p1 [hbm4b:s18+s19], $0x4000, s20, s19, $0x38;
	[tilespmem:$0x10200] =	vst v63  }
0x3e: {  	p1 =	sge.u32 s31, s7  }
.Ltmp2:
0x3f: {  	_ = 	snop;
	(pc) =	sbr.rel @p1 .LBB1_5-.Ltmp2, $1  }
0x40: {  	_ =	sdelay $0x3  }
0x41: {  	s20 =	simm.s32 $0x0  }
0x42: {  	s19 =	sand.u32 $0x3800, s20;
	s21 =	sand.u32 $0x380, s20  }
0x43: {  	s17 =	sand.u32 $0x1, s13;
	s19 =	sor.u32 s21, s19  }
0x44: {  	_ =	swait.ge [sflag:s6], $0x4000;
	s18 =	sshll.u32 s17, $0xE;
	s21 =	sand.u32 $0x3B00, s19  }
0x45: {  	[sflag:s6] =	ssyncset.done $0x0;
	s20 =	sand.u32 $0x80, s20;
	s21 =	sadd.s32 s21, s18  }
0x46: {  	[sflag:s6] =	ssyncadd.s32 $0xFFFFC000;
	s23 =	sadd.s32 s20, s21  }
0x47: {  	v4 =	vld [tilespmem:s23+$0x400]  }
0x48: {  	s22 =	simm.s32 $0x1;
	v5 =	vld [tilespmem:s23+$0x0]  }
0x49: {  	s22 =	simm.s32 @!p0 $0x0;
	v6 =	vld [tilespmem:s23+$0x10]  }
0x4a: {  	v0 =	vmov s18;
	s31 =	smul.u32 $0x10400, s22;
	v7 =	vld [tilespmem:s23+$0x20]  }
0x4b: {  	v9 =	vld [tilespmem:s23+$0x30]  }
0x4c: {  	s20 =	sshrl.u32 s31, $0x2;
	v10 =	vld [tilespmem:s23+$0x40]  }
0x4d: {  	s20 =	sor.u32 $0x8000, s20;
	v11 =	vld [tilespmem:s23+$0x50]  }
0x4e: {  	v8 =	vld [tilespmem:s23+$0x60];
	s21 =	sadd.s32 $0x0, s20  }
0x4f: {  	v1 =	vld.idx.msk [tilespmem:v0+s19+$0x410 ss:$0x1], $0xffff;
	[tilespmem:s21+$0x2080 ss:$0x41] =	vst.msk $0xffff, v4  }
0x50: {  	v2 =	vld.idx.msk [tilespmem:v0+s19+$0x420 ss:$0x1], $0xffff;
	[tilespmem:s21+$0x0 ss:$0x41] =	vst.msk $0xffff, v5  }
0x51: {  	v3 =	vld.idx.msk [tilespmem:v0+s19+$0x430 ss:$0x1], $0xffff;
	[tilespmem:s21+$0x410 ss:$0x41] =	vst.msk $0xffff, v6  }
0x52: {  	s17 =	smul.u32 $0x10400, s17;
	[tilespmem:s21+$0x820 ss:$0x41] =	vst.msk $0xffff, v7;
	v7 =	vld [tilespmem:s23+$0x70]  }
0x53: {  	s24 =	simm.s32 $0x100;
	s25 =	simm.s32 $0x8;
	[tilespmem:s21+$0xC30 ss:$0x41] =	vst.msk $0xffff, v9;
	v4 =	vld.idx.msk [tilespmem:v0+s19+$0x440 ss:$0x1], $0xffff  }
0x54: {  	s26 =	sand.u32 $0x3800, s24;
	s17 =	sshrl.u32 s17, $0x2;
	[tilespmem:s21+$0x1040 ss:$0x41] =	vst.msk $0xffff, v10;
	v5 =	vld.idx.msk [tilespmem:v0+s19+$0x450 ss:$0x1], $0xffff;
	s23 =	simm.s32 $0x80  }
0x55: {  	s22 =	simm.s32 $0x4;
	s17 =	sor.u32 $0x8000, s17;
	[tilespmem:s21+$0x1450 ss:$0x41] =	vst.msk $0xffff, v11;
	v6 =	vld.idx.msk [tilespmem:v0+s19+$0x460 ss:$0x1], $0xffff;
	s27 =	sand.u32 $0x380, s23  }
.LBB1_3:
0x56: {  	p1 =	sne.s32 s25, $0xFC;
	[tilespmem:s21+$0x1860 ss:$0x41] =	vst.msk $0xffff, v8;
	v8 =	vld.idx.msk [tilespmem:v0+s19+$0x470 ss:$0x1], $0xffff;
	s19 =	sor.u32 s27, s26  }
0x57: {  	s26 =	sand.u32 $0x3B00, s19;
	v9 =	vld.idx.msk [tilespmem:v0+s19+$0x410 ss:$0x1], $0xffff;
	[tilespmem:s21+$0x1C70 ss:$0x41] =	vst.msk $0xffff, v7  }
0x58: {  	s27 =	sand.u32 $0x80, s23;
	s26 =	sadd.s32 s26, s18;
	v7 =	vld.idx.msk [tilespmem:v0+s19+$0x420 ss:$0x1], $0xffff;
	[tilespmem:s21+$0x2490 ss:$0x41] =	vst.msk $0xffff, v1  }
0x59: {  	s26 =	sadd.s32 s27, s26;
	v10 =	vld.idx.msk [tilespmem:v0+s19+$0x430 ss:$0x1], $0xffff;
	[tilespmem:s21+$0x28A0 ss:$0x41] =	vst.msk $0xffff, v2  }
0x5a: {  	v11 =	vld [tilespmem:s26+$0x400];
	[tilespmem:s21+$0x2CB0 ss:$0x41] =	vst.msk $0xffff, v3  }
0x5b: {  	v12 =	vld [tilespmem:s26+$0x0];
	[tilespmem:s21+$0x30C0 ss:$0x41] =	vst.msk $0xffff, v4  }
0x5c: {  	v4 =	vld [tilespmem:s26+$0x10];
	[tilespmem:s21+$0x34D0 ss:$0x41] =	vst.msk $0xffff, v5  }
0x5d: {  	s27 =	sshra.s32 s22, $0x2;
	s22 =	smov.u32 s25;
	v1 =	vmov v9;
	v5 =	vld [tilespmem:s26+$0x20];
	[tilespmem:s21+$0x38E0 ss:$0x41] =	vst.msk $0xffff, v6  }
0x5e: {  	v2 =	vmov v7;
	v6 =	vld [tilespmem:s26+$0x30];
	[tilespmem:s21+$0x3CF0 ss:$0x41] =	vst.msk $0xffff, v8;
	s21 =	sadd.s32 s27, s20  }
0x5f: {  	v3 =	vmov v10;
	v9 =	vld [tilespmem:s26+$0x40];
	[tilespmem:s21+$0x2080 ss:$0x41] =	vst.msk $0xffff, v11  }
0x60: {  	[tilespmem:s21+$0x0 ss:$0x41] =	vst.msk $0xffff, v12;
	v10 =	vld [tilespmem:s26+$0x50]  }
.Ltmp3:
0x61: {  	[tilespmem:s21+$0x410 ss:$0x41] =	vst.msk $0xffff, v4;
	v8 =	vld [tilespmem:s26+$0x60];
	(pc) =	sbr.rel @p1 .LBB1_3-.Ltmp3, $4  }
0x62: {  	[tilespmem:s21+$0x820 ss:$0x41] =	vst.msk $0xffff, v5;
	v7 =	vld [tilespmem:s26+$0x70]  }
0x63: {  	[tilespmem:s21+$0xC30 ss:$0x41] =	vst.msk $0xffff, v6;
	v4 =	vld.idx.msk [tilespmem:v0+s19+$0x440 ss:$0x1], $0xffff  }
0x64: {  	s23 =	sadd.s32 $0x80, s23;
	s24 =	sadd.s32 $0x100, s24;
	[tilespmem:s21+$0x1040 ss:$0x41] =	vst.msk $0xffff, v9;
	v5 =	vld.idx.msk [tilespmem:v0+s19+$0x450 ss:$0x1], $0xffff  }
0x65: {  	s25 =	sadd.s32 $0x4, s25;
	s27 =	sand.u32 $0x380, s23;
	s26 =	sand.u32 $0x3800, s24;
	[tilespmem:s21+$0x1450 ss:$0x41] =	vst.msk $0xffff, v10;
	v6 =	vld.idx.msk [tilespmem:v0+s19+$0x460 ss:$0x1], $0xffff  }
.Ltmp4:
0x66: {  	_ = 	snop;
	(pc) =	sbr.rel .LBB1_4-.Ltmp4, $1  }
0x67: {  	_ =	sdelay $0x3  }
.LBB1_6:
0x68: {  	_ =	sfence.sel $0x180000  }
0x69: {  	s2 =	simm.s32 $0x1;
	[bflag:$0x0] =	sbarrier.arrive $0xFFFF  }
0x6a: {  	s31 =	simm.s32 $0x2;
	[sflag:s2] =	ssyncpa.u1 $0x1  }
0x6b: {  	[sflag:s31] =	ssyncpa.u1 $0x1  }
0x6c: {  	p0 =	sne.s32 s0, $0x0;
	_ =	strace $0x90000053  }
0x6d: {  	s0 =	sadd.s32 @!p0 $0x100000, s1;
	[bflag:$0x2] =	sbarrier.arrive $0xFFFF  }
0x6e: {  	[sflag:s0] =	ssyncadd.tile.s32 @!p0 $0x1;
	_ =	shalt  }
.Lfunc_end1:
_tile_overlayer_lowered:
.L_overlay_start_2:
0x6f: {  	(tag) =	ssettag $0x2  }
0x70: {  	s0 =	rddreg [dreg:$0x0];
	s2 =	stileid.u32  }
0x71: {  	s1 =	rddreg [dreg:$0x1];
	p0 =	sne.s32 s2, $0x0  }
0x72: {  	s3 =	rddreg [dreg:$0x2];
	[bflag:$0x3] =	sbarrier.arrive $0xFFFF;
	s2 =	simm.s32 @!p0 $0x1C01  }
0x73: {  	[timem:s3], [sflag:s2] =	dma.local @!p0 [hbm:s0], s1  }
0x74: {  	s0 =	simm.s32 @!p0 $0x1  }
0x75: {  	_ =	swait.ge @!p0 [sflag:s0], s1  }
0x76: {  	s1 =	ssub.s32 @!p0 $0x0, s1;
	[sflag:s0] =	ssyncset.done @!p0 $0x0  }
0x77: {  	[sflag:s0] =	ssyncadd.s32 @!p0 s1  }
0x78: {  	[bflag:$0x3] =	sbarrier.arrive $0xFFFF  }
0x79: {  	_ =	shalt  }

</sc_bundles>
